<compile_context>
chip_gen: v7x
topology: tpu7x:2x2x1
jax: 0.10.2.dev20260603
libtpu: 0.0.44.dev20260713+nightly
codegen_flags: <defaults>
</compile_context>

<pallas_src>
import jax
import jax.numpy as jnp
from jax import lax
from jax.experimental import pallas as pl
from jax.experimental.pallas import tpu as pltpu
from jax.experimental.pallas import tpu_sc as plsc

N = 10000
G = 10000
E = 320000
H = 128

NC = 2
NS = 16
NW = NC * NS

CKS = 160
W_OUT = 10
G_W = G // W_OUT

_f32 = jnp.float32


def _node_body(x_ref, w1_ref, b1_ref, f_ref, c0_ref, out_ref):
    h = jax.nn.silu(jnp.dot(x_ref[...], w1_ref[...],
                            preferred_element_type=_f32) + b1_ref[...])
    out_ref[...] = jnp.dot(h, f_ref[...], preferred_element_type=_f32) + c0_ref[...]


def _node_stage(x, w1, b1, f, c0):
    bn = 1000
    return pl.pallas_call(
        _node_body,
        grid=(N // bn,),
        in_specs=[
            pl.BlockSpec((bn, H), lambda i: (i, 0)),
            pl.BlockSpec((H, H), lambda i: (0, 0)),
            pl.BlockSpec((1, H), lambda i: (0, 0)),
            pl.BlockSpec((H, H), lambda i: (0, 0)),
            pl.BlockSpec((1, H), lambda i: (0, 0)),
        ],
        out_specs=pl.BlockSpec((bn, H), lambda i: (i, 0)),
        out_shape=jax.ShapeDtypeStruct((N, H), _f32),
    )(x, w1, b1, f, c0)


CK = 128
EH = E
T_CH = EH // CK
M_P = (T_CH + 2 * NW - 1) // (2 * NW)


def _gather_body(c_hbm, px_hbm, py_hbm, pz_hbm, gx_hbm, gy_hbm, gz_hbm,
                 src_hbm, tgt_hbm,
                 outc_hbm, outp_hbm,
                 pxr, pyr, pzr, gxr, gyr, gzr,
                 idx_s0, idx_t0, crows0, pbuf0,
                 idx_s1, idx_t1, crows1, pbuf1,
                 semi0, semg0, semw0, semi1, semg1, semw1):
    wid = lax.axis_index("s") * NC + lax.axis_index("c")

    pltpu.sync_copy(px_hbm, pxr)
    pltpu.sync_copy(py_hbm, pyr)
    pltpu.sync_copy(pz_hbm, pzr)
    pltpu.sync_copy(gx_hbm, gxr)
    pltpu.sync_copy(gy_hbm, gyr)
    pltpu.sync_copy(gz_hbm, gzr)

    slots = ((idx_s0, idx_t0, crows0, pbuf0, semi0, semg0, semw0),
             (idx_s1, idx_t1, crows1, pbuf1, semi1, semg1, semw1))

    def launch_idx(slot, t):
        idx_s, idx_t = slot[0], slot[1]
        sem = slot[4]
        base = pl.multiple_of(t * CK, 8)
        pltpu.async_copy(src_hbm.at[pl.ds(base, CK)], idx_s, sem)
        pltpu.async_copy(tgt_hbm.at[pl.ds(base, CK)], idx_t, sem)

    def process(slot, t, m, k):
        idx_s, idx_t, crows, pbuf, semi, semg, semw = slot

        @pl.when(t < T_CH)
        def _():
            base = pl.multiple_of(t * CK, 8)
            pltpu.make_async_copy(src_hbm.at[pl.ds(0, CK)], idx_s, semi).wait()
            pltpu.make_async_copy(tgt_hbm.at[pl.ds(0, CK)], idx_t, semi).wait()

            @pl.when(m > 0)
            def _():
                pltpu.make_async_copy(
                    crows, outc_hbm.at[pl.ds(0, CK)], semw).wait()
                pltpu.make_async_copy(
                    pbuf, outp_hbm.at[:, pl.ds(0, CK)], semw).wait()

            pltpu.async_copy(c_hbm.at[idx_s], crows, semg)

            @pl.loop(0, CK // 16)
            def _(g):
                iv_s = idx_s[pl.ds(g * 16, 16)]
                iv_t = idx_t[pl.ds(g * 16, 16)]
                pbuf[0, pl.ds(g * 16, 16)] = plsc.load_gather(pxr, [iv_s])
                pbuf[1, pl.ds(g * 16, 16)] = plsc.load_gather(pyr, [iv_s])
                pbuf[2, pl.ds(g * 16, 16)] = plsc.load_gather(pzr, [iv_s])
                pbuf[3, pl.ds(g * 16, 16)] = plsc.load_gather(gxr, [iv_t])
                pbuf[4, pl.ds(g * 16, 16)] = plsc.load_gather(gyr, [iv_t])
                pbuf[5, pl.ds(g * 16, 16)] = plsc.load_gather(gzr, [iv_t])

            pltpu.make_async_copy(c_hbm.at[pl.ds(0, CK)], crows, semg).wait()
            pltpu.async_copy(crows, outc_hbm.at[pl.ds(base, CK)], semw)
            pltpu.async_copy(pbuf, outp_hbm.at[:, pl.ds(base, CK)], semw)

            tn = t + 2 * NW

            @pl.when(tn < T_CH)
            def _():
                launch_idx(slot, tn)

    launch_idx(slots[0], wid)
    launch_idx(slots[1], wid + NW)

    @pl.loop(0, M_P)
    def _(m):
        process(slots[0], wid + 2 * NW * m, m, 0)
        process(slots[1], wid + NW + 2 * NW * m, m, 1)

    for slot in slots:
        crows, pbuf, semw = slot[2], slot[3], slot[6]
        pltpu.make_async_copy(crows, outc_hbm.at[pl.ds(0, CK)], semw).wait()
        pltpu.make_async_copy(pbuf, outp_hbm.at[:, pl.ds(0, CK)], semw).wait()


def _gather_stage(c, px, py, pz, gx, gy, gz, src, tgt):
    mesh = plsc.VectorSubcoreMesh(core_axis_name="c", subcore_axis_name="s",
                                  num_cores=NC, num_subcores=NS)
    return pl.kernel(
        _gather_body,
        out_type=[
            jax.ShapeDtypeStruct((EH, H), _f32),
            jax.ShapeDtypeStruct((6, EH), _f32),
        ],
        mesh=mesh,
        scratch_types=[
            pltpu.VMEM((N,), _f32),
            pltpu.VMEM((N,), _f32),
            pltpu.VMEM((N,), _f32),
            pltpu.VMEM((G,), _f32),
            pltpu.VMEM((G,), _f32),
            pltpu.VMEM((G,), _f32),
            pltpu.VMEM((CK,), jnp.int32),
            pltpu.VMEM((CK,), jnp.int32),
            pltpu.VMEM((CK, H), _f32),
            pltpu.VMEM((6, CK), _f32),
            pltpu.VMEM((CK,), jnp.int32),
            pltpu.VMEM((CK,), jnp.int32),
            pltpu.VMEM((CK, H), _f32),
            pltpu.VMEM((6, CK), _f32),
            pltpu.SemaphoreType.DMA,
            pltpu.SemaphoreType.DMA,
            pltpu.SemaphoreType.DMA,
            pltpu.SemaphoreType.DMA,
            pltpu.SemaphoreType.DMA,
            pltpu.SemaphoreType.DMA,
        ],
        compiler_params=pltpu.CompilerParams(needs_layout_passes=False, skip_device_barrier=True),
    )(c, px, py, pz, gx, gy, gz, src, tgt)


def _edge_body(cg_ref, p_ref, wp_ref, b1_ref, w_ref, bf_ref, out_ref):
    tp = lax.dot_general(p_ref[...], wp_ref[...], (((0,), (0,)), ((), ())),
                         preferred_element_type=_f32)
    t = jax.nn.silu(tp + b1_ref[...])
    h1 = jnp.dot(t, w_ref[...], preferred_element_type=_f32) + cg_ref[...] + bf_ref[...]
    out_ref[...] = jax.nn.silu(h1)


def _edge_stage(cg, posT, wp, b1, w, bf):
    be = 2560
    return pl.pallas_call(
        _edge_body,
        grid=(EH // be,),
        in_specs=[
            pl.BlockSpec((be, H), lambda i: (i, 0)),
            pl.BlockSpec((6, be), lambda i: (0, i)),
            pl.BlockSpec((6, H), lambda i: (0, 0)),
            pl.BlockSpec((1, H), lambda i: (0, 0)),
            pl.BlockSpec((H, H), lambda i: (0, 0)),
            pl.BlockSpec((1, H), lambda i: (0, 0)),
        ],
        out_specs=pl.BlockSpec((be, H), lambda i: (i, 0)),
        out_shape=jax.ShapeDtypeStruct((EH, H), _f32),
    )(cg, posT, wp, b1, w, bf)


T_S = EH // CKS
M_PS = (T_S + 2 * NW - 1) // (2 * NW)


def _scatter_body(sh_hbm, tgt_hbm, outsum_hbm, outcnt_hbm,
                  accum, cnta,
                  idx0, msg0, idx1, msg1, ones, zb, sem0, sem1):
    cid = lax.axis_index("c")
    sid = lax.axis_index("s")
    wid = sid * NC + cid

    zv = jnp.zeros((16,), _f32)

    @pl.loop(0, CKS)
    def _(i):
        for c8 in range(H // 16):
            msg0[i, pl.ds(c8 * 16, 16)] = zv

    @pl.loop(0, CKS // 16)
    def _(i):
        ones[pl.ds(i * 16, 16)] = jnp.full((16,), 1.0, _f32)
        zb[pl.ds(i * 16, 16)] = zv

    @pl.when(sid < W_OUT)
    def _():
        row = pl.multiple_of(sid * G_W, 8)
        for i in range((G_W + CKS - 1) // CKS):
            sz = min(G_W - i * CKS, CKS)
            pltpu.sync_copy(msg0.at[pl.ds(0, sz)],
                            accum.at[pl.ds(row + i * CKS, sz)])
            pltpu.sync_copy(zb.at[pl.ds(0, sz)],
                            cnta.at[pl.ds(row + i * CKS, sz)])

    plsc.subcore_barrier()

    slots = ((idx0, msg0, sem0), (idx1, msg1, sem1))

    def launch(slot, t):
        idx, msg, sem = slot
        base = pl.multiple_of(t * CKS, 8)
        pltpu.async_copy(tgt_hbm.at[pl.ds(base, CKS)], idx, sem)
        pltpu.async_copy(sh_hbm.at[pl.ds(base, CKS)], msg, sem)

    def process(slot, t):
        idx, msg, sem = slot

        @pl.when(t < T_S)
        def _():
            pltpu.make_async_copy(tgt_hbm.at[pl.ds(0, CKS)], idx, sem).wait()
            pltpu.make_async_copy(sh_hbm.at[pl.ds(0, CKS)], msg, sem).wait()
            pltpu.sync_copy(msg, accum.at[idx], add=True)
            pltpu.sync_copy(ones, cnta.at[idx], add=True)

            tn = t + 2 * NW

            @pl.when(tn < T_S)
            def _():
                launch(slot, tn)

    launch(slots[0], wid)
    launch(slots[1], wid + NW)

    @pl.loop(0, M_PS)
    def _(m):
        process(slots[0], wid + 2 * NW * m)
        process(slots[1], wid + NW + 2 * NW * m)

    plsc.subcore_barrier()

    @pl.when(sid < W_OUT)
    def _():
        row = pl.multiple_of(sid * G_W, 8)
        for i in range((G_W + CKS - 1) // CKS):
            sz = min(G_W - i * CKS, CKS)
            pltpu.sync_copy(accum.at[pl.ds(row + i * CKS, sz)],
                            msg0.at[pl.ds(0, sz)])
            pltpu.sync_copy(
                msg0.at[pl.ds(0, sz)],
                outsum_hbm.at[pl.ds(cid * G + row + i * CKS, sz)])
            pltpu.sync_copy(cnta.at[pl.ds(row + i * CKS, sz)],
                            zb.at[pl.ds(0, sz)])
            pltpu.sync_copy(zb.at[pl.ds(0, sz)],
                            outcnt_hbm.at[pl.ds(cid * G + row + i * CKS, sz)])


def _scatter_stage(sh, tgt):
    mesh = plsc.VectorSubcoreMesh(core_axis_name="c", subcore_axis_name="s",
                                  num_cores=NC, num_subcores=NS)
    return pl.kernel(
        _scatter_body,
        out_type=[
            jax.ShapeDtypeStruct((NC * G, H), _f32),
            jax.ShapeDtypeStruct((NC * G,), _f32),
        ],
        mesh=mesh,
        scratch_types=[
            pltpu.VMEM_SHARED((G, H), _f32),
            pltpu.VMEM_SHARED((G,), _f32),
            pltpu.VMEM((CKS,), jnp.int32),
            pltpu.VMEM((CKS, H), _f32),
            pltpu.VMEM((CKS,), jnp.int32),
            pltpu.VMEM((CKS, H), _f32),
            pltpu.VMEM((CKS,), _f32),
            pltpu.VMEM((CKS,), _f32),
            pltpu.SemaphoreType.DMA,
            pltpu.SemaphoreType.DMA,
        ],
        compiler_params=pltpu.CompilerParams(skip_device_barrier=True),
    )(sh, tgt)


def _final_body(s0_ref, s1_ref, c0_ref, c1_ref, mw2_ref, mb2_ref,
                uw1_ref, ub1_ref, uw2_ref, ub2_ref, out_ref):
    s = s0_ref[...] + s1_ref[...]
    cnt = c0_ref[...] + c1_ref[...]
    num = jnp.dot(s, mw2_ref[...], preferred_element_type=_f32) + cnt * mb2_ref[...]
    gf = num / jnp.maximum(cnt, 1.0)
    h = jax.nn.silu(jnp.dot(gf, uw1_ref[...], preferred_element_type=_f32)
                    + ub1_ref[...])
    out_ref[...] = jnp.dot(h, uw2_ref[...], preferred_element_type=_f32) + ub2_ref[...]


def _final_stage(s0, s1, c0, c1, mw2, mb2, uw1, ub1, uw2, ub2):
    bg = 1000
    return pl.pallas_call(
        _final_body,
        grid=(G // bg,),
        in_specs=[
            pl.BlockSpec((bg, H), lambda i: (i, 0)),
            pl.BlockSpec((bg, H), lambda i: (i, 0)),
            pl.BlockSpec((bg, 1), lambda i: (i, 0)),
            pl.BlockSpec((bg, 1), lambda i: (i, 0)),
            pl.BlockSpec((H, H), lambda i: (0, 0)),
            pl.BlockSpec((1, H), lambda i: (0, 0)),
            pl.BlockSpec((H, H), lambda i: (0, 0)),
            pl.BlockSpec((1, H), lambda i: (0, 0)),
            pl.BlockSpec((H, H), lambda i: (0, 0)),
            pl.BlockSpec((1, H), lambda i: (0, 0)),
        ],
        out_specs=pl.BlockSpec((bg, H), lambda i: (i, 0)),
        out_shape=jax.ShapeDtypeStruct((G, H), _f32),
    )(s0, s1, c0, c1, mw2, mb2, uw1, ub1, uw2, ub2)


def kernel(node_features, node_pos, grid_pos, edge_index,
           n_w1, n_b1, n_w2, n_b2,
           e_w1, e_b1, e_w2, e_b2,
           m_w1, m_b1, m_w2, m_b2,
           u_w1, u_b1, u_w2, u_b2):
    src = edge_index[0].astype(jnp.int32)
    tgt = edge_index[1].astype(jnp.int32)

    m_w1_top = m_w1[:H]
    m_w1_bot = m_w1[H:]
    f = n_w2 @ m_w1_top
    c0 = (n_b2 @ m_w1_top).reshape(1, H)
    w = e_w2 @ m_w1_bot
    bf = (e_b2 @ m_w1_bot + m_b1).reshape(1, H)
    wp = e_w1

    npt = node_pos.T
    gpt = grid_pos.T

    c = _node_stage(node_features, n_w1, n_b1.reshape(1, H), f, c0)

    cg, posT = _gather_stage(c, npt[0], npt[1], npt[2],
                             gpt[0], gpt[1], gpt[2], src, tgt)
    sh = _edge_stage(cg, posT, wp, e_b1.reshape(1, H), w, bf)
    sums, cnts = _scatter_stage(sh, tgt)
    cnt2d = cnts.reshape(NC * G, 1)
    out = _final_stage(sums[:G], sums[G:], cnt2d[:G], cnt2d[G:],
                       m_w2, m_b2.reshape(1, H),
                       u_w1, u_b1.reshape(1, H), u_w2, u_b2.reshape(1, H))
    return out

# --- scband reference (transcript-rebuilt; emitter-appended) ---
"""Pipeline reference for scband-gridification-layer-8864812499080 (READ-ONLY COPY).

The authoritative reference and input builder live on the scoring server;
editing this copy changes nothing except your own understanding.
"""

import jax, jax.numpy as jnp
import numpy as np

N = 10000
G = 10000
E = 320000
F_IN = 128
H = 128


def _mlp(x, w1, b1, w2, b2):
    h = x @ w1 + b1
    h = jax.nn.silu(h)
    return h @ w2 + b2


def setup_inputs(seed: int = 0) -> dict:
    key = jax.random.key(seed)
    ks = [jax.random.fold_in(key, i) for i in range(32)]
    inp = {
        'node_features': jax.random.normal(ks[0], (N, F_IN), dtype=jnp.float32),
        'node_pos': jax.random.normal(ks[1], (N, 3), dtype=jnp.float32),
        'grid_pos': jax.random.normal(ks[2], (G, 3), dtype=jnp.float32),
        'edge_index': jax.random.randint(ks[3], (2, E), 0, G, dtype=jnp.int64 if jax.config.jax_enable_x64 else jnp.int32),
    }
    def lin(k, fan_in, fan_out):
        bound = 1.0 / np.sqrt(fan_in)
        kw, kb = jax.random.fold_in(k, 0), jax.random.fold_in(k, 1)
        w = jax.random.uniform(kw, (fan_in, fan_out), minval=-bound, maxval=bound, dtype=jnp.float32)
        b = jax.random.uniform(kb, (fan_out,), minval=-bound, maxval=bound, dtype=jnp.float32)
        return w, b
    inp['n_w1'], inp['n_b1'] = lin(ks[4], F_IN, H)
    inp['n_w2'], inp['n_b2'] = lin(ks[5], H, H)
    inp['e_w1'], inp['e_b1'] = lin(ks[6], 6, H)
    inp['e_w2'], inp['e_b2'] = lin(ks[7], H, H)
    inp['m_w1'], inp['m_b1'] = lin(ks[8], 2 * H, H)
    inp['m_w2'], inp['m_b2'] = lin(ks[9], H, H)
    inp['u_w1'], inp['u_b1'] = lin(ks[10], H, H)
    inp['u_w2'], inp['u_b2'] = lin(ks[11], H, H)
    return inp


def reference(node_features, node_pos, grid_pos, edge_index,
              n_w1, n_b1, n_w2, n_b2,
              e_w1, e_b1, e_w2, e_b2,
              m_w1, m_b1, m_w2, m_b2,
              u_w1, u_b1, u_w2, u_b2):
    src = edge_index[0]
    tgt = edge_index[1]
    # node model
    nf = _mlp(node_features, n_w1, n_b1, n_w2, n_b2)
    # message: edge attrs from positions
    pos_source = jnp.take(node_pos, src, axis=0)
    pos_target = jnp.take(grid_pos, tgt, axis=0)
    edge_attr = jnp.concatenate([pos_source, pos_target], axis=-1)
    edge_features = _mlp(edge_attr, e_w1, e_b1, e_w2, e_b2)
    nf_source = jnp.take(nf, src, axis=0)
    message_input = jnp.concatenate([nf_source, edge_features], axis=-1)
    messages = _mlp(message_input, m_w1, m_b1, m_w2, m_b2)
    # update: mean aggregation via scatter-add + bincount
    num_messages = jnp.bincount(tgt, length=G)
    num_messages = jnp.clip(num_messages, 1, None)[:, None].astype(messages.dtype)
    grid_features = jax.ops.segment_sum(messages, tgt, num_segments=G)
    grid_features = grid_features / num_messages
    grid_features = _mlp(grid_features, u_w1, u_b1, u_w2, u_b2)
    return grid_features

if __name__ == "__main__":
    import jax
    _d = setup_inputs()
    print(jax.jit(kernel)(*tuple(_d.values())))

</pallas_src>

<mosaic_0001>
#map = affine_map<(d0, d1) -> (0, 0)>
#map1 = affine_map<(d0, d1) -> (0)>
module attributes {stable_mosaic.version = 14 : i64} {
  func.func @_scatter_body(%arg0: i32, %arg1: i32, %arg2: memref<320000x128xf32, #tpu.memory_space<hbm>>, %arg3: memref<320000xi32, #tpu.memory_space<hbm>>, %arg4: memref<20000x128xf32, #tpu.memory_space<hbm>>, %arg5: memref<20000xf32, #tpu.memory_space<hbm>>, %arg6: memref<10000x128xf32, #tpu.memory_space<vmem_shared>>, %arg7: memref<10000xf32, #tpu.memory_space<vmem_shared>>, %arg8: memref<160xi32, #tpu.memory_space<vmem>>, %arg9: memref<160x128xf32, #tpu.memory_space<vmem>>, %arg10: memref<160xi32, #tpu.memory_space<vmem>>, %arg11: memref<160x128xf32, #tpu.memory_space<vmem>>, %arg12: memref<160xf32, #tpu.memory_space<vmem>>, %arg13: memref<160xf32, #tpu.memory_space<vmem>>, %arg14: memref<!tpu.dma_semaphore, #tpu.memory_space<semaphore_mem>>, %arg15: memref<!tpu.dma_semaphore, #tpu.memory_space<semaphore_mem>>) attributes {dimension_semantics = [#tpu.dimension_semantics<core_parallel>, #tpu.dimension_semantics<subcore_parallel>], iteration_bounds = array<i64: 2, 16>, scalar_prefetch = 0 : i64, scratch_operands = 10 : i64, tpu.core_type = #tpu.core_type<sc_vector_subcore>, window_params = [{transform_indices = #map}, {transform_indices = #map1}, {transform_indices = #map}, {transform_indices = #map1}]} {
    %mul3A = arith.constant 2 : i32
    %mul3A_0 = arith.muli %arg1, %mul3A : i32
    %add3A = arith.addi %mul3A_0, %arg0 : i32
    %broadcast_in_dim3A = arith.constant 0.000000e+00 : f32
    %broadcast_in_dim3A_1 = vector.broadcast %broadcast_in_dim3A : f32 to vector<16xf32>
    %scan3A = arith.constant 0 : i32
    %scan3A_2 = arith.constant 160 : i32
    %scan3A_3 = arith.addi %scan3A, %scan3A_2 : i32
    %scan3A_4 = arith.constant 1 : i32
    scf.for %scan3A_42 = %scan3A to %scan3A_3 step %scan3A_4  : i32 {
      %mul3A_43 = arith.constant 1 : i32
      %mul3A_44 = arith.muli %scan3A_42, %mul3A_43 : i32
      %add3A_45 = arith.constant 0 : i32
      %add3A_46 = arith.addi %add3A_45, %mul3A_44 : i32
      %swap3A = arith.index_cast %add3A_46 : i32 to index
      %swap3A_47 = arith.constant 0 : index
      %swap3A_48 = tpu.vector_load %arg9[%swap3A, %swap3A_47] {strides = array<i32>} : memref<160x128xf32, #tpu.memory_space<vmem>>, vector<1x16xf32>,
      %swap3A_49 = vector.shape_cast %swap3A_48 : vector<1x16xf32> to vector<16xf32>
      %swap3A_50 = vector.shape_cast %broadcast_in_dim3A_1 : vector<16xf32> to vector<1x16xf32>
      tpu.vector_store %arg9[%swap3A, %swap3A_47], %swap3A_50 {strides = array<i32>} : memref<160x128xf32, #tpu.memory_space<vmem>>, vector<1x16xf32>,
      %swap3A_51 = arith.index_cast %add3A_46 : i32 to index
      %swap3A_52 = arith.constant 16 : index
      %swap3A_53 = tpu.vector_load %arg9[%swap3A_51, %swap3A_52] {strides = array<i32>} : memref<160x128xf32, #tpu.memory_space<vmem>>, vector<1x16xf32>,
      %swap3A_54 = vector.shape_cast %swap3A_53 : vector<1x16xf32> to vector<16xf32>
      %swap3A_55 = vector.shape_cast %broadcast_in_dim3A_1 : vector<16xf32> to vector<1x16xf32>
      tpu.vector_store %arg9[%swap3A_51, %swap3A_52], %swap3A_55 {strides = array<i32>} : memref<160x128xf32, #tpu.memory_space<vmem>>, vector<1x16xf32>,
      %swap3A_56 = arith.index_cast %add3A_46 : i32 to index
      %swap3A_57 = arith.constant 32 : index
      %swap3A_58 = tpu.vector_load %arg9[%swap3A_56, %swap3A_57] {strides = array<i32>} : memref<160x128xf32, #tpu.memory_space<vmem>>, vector<1x16xf32>,
      %swap3A_59 = vector.shape_cast %swap3A_58 : vector<1x16xf32> to vector<16xf32>
      %swap3A_60 = vector.shape_cast %broadcast_in_dim3A_1 : vector<16xf32> to vector<1x16xf32>
      tpu.vector_store %arg9[%swap3A_56, %swap3A_57], %swap3A_60 {strides = array<i32>} : memref<160x128xf32, #tpu.memory_space<vmem>>, vector<1x16xf32>,
      %swap3A_61 = arith.index_cast %add3A_46 : i32 to index
      %swap3A_62 = arith.constant 48 : index
      %swap3A_63 = tpu.vector_load %arg9[%swap3A_61, %swap3A_62] {strides = array<i32>} : memref<160x128xf32, #tpu.memory_space<vmem>>, vector<1x16xf32>,
      %swap3A_64 = vector.shape_cast %swap3A_63 : vector<1x16xf32> to vector<16xf32>
      %swap3A_65 = vector.shape_cast %broadcast_in_dim3A_1 : vector<16xf32> to vector<1x16xf32>
      tpu.vector_store %arg9[%swap3A_61, %swap3A_62], %swap3A_65 {strides = array<i32>} : memref<160x128xf32, #tpu.memory_space<vmem>>, vector<1x16xf32>,
      %swap3A_66 = arith.index_cast %add3A_46 : i32 to index
      %swap3A_67 = arith.constant 64 : index
      %swap3A_68 = tpu.vector_load %arg9[%swap3A_66, %swap3A_67] {strides = array<i32>} : memref<160x128xf32, #tpu.memory_space<vmem>>, vector<1x16xf32>,
      %swap3A_69 = vector.shape_cast %swap3A_68 : vector<1x16xf32> to vector<16xf32>
      %swap3A_70 = vector.shape_cast %broadcast_in_dim3A_1 : vector<16xf32> to vector<1x16xf32>
      tpu.vector_store %arg9[%swap3A_66, %swap3A_67], %swap3A_70 {strides = array<i32>} : memref<160x128xf32, #tpu.memory_space<vmem>>, vector<1x16xf32>,
      %swap3A_71 = arith.index_cast %add3A_46 : i32 to index
      %swap3A_72 = arith.constant 80 : index
      %swap3A_73 = tpu.vector_load %arg9[%swap3A_71, %swap3A_72] {strides = array<i32>} : memref<160x128xf32, #tpu.memory_space<vmem>>, vector<1x16xf32>,
      %swap3A_74 = vector.shape_cast %swap3A_73 : vector<1x16xf32> to vector<16xf32>
      %swap3A_75 = vector.shape_cast %broadcast_in_dim3A_1 : vector<16xf32> to vector<1x16xf32>
      tpu.vector_store %arg9[%swap3A_71, %swap3A_72], %swap3A_75 {strides = array<i32>} : memref<160x128xf32, #tpu.memory_space<vmem>>, vector<1x16xf32>,
      %swap3A_76 = arith.index_cast %add3A_46 : i32 to index
      %swap3A_77 = arith.constant 96 : index
      %swap3A_78 = tpu.vector_load %arg9[%swap3A_76, %swap3A_77] {strides = array<i32>} : memref<160x128xf32, #tpu.memory_space<vmem>>, vector<1x16xf32>,
      %swap3A_79 = vector.shape_cast %swap3A_78 : vector<1x16xf32> to vector<16xf32>
      %swap3A_80 = vector.shape_cast %broadcast_in_dim3A_1 : vector<16xf32> to vector<1x16xf32>
      tpu.vector_store %arg9[%swap3A_76, %swap3A_77], %swap3A_80 {strides = array<i32>} : memref<160x128xf32, #tpu.memory_space<vmem>>, vector<1x16xf32>,
      %swap3A_81 = arith.index_cast %add3A_46 : i32 to index
      %swap3A_82 = arith.constant 112 : index
      %swap3A_83 = tpu.vector_load %arg9[%swap3A_81, %swap3A_82] {strides = array<i32>} : memref<160x128xf32, #tpu.memory_space<vmem>>, vector<1x16xf32>,
      %swap3A_84 = vector.shape_cast %swap3A_83 : vector<1x16xf32> to vector<16xf32>
      %swap3A_85 = vector.shape_cast %broadcast_in_dim3A_1 : vector<16xf32> to vector<1x16xf32>
      tpu.vector_store %arg9[%swap3A_81, %swap3A_82], %swap3A_85 {strides = array<i32>} : memref<160x128xf32, #tpu.memory_space<vmem>>, vector<1x16xf32>,
    }
    %scan3A_5 = arith.constant 160 : i32
    %scan3A_6 = arith.constant 0 : i32
    %scan3A_7 = arith.constant 10 : i32
    %scan3A_8 = arith.addi %scan3A_6, %scan3A_7 : i32
    %scan3A_9 = arith.constant 1 : i32
    scf.for %scan3A_42 = %scan3A_6 to %scan3A_8 step %scan3A_9  : i32 {
      %mul3A_43 = arith.constant 1 : i32
      %mul3A_44 = arith.muli %scan3A_42, %mul3A_43 : i32
      %add3A_45 = arith.constant 0 : i32
      %add3A_46 = arith.addi %add3A_45, %mul3A_44 : i32
      %broadcast_in_dim3A_47 = arith.constant 1.000000e+00 : f32
      %broadcast_in_dim3A_48 = vector.broadcast %broadcast_in_dim3A_47 : f32 to vector<16xf32>
      %mul3A_49 = arith.constant 16 : i32
      %mul3A_50 = arith.muli %add3A_46, %mul3A_49 : i32
      %swap3A = arith.index_cast %mul3A_50 : i32 to index
      %swap3A_51 = tpu.vector_load %arg12[%swap3A] {strides = array<i32>} : memref<160xf32, #tpu.memory_space<vmem>>, vector<16xf32>,
      %swap3A_52 = vector.shape_cast %swap3A_51 : vector<16xf32> to vector<16xf32>
      %swap3A_53 = vector.shape_cast %broadcast_in_dim3A_48 : vector<16xf32> to vector<16xf32>
      tpu.vector_store %arg12[%swap3A], %swap3A_53 {strides = array<i32>} : memref<160xf32, #tpu.memory_space<vmem>>, vector<16xf32>,
      %mul3A_54 = arith.constant 16 : i32
      %mul3A_55 = arith.muli %add3A_46, %mul3A_54 : i32
      %swap3A_56 = arith.index_cast %mul3A_55 : i32 to index
      %swap3A_57 = tpu.vector_load %arg13[%swap3A_56] {strides = array<i32>} : memref<160xf32, #tpu.memory_space<vmem>>, vector<16xf32>,
      %swap3A_58 = vector.shape_cast %swap3A_57 : vector<16xf32> to vector<16xf32>
      %swap3A_59 = vector.shape_cast %broadcast_in_dim3A_1 : vector<16xf32> to vector<16xf32>
      tpu.vector_store %arg13[%swap3A_56], %swap3A_59 {strides = array<i32>} : memref<160xf32, #tpu.memory_space<vmem>>, vector<16xf32>,
    }
    %scan3A_10 = arith.constant 10 : i32
    %lt3A = arith.constant 10 : i32
    %lt3A_11 = arith.cmpi slt, %arg1, %lt3A : i32
    %convert_element_type3A = arith.extui %lt3A_11 : i1 to i32
    %cond3A = arith.constant 0 : i32
    %cond3A_12 = arith.cmpi ne, %convert_element_type3A, %cond3A : i32
    scf.if %cond3A_12 {
      %mul3A_42 = arith.constant 1000 : i32
      %mul3A_43 = arith.muli %arg1, %mul3A_42 : i32
      %multiple_of3A_44 = tpu.assume_multiple %mul3A_43, 8 : i32
      %add3A_45 = arith.constant 0 : i32
      %add3A_46 = arith.addi %multiple_of3A_44, %add3A_45 : i32
      "tpu.region"() ({
        %run_scoped3A = tpu.sem_alloc : memref<!tpu.dma_semaphore, #tpu.memory_space<semaphore_mem>>
        %dma_start3A_73 = arith.constant 0 : i32
        %dma_start3A_74 = arith.constant 0 : i32
        %dma_start3A_75 = tpu.memref_slice %arg9[%dma_start3A_73, %dma_start3A_74] : memref<160x128xf32, #tpu.memory_space<vmem>> -> memref<160x128xf32, #tpu.memory_space<vmem>>
        %dma_start3A_76 = arith.constant 0 : i32
        %dma_start3A_77 = tpu.memref_slice %arg6[%add3A_46, %dma_start3A_76] : memref<10000x128xf32, #tpu.memory_space<vmem_shared>> -> memref<160x128xf32, #tpu.memory_space<vmem_shared>>
        %dma_start3A_78 = arith.constant 0 : i32
        %dma_start3A_79 = tpu.memref_slice %arg6[%add3A_46, %dma_start3A_78] : memref<10000x128xf32, #tpu.memory_space<vmem_shared>> -> memref<160x128xf32, #tpu.memory_space<vmem_shared>>
        %dma_start3A_80 = arith.constant 0 : i32
        %dma_start3A_81 = arith.constant 0 : i32
        %dma_start3A_82 = tpu.memref_slice %arg9[%dma_start3A_80, %dma_start3A_81] : memref<160x128xf32, #tpu.memory_space<vmem>> -> memref<160x128xf32, #tpu.memory_space<vmem>>
        tpu.enqueue_dma source(%dma_start3A_82 : memref<160x128xf32, #tpu.memory_space<vmem>>) target(%dma_start3A_79 : memref<160x128xf32, #tpu.memory_space<vmem_shared>>) target_semaphore(%run_scoped3A : memref<!tpu.dma_semaphore, #tpu.memory_space<semaphore_mem>>)
        %dma_wait3A = arith.constant 0 : i32
        %dma_wait3A_83 = arith.constant 0 : i32
        %dma_wait3A_84 = tpu.memref_slice %arg9[%dma_wait3A, %dma_wait3A_83] : memref<160x128xf32, #tpu.memory_space<vmem>> -> memref<160x128xf32, #tpu.memory_space<vmem>>
        %dma_wait3A_85 = arith.constant 0 : i32
        %dma_wait3A_86 = tpu.memref_slice %arg6[%add3A_46, %dma_wait3A_85] : memref<10000x128xf32, #tpu.memory_space<vmem_shared>> -> memref<160x128xf32, #tpu.memory_space<vmem_shared>>
        %dma_wait3A_87 = arith.constant 0 : i32
        %dma_wait3A_88 = tpu.memref_slice %arg6[%add3A_46, %dma_wait3A_87] : memref<10000x128xf32, #tpu.memory_space<vmem_shared>> -> memref<160x128xf32, #tpu.memory_space<vmem_shared>>
        %dma_wait3A_89 = arith.constant 0 : i32
        %dma_wait3A_90 = arith.constant 0 : i32
        %dma_wait3A_91 = tpu.memref_slice %arg9[%dma_wait3A_89, %dma_wait3A_90] : memref<160x128xf32, #tpu.memory_space<vmem>> -> memref<160x128xf32, #tpu.memory_space<vmem>>
        tpu.wait_dma2 semaphore(%run_scoped3A : memref<!tpu.dma_semaphore, #tpu.memory_space<semaphore_mem>>) src(%dma_wait3A_91 : memref<160x128xf32, #tpu.memory_space<vmem>>) dst(%dma_wait3A_88 : memref<160x128xf32, #tpu.memory_space<vmem_shared>>)
        tpu.yield
      }) : () -> ()
      %add3A_47 = arith.constant 0 : i32
      %add3A_48 = arith.addi %multiple_of3A_44, %add3A_47 : i32
      "tpu.region"() ({
        %run_scoped3A = tpu.sem_alloc : memref<!tpu.dma_semaphore, #tpu.memory_space<semaphore_mem>>
        %dma_start3A_73 = arith.constant 0 : i32
        %dma_start3A_74 = tpu.memref_slice %arg13[%dma_start3A_73] : memref<160xf32, #tpu.memory_space<vmem>> -> memref<160xf32, #tpu.memory_space<vmem>>
        %dma_start3A_75 = tpu.memref_slice %arg7[%add3A_48] : memref<10000xf32, #tpu.memory_space<vmem_shared>> -> memref<160xf32, #tpu.memory_space<vmem_shared>>
        %dma_start3A_76 = tpu.memref_slice %arg7[%add3A_48] : memref<10000xf32, #tpu.memory_space<vmem_shared>> -> memref<160xf32, #tpu.memory_space<vmem_shared>>
        %dma_start3A_77 = arith.constant 0 : i32
        %dma_start3A_78 = tpu.memref_slice %arg13[%dma_start3A_77] : memref<160xf32, #tpu.memory_space<vmem>> -> memref<160xf32, #tpu.memory_space<vmem>>
        tpu.enqueue_dma source(%dma_start3A_78 : memref<160xf32, #tpu.memory_space<vmem>>) target(%dma_start3A_76 : memref<160xf32, #tpu.memory_space<vmem_shared>>) target_semaphore(%run_scoped3A : memref<!tpu.dma_semaphore, #tpu.memory_space<semaphore_mem>>)
        %dma_wait3A = arith.constant 0 : i32
        %dma_wait3A_79 = tpu.memref_slice %arg13[%dma_wait3A] : memref<160xf32, #tpu.memory_space<vmem>> -> memref<160xf32, #tpu.memory_space<vmem>>
        %dma_wait3A_80 = tpu.memref_slice %arg7[%add3A_48] : memref<10000xf32, #tpu.memory_space<vmem_shared>> -> memref<160xf32, #tpu.memory_space<vmem_shared>>
        %dma_wait3A_81 = tpu.memref_slice %arg7[%add3A_48] : memref<10000xf32, #tpu.memory_space<vmem_shared>> -> memref<160xf32, #tpu.memory_space<vmem_shared>>
        %dma_wait3A_82 = arith.constant 0 : i32
        %dma_wait3A_83 = tpu.memref_slice %arg13[%dma_wait3A_82] : memref<160xf32, #tpu.memory_space<vmem>> -> memref<160xf32, #tpu.memory_space<vmem>>
        tpu.wait_dma2 semaphore(%run_scoped3A : memref<!tpu.dma_semaphore, #tpu.memory_space<semaphore_mem>>) src(%dma_wait3A_83 : memref<160xf32, #tpu.memory_space<vmem>>) dst(%dma_wait3A_81 : memref<160xf32, #tpu.memory_space<vmem_shared>>)
        tpu.yield
      }) : () -> ()
      %add3A_49 = arith.constant 160 : i32
      %add3A_50 = arith.addi %multiple_of3A_44, %add3A_49 : i32
      "tpu.region"() ({
        %run_scoped3A = tpu.sem_alloc : memref<!tpu.dma_semaphore, #tpu.memory_space<semaphore_mem>>
        %dma_start3A_73 = arith.constant 0 : i32
        %dma_start3A_74 = arith.constant 0 : i32
        %dma_start3A_75 = tpu.memref_slice %arg9[%dma_start3A_73, %dma_start3A_74] : memref<160x128xf32, #tpu.memory_space<vmem>> -> memref<160x128xf32, #tpu.memory_space<vmem>>
        %dma_start3A_76 = arith.constant 0 : i32
        %dma_start3A_77 = tpu.memref_slice %arg6[%add3A_50, %dma_start3A_76] : memref<10000x128xf32, #tpu.memory_space<vmem_shared>> -> memref<160x128xf32, #tpu.memory_space<vmem_shared>>
        %dma_start3A_78 = arith.constant 0 : i32
        %dma_start3A_79 = tpu.memref_slice %arg6[%add3A_50, %dma_start3A_78] : memref<10000x128xf32, #tpu.memory_space<vmem_shared>> -> memref<160x128xf32, #tpu.memory_space<vmem_shared>>
        %dma_start3A_80 = arith.constant 0 : i32
        %dma_start3A_81 = arith.constant 0 : i32
        %dma_start3A_82 = tpu.memref_slice %arg9[%dma_start3A_80, %dma_start3A_81] : memref<160x128xf32, #tpu.memory_space<vmem>> -> memref<160x128xf32, #tpu.memory_space<vmem>>
        tpu.enqueue_dma source(%dma_start3A_82 : memref<160x128xf32, #tpu.memory_space<vmem>>) target(%dma_start3A_79 : memref<160x128xf32, #tpu.memory_space<vmem_shared>>) target_semaphore(%run_scoped3A : memref<!tpu.dma_semaphore, #tpu.memory_space<semaphore_mem>>)
        %dma_wait3A = arith.constant 0 : i32
        %dma_wait3A_83 = arith.constant 0 : i32
        %dma_wait3A_84 = tpu.memref_slice %arg9[%dma_wait3A, %dma_wait3A_83] : memref<160x128xf32, #tpu.memory_space<vmem>> -> memref<160x128xf32, #tpu.memory_space<vmem>>
        %dma_wait3A_85 = arith.constant 0 : i32
        %dma_wait3A_86 = tpu.memref_slice %arg6[%add3A_50, %dma_wait3A_85] : memref<10000x128xf32, #tpu.memory_space<vmem_shared>> -> memref<160x128xf32, #tpu.memory_space<vmem_shared>>
        %dma_wait3A_87 = arith.constant 0 : i32
        %dma_wait3A_88 = tpu.memref_slice %arg6[%add3A_50, %dma_wait3A_87] : memref<10000x128xf32, #tpu.memory_space<vmem_shared>> -> memref<160x128xf32, #tpu.memory_space<vmem_shared>>
        %dma_wait3A_89 = arith.constant 0 : i32
        %dma_wait3A_90 = arith.constant 0 : i32
        %dma_wait3A_91 = tpu.memref_slice %arg9[%dma_wait3A_89, %dma_wait3A_90] : memref<160x128xf32, #tpu.memory_space<vmem>> -> memref<160x128xf32, #tpu.memory_space<vmem>>
        tpu.wait_dma2 semaphore(%run_scoped3A : memref<!tpu.dma_semaphore, #tpu.memory_space<semaphore_mem>>) src(%dma_wait3A_91 : memref<160x128xf32, #tpu.memory_space<vmem>>) dst(%dma_wait3A_88 : memref<160x128xf32, #tpu.memory_space<vmem_shared>>)
        tpu.yield
      }) : () -> ()
      %add3A_51 = arith.constant 160 : i32
      %add3A_52 = arith.addi %multiple_of3A_44, %add3A_51 : i32
      "tpu.region"() ({
        %run_scoped3A = tpu.sem_alloc : memref<!tpu.dma_semaphore, #tpu.memory_space<semaphore_mem>>
        %dma_start3A_73 = arith.constant 0 : i32
        %dma_start3A_74 = tpu.memref_slice %arg13[%dma_start3A_73] : memref<160xf32, #tpu.memory_space<vmem>> -> memref<160xf32, #tpu.memory_space<vmem>>
        %dma_start3A_75 = tpu.memref_slice %arg7[%add3A_52] : memref<10000xf32, #tpu.memory_space<vmem_shared>> -> memref<160xf32, #tpu.memory_space<vmem_shared>>
        %dma_start3A_76 = tpu.memref_slice %arg7[%add3A_52] : memref<10000xf32, #tpu.memory_space<vmem_shared>> -> memref<160xf32, #tpu.memory_space<vmem_shared>>
        %dma_start3A_77 = arith.constant 0 : i32
        %dma_start3A_78 = tpu.memref_slice %arg13[%dma_start3A_77] : memref<160xf32, #tpu.memory_space<vmem>> -> memref<160xf32, #tpu.memory_space<vmem>>
        tpu.enqueue_dma source(%dma_start3A_78 : memref<160xf32, #tpu.memory_space<vmem>>) target(%dma_start3A_76 : memref<160xf32, #tpu.memory_space<vmem_shared>>) target_semaphore(%run_scoped3A : memref<!tpu.dma_semaphore, #tpu.memory_space<semaphore_mem>>)
        %dma_wait3A = arith.constant 0 : i32
        %dma_wait3A_79 = tpu.memref_slice %arg13[%dma_wait3A] : memref<160xf32, #tpu.memory_space<vmem>> -> memref<160xf32, #tpu.memory_space<vmem>>
        %dma_wait3A_80 = tpu.memref_slice %arg7[%add3A_52] : memref<10000xf32, #tpu.memory_space<vmem_shared>> -> memref<160xf32, #tpu.memory_space<vmem_shared>>
        %dma_wait3A_81 = tpu.memref_slice %arg7[%add3A_52] : memref<10000xf32, #tpu.memory_space<vmem_shared>> -> memref<160xf32, #tpu.memory_space<vmem_shared>>
        %dma_wait3A_82 = arith.constant 0 : i32
        %dma_wait3A_83 = tpu.memref_slice %arg13[%dma_wait3A_82] : memref<160xf32, #tpu.memory_space<vmem>> -> memref<160xf32, #tpu.memory_space<vmem>>
        tpu.wait_dma2 semaphore(%run_scoped3A : memref<!tpu.dma_semaphore, #tpu.memory_space<semaphore_mem>>) src(%dma_wait3A_83 : memref<160xf32, #tpu.memory_space<vmem>>) dst(%dma_wait3A_81 : memref<160xf32, #tpu.memory_space<vmem_shared>>)
        tpu.yield
      }) : () -> ()
      %add3A_53 = arith.constant 320 : i32
      %add3A_54 = arith.addi %multiple_of3A_44, %add3A_53 : i32
      "tpu.region"() ({
        %run_scoped3A = tpu.sem_alloc : memref<!tpu.dma_semaphore, #tpu.memory_space<semaphore_mem>>
        %dma_start3A_73 = arith.constant 0 : i32
        %dma_start3A_74 = arith.constant 0 : i32
        %dma_start3A_75 = tpu.memref_slice %arg9[%dma_start3A_73, %dma_start3A_74] : memref<160x128xf32, #tpu.memory_space<vmem>> -> memref<160x128xf32, #tpu.memory_space<vmem>>
        %dma_start3A_76 = arith.constant 0 : i32
        %dma_start3A_77 = tpu.memref_slice %arg6[%add3A_54, %dma_start3A_76] : memref<10000x128xf32, #tpu.memory_space<vmem_shared>> -> memref<160x128xf32, #tpu.memory_space<vmem_shared>>
        %dma_start3A_78 = arith.constant 0 : i32
        %dma_start3A_79 = tpu.memref_slice %arg6[%add3A_54, %dma_start3A_78] : memref<10000x128xf32, #tpu.memory_space<vmem_shared>> -> memref<160x128xf32, #tpu.memory_space<vmem_shared>>
        %dma_start3A_80 = arith.constant 0 : i32
        %dma_start3A_81 = arith.constant 0 : i32
        %dma_start3A_82 = tpu.memref_slice %arg9[%dma_start3A_80, %dma_start3A_81] : memref<160x128xf32, #tpu.memory_space<vmem>> -> memref<160x128xf32, #tpu.memory_space<vmem>>
        tpu.enqueue_dma source(%dma_start3A_82 : memref<160x128xf32, #tpu.memory_space<vmem>>) target(%dma_start3A_79 : memref<160x128xf32, #tpu.memory_space<vmem_shared>>) target_semaphore(%run_scoped3A : memref<!tpu.dma_semaphore, #tpu.memory_space<semaphore_mem>>)
        %dma_wait3A = arith.constant 0 : i32
        %dma_wait3A_83 = arith.constant 0 : i32
        %dma_wait3A_84 = tpu.memref_slice %arg9[%dma_wait3A, %dma_wait3A_83] : memref<160x128xf32, #tpu.memory_space<vmem>> -> memref<160x128xf32, #tpu.memory_space<vmem>>
        %dma_wait3A_85 = arith.constant 0 : i32
        %dma_wait3A_86 = tpu.memref_slice %arg6[%add3A_54, %dma_wait3A_85] : memref<10000x128xf32, #tpu.memory_space<vmem_shared>> -> memref<160x128xf32, #tpu.memory_space<vmem_shared>>
        %dma_wait3A_87 = arith.constant 0 : i32
        %dma_wait3A_88 = tpu.memref_slice %arg6[%add3A_54, %dma_wait3A_87] : memref<10000x128xf32, #tpu.memory_space<vmem_shared>> -> memref<160x128xf32, #tpu.memory_space<vmem_shared>>
        %dma_wait3A_89 = arith.constant 0 : i32
        %dma_wait3A_90 = arith.constant 0 : i32
        %dma_wait3A_91 = tpu.memref_slice %arg9[%dma_wait3A_89, %dma_wait3A_90] : memref<160x128xf32, #tpu.memory_space<vmem>> -> memref<160x128xf32, #tpu.memory_space<vmem>>
        tpu.wait_dma2 semaphore(%run_scoped3A : memref<!tpu.dma_semaphore, #tpu.memory_space<semaphore_mem>>) src(%dma_wait3A_91 : memref<160x128xf32, #tpu.memory_space<vmem>>) dst(%dma_wait3A_88 : memref<160x128xf32, #tpu.memory_space<vmem_shared>>)
        tpu.yield
      }) : () -> ()
      %add3A_55 = arith.constant 320 : i32
      %add3A_56 = arith.addi %multiple_of3A_44, %add3A_55 : i32
      "tpu.region"() ({
        %run_scoped3A = tpu.sem_alloc : memref<!tpu.dma_semaphore, #tpu.memory_space<semaphore_mem>>
        %dma_start3A_73 = arith.constant 0 : i32
        %dma_start3A_74 = tpu.memref_slice %arg13[%dma_start3A_73] : memref<160xf32, #tpu.memory_space<vmem>> -> memref<160xf32, #tpu.memory_space<vmem>>
        %dma_start3A_75 = tpu.memref_slice %arg7[%add3A_56] : memref<10000xf32, #tpu.memory_space<vmem_shared>> -> memref<160xf32, #tpu.memory_space<vmem_shared>>
        %dma_start3A_76 = tpu.memref_slice %arg7[%add3A_56] : memref<10000xf32, #tpu.memory_space<vmem_shared>> -> memref<160xf32, #tpu.memory_space<vmem_shared>>
        %dma_start3A_77 = arith.constant 0 : i32
        %dma_start3A_78 = tpu.memref_slice %arg13[%dma_start3A_77] : memref<160xf32, #tpu.memory_space<vmem>> -> memref<160xf32, #tpu.memory_space<vmem>>
        tpu.enqueue_dma source(%dma_start3A_78 : memref<160xf32, #tpu.memory_space<vmem>>) target(%dma_start3A_76 : memref<160xf32, #tpu.memory_space<vmem_shared>>) target_semaphore(%run_scoped3A : memref<!tpu.dma_semaphore, #tpu.memory_space<semaphore_mem>>)
        %dma_wait3A = arith.constant 0 : i32
        %dma_wait3A_79 = tpu.memref_slice %arg13[%dma_wait3A] : memref<160xf32, #tpu.memory_space<vmem>> -> memref<160xf32, #tpu.memory_space<vmem>>
        %dma_wait3A_80 = tpu.memref_slice %arg7[%add3A_56] : memref<10000xf32, #tpu.memory_space<vmem_shared>> -> memref<160xf32, #tpu.memory_space<vmem_shared>>
        %dma_wait3A_81 = tpu.memref_slice %arg7[%add3A_56] : memref<10000xf32, #tpu.memory_space<vmem_shared>> -> memref<160xf32, #tpu.memory_space<vmem_shared>>
        %dma_wait3A_82 = arith.constant 0 : i32
        %dma_wait3A_83 = tpu.memref_slice %arg13[%dma_wait3A_82] : memref<160xf32, #tpu.memory_space<vmem>> -> memref<160xf32, #tpu.memory_space<vmem>>
        tpu.wait_dma2 semaphore(%run_scoped3A : memref<!tpu.dma_semaphore, #tpu.memory_space<semaphore_mem>>) src(%dma_wait3A_83 : memref<160xf32, #tpu.memory_space<vmem>>) dst(%dma_wait3A_81 : memref<160xf32, #tpu.memory_space<vmem_shared>>)
        tpu.yield
      }) : () -> ()
      %add3A_57 = arith.constant 480 : i32
      %add3A_58 = arith.addi %multiple_of3A_44, %add3A_57 : i32
      "tpu.region"() ({
        %run_scoped3A = tpu.sem_alloc : memref<!tpu.dma_semaphore, #tpu.memory_space<semaphore_mem>>
        %dma_start3A_73 = arith.constant 0 : i32
        %dma_start3A_74 = arith.constant 0 : i32
        %dma_start3A_75 = tpu.memref_slice %arg9[%dma_start3A_73, %dma_start3A_74] : memref<160x128xf32, #tpu.memory_space<vmem>> -> memref<160x128xf32, #tpu.memory_space<vmem>>
        %dma_start3A_76 = arith.constant 0 : i32
        %dma_start3A_77 = tpu.memref_slice %arg6[%add3A_58, %dma_start3A_76] : memref<10000x128xf32, #tpu.memory_space<vmem_shared>> -> memref<160x128xf32, #tpu.memory_space<vmem_shared>>
        %dma_start3A_78 = arith.constant 0 : i32
        %dma_start3A_79 = tpu.memref_slice %arg6[%add3A_58, %dma_start3A_78] : memref<10000x128xf32, #tpu.memory_space<vmem_shared>> -> memref<160x128xf32, #tpu.memory_space<vmem_shared>>
        %dma_start3A_80 = arith.constant 0 : i32
        %dma_start3A_81 = arith.constant 0 : i32
        %dma_start3A_82 = tpu.memref_slice %arg9[%dma_start3A_80, %dma_start3A_81] : memref<160x128xf32, #tpu.memory_space<vmem>> -> memref<160x128xf32, #tpu.memory_space<vmem>>
        tpu.enqueue_dma source(%dma_start3A_82 : memref<160x128xf32, #tpu.memory_space<vmem>>) target(%dma_start3A_79 : memref<160x128xf32, #tpu.memory_space<vmem_shared>>) target_semaphore(%run_scoped3A : memref<!tpu.dma_semaphore, #tpu.memory_space<semaphore_mem>>)
        %dma_wait3A = arith.constant 0 : i32
        %dma_wait3A_83 = arith.constant 0 : i32
        %dma_wait3A_84 = tpu.memref_slice %arg9[%dma_wait3A, %dma_wait3A_83] : memref<160x128xf32, #tpu.memory_space<vmem>> -> memref<160x128xf32, #tpu.memory_space<vmem>>
        %dma_wait3A_85 = arith.constant 0 : i32
        %dma_wait3A_86 = tpu.memref_slice %arg6[%add3A_58, %dma_wait3A_85] : memref<10000x128xf32, #tpu.memory_space<vmem_shared>> -> memref<160x128xf32, #tpu.memory_space<vmem_shared>>
        %dma_wait3A_87 = arith.constant 0 : i32
        %dma_wait3A_88 = tpu.memref_slice %arg6[%add3A_58, %dma_wait3A_87] : memref<10000x128xf32, #tpu.memory_space<vmem_shared>> -> memref<160x128xf32, #tpu.memory_space<vmem_shared>>
        %dma_wait3A_89 = arith.constant 0 : i32
        %dma_wait3A_90 = arith.constant 0 : i32
        %dma_wait3A_91 = tpu.memref_slice %arg9[%dma_wait3A_89, %dma_wait3A_90] : memref<160x128xf32, #tpu.memory_space<vmem>> -> memref<160x128xf32, #tpu.memory_space<vmem>>
        tpu.wait_dma2 semaphore(%run_scoped3A : memref<!tpu.dma_semaphore, #tpu.memory_space<semaphore_mem>>) src(%dma_wait3A_91 : memref<160x128xf32, #tpu.memory_space<vmem>>) dst(%dma_wait3A_88 : memref<160x128xf32, #tpu.memory_space<vmem_shared>>)
        tpu.yield
      }) : () -> ()
      %add3A_59 = arith.constant 480 : i32
      %add3A_60 = arith.addi %multiple_of3A_44, %add3A_59 : i32
      "tpu.region"() ({
        %run_scoped3A = tpu.sem_alloc : memref<!tpu.dma_semaphore, #tpu.memory_space<semaphore_mem>>
        %dma_start3A_73 = arith.constant 0 : i32
        %dma_start3A_74 = tpu.memref_slice %arg13[%dma_start3A_73] : memref<160xf32, #tpu.memory_space<vmem>> -> memref<160xf32, #tpu.memory_space<vmem>>
        %dma_start3A_75 = tpu.memref_slice %arg7[%add3A_60] : memref<10000xf32, #tpu.memory_space<vmem_shared>> -> memref<160xf32, #tpu.memory_space<vmem_shared>>
        %dma_start3A_76 = tpu.memref_slice %arg7[%add3A_60] : memref<10000xf32, #tpu.memory_space<vmem_shared>> -> memref<160xf32, #tpu.memory_space<vmem_shared>>
        %dma_start3A_77 = arith.constant 0 : i32
        %dma_start3A_78 = tpu.memref_slice %arg13[%dma_start3A_77] : memref<160xf32, #tpu.memory_space<vmem>> -> memref<160xf32, #tpu.memory_space<vmem>>
        tpu.enqueue_dma source(%dma_start3A_78 : memref<160xf32, #tpu.memory_space<vmem>>) target(%dma_start3A_76 : memref<160xf32, #tpu.memory_space<vmem_shared>>) target_semaphore(%run_scoped3A : memref<!tpu.dma_semaphore, #tpu.memory_space<semaphore_mem>>)
        %dma_wait3A = arith.constant 0 : i32
        %dma_wait3A_79 = tpu.memref_slice %arg13[%dma_wait3A] : memref<160xf32, #tpu.memory_space<vmem>> -> memref<160xf32, #tpu.memory_space<vmem>>
        %dma_wait3A_80 = tpu.memref_slice %arg7[%add3A_60] : memref<10000xf32, #tpu.memory_space<vmem_shared>> -> memref<160xf32, #tpu.memory_space<vmem_shared>>
        %dma_wait3A_81 = tpu.memref_slice %arg7[%add3A_60] : memref<10000xf32, #tpu.memory_space<vmem_shared>> -> memref<160xf32, #tpu.memory_space<vmem_shared>>
        %dma_wait3A_82 = arith.constant 0 : i32
        %dma_wait3A_83 = tpu.memref_slice %arg13[%dma_wait3A_82] : memref<160xf32, #tpu.memory_space<vmem>> -> memref<160xf32, #tpu.memory_space<vmem>>
        tpu.wait_dma2 semaphore(%run_scoped3A : memref<!tpu.dma_semaphore, #tpu.memory_space<semaphore_mem>>) src(%dma_wait3A_83 : memref<160xf32, #tpu.memory_space<vmem>>) dst(%dma_wait3A_81 : memref<160xf32, #tpu.memory_space<vmem_shared>>)
        tpu.yield
      }) : () -> ()
      %add3A_61 = arith.constant 640 : i32
      %add3A_62 = arith.addi %multiple_of3A_44, %add3A_61 : i32
      "tpu.region"() ({
        %run_scoped3A = tpu.sem_alloc : memref<!tpu.dma_semaphore, #tpu.memory_space<semaphore_mem>>
        %dma_start3A_73 = arith.constant 0 : i32
        %dma_start3A_74 = arith.constant 0 : i32
        %dma_start3A_75 = tpu.memref_slice %arg9[%dma_start3A_73, %dma_start3A_74] : memref<160x128xf32, #tpu.memory_space<vmem>> -> memref<160x128xf32, #tpu.memory_space<vmem>>
        %dma_start3A_76 = arith.constant 0 : i32
        %dma_start3A_77 = tpu.memref_slice %arg6[%add3A_62, %dma_start3A_76] : memref<10000x128xf32, #tpu.memory_space<vmem_shared>> -> memref<160x128xf32, #tpu.memory_space<vmem_shared>>
        %dma_start3A_78 = arith.constant 0 : i32
        %dma_start3A_79 = tpu.memref_slice %arg6[%add3A_62, %dma_start3A_78] : memref<10000x128xf32, #tpu.memory_space<vmem_shared>> -> memref<160x128xf32, #tpu.memory_space<vmem_shared>>
        %dma_start3A_80 = arith.constant 0 : i32
        %dma_start3A_81 = arith.constant 0 : i32
        %dma_start3A_82 = tpu.memref_slice %arg9[%dma_start3A_80, %dma_start3A_81] : memref<160x128xf32, #tpu.memory_space<vmem>> -> memref<160x128xf32, #tpu.memory_space<vmem>>
        tpu.enqueue_dma source(%dma_start3A_82 : memref<160x128xf32, #tpu.memory_space<vmem>>) target(%dma_start3A_79 : memref<160x128xf32, #tpu.memory_space<vmem_shared>>) target_semaphore(%run_scoped3A : memref<!tpu.dma_semaphore, #tpu.memory_space<semaphore_mem>>)
        %dma_wait3A = arith.constant 0 : i32
        %dma_wait3A_83 = arith.constant 0 : i32
        %dma_wait3A_84 = tpu.memref_slice %arg9[%dma_wait3A, %dma_wait3A_83] : memref<160x128xf32, #tpu.memory_space<vmem>> -> memref<160x128xf32, #tpu.memory_space<vmem>>
        %dma_wait3A_85 = arith.constant 0 : i32
        %dma_wait3A_86 = tpu.memref_slice %arg6[%add3A_62, %dma_wait3A_85] : memref<10000x128xf32, #tpu.memory_space<vmem_shared>> -> memref<160x128xf32, #tpu.memory_space<vmem_shared>>
        %dma_wait3A_87 = arith.constant 0 : i32
        %dma_wait3A_88 = tpu.memref_slice %arg6[%add3A_62, %dma_wait3A_87] : memref<10000x128xf32, #tpu.memory_space<vmem_shared>> -> memref<160x128xf32, #tpu.memory_space<vmem_shared>>
        %dma_wait3A_89 = arith.constant 0 : i32
        %dma_wait3A_90 = arith.constant 0 : i32
        %dma_wait3A_91 = tpu.memref_slice %arg9[%dma_wait3A_89, %dma_wait3A_90] : memref<160x128xf32, #tpu.memory_space<vmem>> -> memref<160x128xf32, #tpu.memory_space<vmem>>
        tpu.wait_dma2 semaphore(%run_scoped3A : memref<!tpu.dma_semaphore, #tpu.memory_space<semaphore_mem>>) src(%dma_wait3A_91 : memref<160x128xf32, #tpu.memory_space<vmem>>) dst(%dma_wait3A_88 : memref<160x128xf32, #tpu.memory_space<vmem_shared>>)
        tpu.yield
      }) : () -> ()
      %add3A_63 = arith.constant 640 : i32
      %add3A_64 = arith.addi %multiple_of3A_44, %add3A_63 : i32
      "tpu.region"() ({
        %run_scoped3A = tpu.sem_alloc : memref<!tpu.dma_semaphore, #tpu.memory_space<semaphore_mem>>
        %dma_start3A_73 = arith.constant 0 : i32
        %dma_start3A_74 = tpu.memref_slice %arg13[%dma_start3A_73] : memref<160xf32, #tpu.memory_space<vmem>> -> memref<160xf32, #tpu.memory_space<vmem>>
        %dma_start3A_75 = tpu.memref_slice %arg7[%add3A_64] : memref<10000xf32, #tpu.memory_space<vmem_shared>> -> memref<160xf32, #tpu.memory_space<vmem_shared>>
        %dma_start3A_76 = tpu.memref_slice %arg7[%add3A_64] : memref<10000xf32, #tpu.memory_space<vmem_shared>> -> memref<160xf32, #tpu.memory_space<vmem_shared>>
        %dma_start3A_77 = arith.constant 0 : i32
        %dma_start3A_78 = tpu.memref_slice %arg13[%dma_start3A_77] : memref<160xf32, #tpu.memory_space<vmem>> -> memref<160xf32, #tpu.memory_space<vmem>>
        tpu.enqueue_dma source(%dma_start3A_78 : memref<160xf32, #tpu.memory_space<vmem>>) target(%dma_start3A_76 : memref<160xf32, #tpu.memory_space<vmem_shared>>) target_semaphore(%run_scoped3A : memref<!tpu.dma_semaphore, #tpu.memory_space<semaphore_mem>>)
        %dma_wait3A = arith.constant 0 : i32
        %dma_wait3A_79 = tpu.memref_slice %arg13[%dma_wait3A] : memref<160xf32, #tpu.memory_space<vmem>> -> memref<160xf32, #tpu.memory_space<vmem>>
        %dma_wait3A_80 = tpu.memref_slice %arg7[%add3A_64] : memref<10000xf32, #tpu.memory_space<vmem_shared>> -> memref<160xf32, #tpu.memory_space<vmem_shared>>
        %dma_wait3A_81 = tpu.memref_slice %arg7[%add3A_64] : memref<10000xf32, #tpu.memory_space<vmem_shared>> -> memref<160xf32, #tpu.memory_space<vmem_shared>>
        %dma_wait3A_82 = arith.constant 0 : i32
        %dma_wait3A_83 = tpu.memref_slice %arg13[%dma_wait3A_82] : memref<160xf32, #tpu.memory_space<vmem>> -> memref<160xf32, #tpu.memory_space<vmem>>
        tpu.wait_dma2 semaphore(%run_scoped3A : memref<!tpu.dma_semaphore, #tpu.memory_space<semaphore_mem>>) src(%dma_wait3A_83 : memref<160xf32, #tpu.memory_space<vmem>>) dst(%dma_wait3A_81 : memref<160xf32, #tpu.memory_space<vmem_shared>>)
        tpu.yield
      }) : () -> ()
      %add3A_65 = arith.constant 800 : i32
      %add3A_66 = arith.addi %multiple_of3A_44, %add3A_65 : i32
      "tpu.region"() ({
        %run_scoped3A = tpu.sem_alloc : memref<!tpu.dma_semaphore, #tpu.memory_space<semaphore_mem>>
        %dma_start3A_73 = arith.constant 0 : i32
        %dma_start3A_74 = arith.constant 0 : i32
        %dma_start3A_75 = tpu.memref_slice %arg9[%dma_start3A_73, %dma_start3A_74] : memref<160x128xf32, #tpu.memory_space<vmem>> -> memref<160x128xf32, #tpu.memory_space<vmem>>
        %dma_start3A_76 = arith.constant 0 : i32
        %dma_start3A_77 = tpu.memref_slice %arg6[%add3A_66, %dma_start3A_76] : memref<10000x128xf32, #tpu.memory_space<vmem_shared>> -> memref<160x128xf32, #tpu.memory_space<vmem_shared>>
        %dma_start3A_78 = arith.constant 0 : i32
        %dma_start3A_79 = tpu.memref_slice %arg6[%add3A_66, %dma_start3A_78] : memref<10000x128xf32, #tpu.memory_space<vmem_shared>> -> memref<160x128xf32, #tpu.memory_space<vmem_shared>>
        %dma_start3A_80 = arith.constant 0 : i32
        %dma_start3A_81 = arith.constant 0 : i32
        %dma_start3A_82 = tpu.memref_slice %arg9[%dma_start3A_80, %dma_start3A_81] : memref<160x128xf32, #tpu.memory_space<vmem>> -> memref<160x128xf32, #tpu.memory_space<vmem>>
        tpu.enqueue_dma source(%dma_start3A_82 : memref<160x128xf32, #tpu.memory_space<vmem>>) target(%dma_start3A_79 : memref<160x128xf32, #tpu.memory_space<vmem_shared>>) target_semaphore(%run_scoped3A : memref<!tpu.dma_semaphore, #tpu.memory_space<semaphore_mem>>)
        %dma_wait3A = arith.constant 0 : i32
        %dma_wait3A_83 = arith.constant 0 : i32
        %dma_wait3A_84 = tpu.memref_slice %arg9[%dma_wait3A, %dma_wait3A_83] : memref<160x128xf32, #tpu.memory_space<vmem>> -> memref<160x128xf32, #tpu.memory_space<vmem>>
        %dma_wait3A_85 = arith.constant 0 : i32
        %dma_wait3A_86 = tpu.memref_slice %arg6[%add3A_66, %dma_wait3A_85] : memref<10000x128xf32, #tpu.memory_space<vmem_shared>> -> memref<160x128xf32, #tpu.memory_space<vmem_shared>>
        %dma_wait3A_87 = arith.constant 0 : i32
        %dma_wait3A_88 = tpu.memref_slice %arg6[%add3A_66, %dma_wait3A_87] : memref<10000x128xf32, #tpu.memory_space<vmem_shared>> -> memref<160x128xf32, #tpu.memory_space<vmem_shared>>
        %dma_wait3A_89 = arith.constant 0 : i32
        %dma_wait3A_90 = arith.constant 0 : i32
        %dma_wait3A_91 = tpu.memref_slice %arg9[%dma_wait3A_89, %dma_wait3A_90] : memref<160x128xf32, #tpu.memory_space<vmem>> -> memref<160x128xf32, #tpu.memory_space<vmem>>
        tpu.wait_dma2 semaphore(%run_scoped3A : memref<!tpu.dma_semaphore, #tpu.memory_space<semaphore_mem>>) src(%dma_wait3A_91 : memref<160x128xf32, #tpu.memory_space<vmem>>) dst(%dma_wait3A_88 : memref<160x128xf32, #tpu.memory_space<vmem_shared>>)
        tpu.yield
      }) : () -> ()
      %add3A_67 = arith.constant 800 : i32
      %add3A_68 = arith.addi %multiple_of3A_44, %add3A_67 : i32
      "tpu.region"() ({
        %run_scoped3A = tpu.sem_alloc : memref<!tpu.dma_semaphore, #tpu.memory_space<semaphore_mem>>
        %dma_start3A_73 = arith.constant 0 : i32
        %dma_start3A_74 = tpu.memref_slice %arg13[%dma_start3A_73] : memref<160xf32, #tpu.memory_space<vmem>> -> memref<160xf32, #tpu.memory_space<vmem>>
        %dma_start3A_75 = tpu.memref_slice %arg7[%add3A_68] : memref<10000xf32, #tpu.memory_space<vmem_shared>> -> memref<160xf32, #tpu.memory_space<vmem_shared>>
        %dma_start3A_76 = tpu.memref_slice %arg7[%add3A_68] : memref<10000xf32, #tpu.memory_space<vmem_shared>> -> memref<160xf32, #tpu.memory_space<vmem_shared>>
        %dma_start3A_77 = arith.constant 0 : i32
        %dma_start3A_78 = tpu.memref_slice %arg13[%dma_start3A_77] : memref<160xf32, #tpu.memory_space<vmem>> -> memref<160xf32, #tpu.memory_space<vmem>>
        tpu.enqueue_dma source(%dma_start3A_78 : memref<160xf32, #tpu.memory_space<vmem>>) target(%dma_start3A_76 : memref<160xf32, #tpu.memory_space<vmem_shared>>) target_semaphore(%run_scoped3A : memref<!tpu.dma_semaphore, #tpu.memory_space<semaphore_mem>>)
        %dma_wait3A = arith.constant 0 : i32
        %dma_wait3A_79 = tpu.memref_slice %arg13[%dma_wait3A] : memref<160xf32, #tpu.memory_space<vmem>> -> memref<160xf32, #tpu.memory_space<vmem>>
        %dma_wait3A_80 = tpu.memref_slice %arg7[%add3A_68] : memref<10000xf32, #tpu.memory_space<vmem_shared>> -> memref<160xf32, #tpu.memory_space<vmem_shared>>
        %dma_wait3A_81 = tpu.memref_slice %arg7[%add3A_68] : memref<10000xf32, #tpu.memory_space<vmem_shared>> -> memref<160xf32, #tpu.memory_space<vmem_shared>>
        %dma_wait3A_82 = arith.constant 0 : i32
        %dma_wait3A_83 = tpu.memref_slice %arg13[%dma_wait3A_82] : memref<160xf32, #tpu.memory_space<vmem>> -> memref<160xf32, #tpu.memory_space<vmem>>
        tpu.wait_dma2 semaphore(%run_scoped3A : memref<!tpu.dma_semaphore, #tpu.memory_space<semaphore_mem>>) src(%dma_wait3A_83 : memref<160xf32, #tpu.memory_space<vmem>>) dst(%dma_wait3A_81 : memref<160xf32, #tpu.memory_space<vmem_shared>>)
        tpu.yield
      }) : () -> ()
      %add3A_69 = arith.constant 960 : i32
      %add3A_70 = arith.addi %multiple_of3A_44, %add3A_69 : i32
      "tpu.region"() ({
        %run_scoped3A = tpu.sem_alloc : memref<!tpu.dma_semaphore, #tpu.memory_space<semaphore_mem>>
        %dma_start3A_73 = arith.constant 0 : i32
        %dma_start3A_74 = arith.constant 0 : i32
        %dma_start3A_75 = tpu.memref_slice %arg9[%dma_start3A_73, %dma_start3A_74] : memref<160x128xf32, #tpu.memory_space<vmem>> -> memref<40x128xf32, #tpu.memory_space<vmem>>
        %dma_start3A_76 = arith.constant 0 : i32
        %dma_start3A_77 = tpu.memref_slice %arg6[%add3A_70, %dma_start3A_76] : memref<10000x128xf32, #tpu.memory_space<vmem_shared>> -> memref<40x128xf32, #tpu.memory_space<vmem_shared>>
        %dma_start3A_78 = arith.constant 0 : i32
        %dma_start3A_79 = tpu.memref_slice %arg6[%add3A_70, %dma_start3A_78] : memref<10000x128xf32, #tpu.memory_space<vmem_shared>> -> memref<40x128xf32, #tpu.memory_space<vmem_shared>>
        %dma_start3A_80 = arith.constant 0 : i32
        %dma_start3A_81 = arith.constant 0 : i32
        %dma_start3A_82 = tpu.memref_slice %arg9[%dma_start3A_80, %dma_start3A_81] : memref<160x128xf32, #tpu.memory_space<vmem>> -> memref<40x128xf32, #tpu.memory_space<vmem>>
        tpu.enqueue_dma source(%dma_start3A_82 : memref<40x128xf32, #tpu.memory_space<vmem>>) target(%dma_start3A_79 : memref<40x128xf32, #tpu.memory_space<vmem_shared>>) target_semaphore(%run_scoped3A : memref<!tpu.dma_semaphore, #tpu.memory_space<semaphore_mem>>)
        %dma_wait3A = arith.constant 0 : i32
        %dma_wait3A_83 = arith.constant 0 : i32
        %dma_wait3A_84 = tpu.memref_slice %arg9[%dma_wait3A, %dma_wait3A_83] : memref<160x128xf32, #tpu.memory_space<vmem>> -> memref<40x128xf32, #tpu.memory_space<vmem>>
        %dma_wait3A_85 = arith.constant 0 : i32
        %dma_wait3A_86 = tpu.memref_slice %arg6[%add3A_70, %dma_wait3A_85] : memref<10000x128xf32, #tpu.memory_space<vmem_shared>> -> memref<40x128xf32, #tpu.memory_space<vmem_shared>>
        %dma_wait3A_87 = arith.constant 0 : i32
        %dma_wait3A_88 = tpu.memref_slice %arg6[%add3A_70, %dma_wait3A_87] : memref<10000x128xf32, #tpu.memory_space<vmem_shared>> -> memref<40x128xf32, #tpu.memory_space<vmem_shared>>
        %dma_wait3A_89 = arith.constant 0 : i32
        %dma_wait3A_90 = arith.constant 0 : i32
        %dma_wait3A_91 = tpu.memref_slice %arg9[%dma_wait3A_89, %dma_wait3A_90] : memref<160x128xf32, #tpu.memory_space<vmem>> -> memref<40x128xf32, #tpu.memory_space<vmem>>
        tpu.wait_dma2 semaphore(%run_scoped3A : memref<!tpu.dma_semaphore, #tpu.memory_space<semaphore_mem>>) src(%dma_wait3A_91 : memref<40x128xf32, #tpu.memory_space<vmem>>) dst(%dma_wait3A_88 : memref<40x128xf32, #tpu.memory_space<vmem_shared>>)
        tpu.yield
      }) : () -> ()
      %add3A_71 = arith.constant 960 : i32
      %add3A_72 = arith.addi %multiple_of3A_44, %add3A_71 : i32
      "tpu.region"() ({
        %run_scoped3A = tpu.sem_alloc : memref<!tpu.dma_semaphore, #tpu.memory_space<semaphore_mem>>
        %dma_start3A_73 = arith.constant 0 : i32
        %dma_start3A_74 = tpu.memref_slice %arg13[%dma_start3A_73] : memref<160xf32, #tpu.memory_space<vmem>> -> memref<40xf32, #tpu.memory_space<vmem>>
        %dma_start3A_75 = tpu.memref_slice %arg7[%add3A_72] : memref<10000xf32, #tpu.memory_space<vmem_shared>> -> memref<40xf32, #tpu.memory_space<vmem_shared>>
        %dma_start3A_76 = tpu.memref_slice %arg7[%add3A_72] : memref<10000xf32, #tpu.memory_space<vmem_shared>> -> memref<40xf32, #tpu.memory_space<vmem_shared>>
        %dma_start3A_77 = arith.constant 0 : i32
        %dma_start3A_78 = tpu.memref_slice %arg13[%dma_start3A_77] : memref<160xf32, #tpu.memory_space<vmem>> -> memref<40xf32, #tpu.memory_space<vmem>>
        tpu.enqueue_dma source(%dma_start3A_78 : memref<40xf32, #tpu.memory_space<vmem>>) target(%dma_start3A_76 : memref<40xf32, #tpu.memory_space<vmem_shared>>) target_semaphore(%run_scoped3A : memref<!tpu.dma_semaphore, #tpu.memory_space<semaphore_mem>>)
        %dma_wait3A = arith.constant 0 : i32
        %dma_wait3A_79 = tpu.memref_slice %arg13[%dma_wait3A] : memref<160xf32, #tpu.memory_space<vmem>> -> memref<40xf32, #tpu.memory_space<vmem>>
        %dma_wait3A_80 = tpu.memref_slice %arg7[%add3A_72] : memref<10000xf32, #tpu.memory_space<vmem_shared>> -> memref<40xf32, #tpu.memory_space<vmem_shared>>
        %dma_wait3A_81 = tpu.memref_slice %arg7[%add3A_72] : memref<10000xf32, #tpu.memory_space<vmem_shared>> -> memref<40xf32, #tpu.memory_space<vmem_shared>>
        %dma_wait3A_82 = arith.constant 0 : i32
        %dma_wait3A_83 = tpu.memref_slice %arg13[%dma_wait3A_82] : memref<160xf32, #tpu.memory_space<vmem>> -> memref<40xf32, #tpu.memory_space<vmem>>
        tpu.wait_dma2 semaphore(%run_scoped3A : memref<!tpu.dma_semaphore, #tpu.memory_space<semaphore_mem>>) src(%dma_wait3A_83 : memref<40xf32, #tpu.memory_space<vmem>>) dst(%dma_wait3A_81 : memref<40xf32, #tpu.memory_space<vmem_shared>>)
        tpu.yield
      }) : () -> ()
    } else {
    }
    %barrier3A = arith.constant 0 : index
    tpu.barrier barrier_id(%barrier3A)
    %mul3A_13 = arith.constant 160 : i32
    %mul3A_14 = arith.muli %add3A, %mul3A_13 : i32
    %multiple_of3A = tpu.assume_multiple %mul3A_14, 8 : i32
    %dma_start3A = tpu.memref_slice %arg3[%multiple_of3A] : memref<320000xi32, #tpu.memory_space<hbm>> -> memref<160xi32, #tpu.memory_space<hbm>>
    %dma_start3A_15 = tpu.memref_slice %arg3[%multiple_of3A] : memref<320000xi32, #tpu.memory_space<hbm>> -> memref<160xi32, #tpu.memory_space<hbm>>
    tpu.enqueue_dma source(%dma_start3A_15 : memref<160xi32, #tpu.memory_space<hbm>>) target(%arg8 : memref<160xi32, #tpu.memory_space<vmem>>) target_semaphore(%arg14 : memref<!tpu.dma_semaphore, #tpu.memory_space<semaphore_mem>>)
    %dma_start3A_16 = arith.constant 0 : i32
    %dma_start3A_17 = tpu.memref_slice %arg2[%multiple_of3A, %dma_start3A_16] : memref<320000x128xf32, #tpu.memory_space<hbm>> -> memref<160x128xf32, #tpu.memory_space<hbm>>
    %dma_start3A_18 = arith.constant 0 : i32
    %dma_start3A_19 = tpu.memref_slice %arg2[%multiple_of3A, %dma_start3A_18] : memref<320000x128xf32, #tpu.memory_space<hbm>> -> memref<160x128xf32, #tpu.memory_space<hbm>>
    tpu.enqueue_dma source(%dma_start3A_19 : memref<160x128xf32, #tpu.memory_space<hbm>>) target(%arg9 : memref<160x128xf32, #tpu.memory_space<vmem>>) target_semaphore(%arg14 : memref<!tpu.dma_semaphore, #tpu.memory_space<semaphore_mem>>)
    %add3A_20 = arith.constant 32 : i32
    %add3A_21 = arith.addi %add3A, %add3A_20 : i32
    %mul3A_22 = arith.constant 160 : i32
    %mul3A_23 = arith.muli %add3A_21, %mul3A_22 : i32
    %multiple_of3A_24 = tpu.assume_multiple %mul3A_23, 8 : i32
    %dma_start3A_25 = tpu.memref_slice %arg3[%multiple_of3A_24] : memref<320000xi32, #tpu.memory_space<hbm>> -> memref<160xi32, #tpu.memory_space<hbm>>
    %dma_start3A_26 = tpu.memref_slice %arg3[%multiple_of3A_24] : memref<320000xi32, #tpu.memory_space<hbm>> -> memref<160xi32, #tpu.memory_space<hbm>>
    tpu.enqueue_dma source(%dma_start3A_26 : memref<160xi32, #tpu.memory_space<hbm>>) target(%arg10 : memref<160xi32, #tpu.memory_space<vmem>>) target_semaphore(%arg15 : memref<!tpu.dma_semaphore, #tpu.memory_space<semaphore_mem>>)
    %dma_start3A_27 = arith.constant 0 : i32
    %dma_start3A_28 = tpu.memref_slice %arg2[%multiple_of3A_24, %dma_start3A_27] : memref<320000x128xf32, #tpu.memory_space<hbm>> -> memref<160x128xf32, #tpu.memory_space<hbm>>
    %dma_start3A_29 = arith.constant 0 : i32
    %dma_start3A_30 = tpu.memref_slice %arg2[%multiple_of3A_24, %dma_start3A_29] : memref<320000x128xf32, #tpu.memory_space<hbm>> -> memref<160x128xf32, #tpu.memory_space<hbm>>
    tpu.enqueue_dma source(%dma_start3A_30 : memref<160x128xf32, #tpu.memory_space<hbm>>) target(%arg11 : memref<160x128xf32, #tpu.memory_space<vmem>>) target_semaphore(%arg15 : memref<!tpu.dma_semaphore, #tpu.memory_space<semaphore_mem>>)
    %scan3A_31 = arith.constant 0 : i32
    %scan3A_32 = arith.constant 32 : i32
    %scan3A_33 = arith.addi %scan3A_31, %scan3A_32 : i32
    %scan3A_34 = arith.constant 1 : i32
    scf.for %scan3A_42 = %scan3A_31 to %scan3A_33 step %scan3A_34  : i32 {
      %mul3A_43 = arith.constant 1 : i32
      %mul3A_44 = arith.muli %scan3A_42, %mul3A_43 : i32
      %add3A_45 = arith.constant 0 : i32
      %add3A_46 = arith.addi %add3A_45, %mul3A_44 : i32
      %mul3A_47 = arith.constant 64 : i32
      %mul3A_48 = arith.muli %mul3A_47, %add3A_46 : i32
      %add3A_49 = arith.addi %add3A, %mul3A_48 : i32
      %lt3A_50 = arith.constant 2000 : i32
      %lt3A_51 = arith.cmpi slt, %add3A_49, %lt3A_50 : i32
      %convert_element_type3A_52 = arith.extui %lt3A_51 : i1 to i32
      %cond3A_53 = arith.constant 0 : i32
      %cond3A_54 = arith.cmpi ne, %convert_element_type3A_52, %cond3A_53 : i32
      scf.if %cond3A_54 {
        %dma_wait3A = arith.constant 0 : i32
        %dma_wait3A_65 = tpu.memref_slice %arg3[%dma_wait3A] : memref<320000xi32, #tpu.memory_space<hbm>> -> memref<160xi32, #tpu.memory_space<hbm>>
        %dma_wait3A_66 = arith.constant 0 : i32
        %dma_wait3A_67 = tpu.memref_slice %arg3[%dma_wait3A_66] : memref<320000xi32, #tpu.memory_space<hbm>> -> memref<160xi32, #tpu.memory_space<hbm>>
        tpu.wait_dma2 semaphore(%arg14 : memref<!tpu.dma_semaphore, #tpu.memory_space<semaphore_mem>>) src(%dma_wait3A_67 : memref<160xi32, #tpu.memory_space<hbm>>) dst(%arg8 : memref<160xi32, #tpu.memory_space<vmem>>)
        %dma_wait3A_68 = arith.constant 0 : i32
        %dma_wait3A_69 = arith.constant 0 : i32
        %dma_wait3A_70 = tpu.memref_slice %arg2[%dma_wait3A_68, %dma_wait3A_69] : memref<320000x128xf32, #tpu.memory_space<hbm>> -> memref<160x128xf32, #tpu.memory_space<hbm>>
        %dma_wait3A_71 = arith.constant 0 : i32
        %dma_wait3A_72 = arith.constant 0 : i32
        %dma_wait3A_73 = tpu.memref_slice %arg2[%dma_wait3A_71, %dma_wait3A_72] : memref<320000x128xf32, #tpu.memory_space<hbm>> -> memref<160x128xf32, #tpu.memory_space<hbm>>
        tpu.wait_dma2 semaphore(%arg14 : memref<!tpu.dma_semaphore, #tpu.memory_space<semaphore_mem>>) src(%dma_wait3A_73 : memref<160x128xf32, #tpu.memory_space<hbm>>) dst(%arg9 : memref<160x128xf32, #tpu.memory_space<vmem>>)
        "tpu.region"() ({
          %run_scoped3A = tpu.sem_alloc : memref<!tpu.dma_semaphore, #tpu.memory_space<semaphore_mem>>
          %dma_start3A_81 = arith.constant 0 : i32
          %dma_start3A_82 = arith.constant 0 : i32
          %dma_start3A_83 = tpu.memref_slice %arg6[%dma_start3A_81, %dma_start3A_82] : memref<10000x128xf32, #tpu.memory_space<vmem_shared>> -> memref<10000x128xf32, #tpu.memory_space<vmem_shared>>
          tpu.enqueue_indirect_dma source(%arg9 : memref<160x128xf32, #tpu.memory_space<vmem>>) target(%dma_start3A_83 : memref<10000x128xf32, #tpu.memory_space<vmem_shared>>) offsets(%arg8 : memref<160xi32, #tpu.memory_space<vmem>>) semaphore(%run_scoped3A : memref<!tpu.dma_semaphore, #tpu.memory_space<semaphore_mem>>) {add = true}
          %dma_wait3A_84 = arith.constant 0 : i32
          %dma_wait3A_85 = arith.constant 0 : i32
          %dma_wait3A_86 = tpu.memref_slice %arg6[%dma_wait3A_84, %dma_wait3A_85] : memref<10000x128xf32, #tpu.memory_space<vmem_shared>> -> memref<10000x128xf32, #tpu.memory_space<vmem_shared>>
          tpu.wait_indirect_dma semaphore(%run_scoped3A : memref<!tpu.dma_semaphore, #tpu.memory_space<semaphore_mem>>) src(%arg9 : memref<160x128xf32, #tpu.memory_space<vmem>>) dst(%dma_wait3A_86 : memref<10000x128xf32, #tpu.memory_space<vmem_shared>>)
          tpu.yield
        }) : () -> ()
        "tpu.region"() ({
          %run_scoped3A = tpu.sem_alloc : memref<!tpu.dma_semaphore, #tpu.memory_space<semaphore_mem>>
          %dma_start3A_81 = arith.constant 0 : i32
          %dma_start3A_82 = tpu.memref_slice %arg7[%dma_start3A_81] : memref<10000xf32, #tpu.memory_space<vmem_shared>> -> memref<10000xf32, #tpu.memory_space<vmem_shared>>
          tpu.enqueue_indirect_dma source(%arg12 : memref<160xf32, #tpu.memory_space<vmem>>) target(%dma_start3A_82 : memref<10000xf32, #tpu.memory_space<vmem_shared>>) offsets(%arg8 : memref<160xi32, #tpu.memory_space<vmem>>) semaphore(%run_scoped3A : memref<!tpu.dma_semaphore, #tpu.memory_space<semaphore_mem>>) {add = true}
          %dma_wait3A_83 = arith.constant 0 : i32
          %dma_wait3A_84 = tpu.memref_slice %arg7[%dma_wait3A_83] : memref<10000xf32, #tpu.memory_space<vmem_shared>> -> memref<10000xf32, #tpu.memory_space<vmem_shared>>
          tpu.wait_indirect_dma semaphore(%run_scoped3A : memref<!tpu.dma_semaphore, #tpu.memory_space<semaphore_mem>>) src(%arg12 : memref<160xf32, #tpu.memory_space<vmem>>) dst(%dma_wait3A_84 : memref<10000xf32, #tpu.memory_space<vmem_shared>>)
          tpu.yield
        }) : () -> ()
        %add3A_74 = arith.constant 64 : i32
        %add3A_75 = arith.addi %add3A_49, %add3A_74 : i32
        %lt3A_76 = arith.constant 2000 : i32
        %lt3A_77 = arith.cmpi slt, %add3A_75, %lt3A_76 : i32
        %convert_element_type3A_78 = arith.extui %lt3A_77 : i1 to i32
        %cond3A_79 = arith.constant 0 : i32
        %cond3A_80 = arith.cmpi ne, %convert_element_type3A_78, %cond3A_79 : i32
        scf.if %cond3A_80 {
          %mul3A_81 = arith.constant 160 : i32
          %mul3A_82 = arith.muli %add3A_75, %mul3A_81 : i32
          %multiple_of3A_83 = tpu.assume_multiple %mul3A_82, 8 : i32
          %dma_start3A_84 = tpu.memref_slice %arg3[%multiple_of3A_83] : memref<320000xi32, #tpu.memory_space<hbm>> -> memref<160xi32, #tpu.memory_space<hbm>>
          %dma_start3A_85 = tpu.memref_slice %arg3[%multiple_of3A_83] : memref<320000xi32, #tpu.memory_space<hbm>> -> memref<160xi32, #tpu.memory_space<hbm>>
          tpu.enqueue_dma source(%dma_start3A_85 : memref<160xi32, #tpu.memory_space<hbm>>) target(%arg8 : memref<160xi32, #tpu.memory_space<vmem>>) target_semaphore(%arg14 : memref<!tpu.dma_semaphore, #tpu.memory_space<semaphore_mem>>)
          %dma_start3A_86 = arith.constant 0 : i32
          %dma_start3A_87 = tpu.memref_slice %arg2[%multiple_of3A_83, %dma_start3A_86] : memref<320000x128xf32, #tpu.memory_space<hbm>> -> memref<160x128xf32, #tpu.memory_space<hbm>>
          %dma_start3A_88 = arith.constant 0 : i32
          %dma_start3A_89 = tpu.memref_slice %arg2[%multiple_of3A_83, %dma_start3A_88] : memref<320000x128xf32, #tpu.memory_space<hbm>> -> memref<160x128xf32, #tpu.memory_space<hbm>>
          tpu.enqueue_dma source(%dma_start3A_89 : memref<160x128xf32, #tpu.memory_space<hbm>>) target(%arg9 : memref<160x128xf32, #tpu.memory_space<vmem>>) target_semaphore(%arg14 : memref<!tpu.dma_semaphore, #tpu.memory_space<semaphore_mem>>)
        } else {
        }
      } else {
      }
      %add3A_55 = arith.constant 32 : i32
      %add3A_56 = arith.addi %add3A, %add3A_55 : i32
      %mul3A_57 = arith.constant 64 : i32
      %mul3A_58 = arith.muli %mul3A_57, %add3A_46 : i32
      %add3A_59 = arith.addi %add3A_56, %mul3A_58 : i32
      %lt3A_60 = arith.constant 2000 : i32
      %lt3A_61 = arith.cmpi slt, %add3A_59, %lt3A_60 : i32
      %convert_element_type3A_62 = arith.extui %lt3A_61 : i1 to i32
      %cond3A_63 = arith.constant 0 : i32
      %cond3A_64 = arith.cmpi ne, %convert_element_type3A_62, %cond3A_63 : i32
      scf.if %cond3A_64 {
        %dma_wait3A = arith.constant 0 : i32
        %dma_wait3A_65 = tpu.memref_slice %arg3[%dma_wait3A] : memref<320000xi32, #tpu.memory_space<hbm>> -> memref<160xi32, #tpu.memory_space<hbm>>
        %dma_wait3A_66 = arith.constant 0 : i32
        %dma_wait3A_67 = tpu.memref_slice %arg3[%dma_wait3A_66] : memref<320000xi32, #tpu.memory_space<hbm>> -> memref<160xi32, #tpu.memory_space<hbm>>
        tpu.wait_dma2 semaphore(%arg15 : memref<!tpu.dma_semaphore, #tpu.memory_space<semaphore_mem>>) src(%dma_wait3A_67 : memref<160xi32, #tpu.memory_space<hbm>>) dst(%arg10 : memref<160xi32, #tpu.memory_space<vmem>>)
        %dma_wait3A_68 = arith.constant 0 : i32
        %dma_wait3A_69 = arith.constant 0 : i32
        %dma_wait3A_70 = tpu.memref_slice %arg2[%dma_wait3A_68, %dma_wait3A_69] : memref<320000x128xf32, #tpu.memory_space<hbm>> -> memref<160x128xf32, #tpu.memory_space<hbm>>
        %dma_wait3A_71 = arith.constant 0 : i32
        %dma_wait3A_72 = arith.constant 0 : i32
        %dma_wait3A_73 = tpu.memref_slice %arg2[%dma_wait3A_71, %dma_wait3A_72] : memref<320000x128xf32, #tpu.memory_space<hbm>> -> memref<160x128xf32, #tpu.memory_space<hbm>>
        tpu.wait_dma2 semaphore(%arg15 : memref<!tpu.dma_semaphore, #tpu.memory_space<semaphore_mem>>) src(%dma_wait3A_73 : memref<160x128xf32, #tpu.memory_space<hbm>>) dst(%arg11 : memref<160x128xf32, #tpu.memory_space<vmem>>)
        "tpu.region"() ({
          %run_scoped3A = tpu.sem_alloc : memref<!tpu.dma_semaphore, #tpu.memory_space<semaphore_mem>>
          %dma_start3A_81 = arith.constant 0 : i32
          %dma_start3A_82 = arith.constant 0 : i32
          %dma_start3A_83 = tpu.memref_slice %arg6[%dma_start3A_81, %dma_start3A_82] : memref<10000x128xf32, #tpu.memory_space<vmem_shared>> -> memref<10000x128xf32, #tpu.memory_space<vmem_shared>>
          tpu.enqueue_indirect_dma source(%arg11 : memref<160x128xf32, #tpu.memory_space<vmem>>) target(%dma_start3A_83 : memref<10000x128xf32, #tpu.memory_space<vmem_shared>>) offsets(%arg10 : memref<160xi32, #tpu.memory_space<vmem>>) semaphore(%run_scoped3A : memref<!tpu.dma_semaphore, #tpu.memory_space<semaphore_mem>>) {add = true}
          %dma_wait3A_84 = arith.constant 0 : i32
          %dma_wait3A_85 = arith.constant 0 : i32
          %dma_wait3A_86 = tpu.memref_slice %arg6[%dma_wait3A_84, %dma_wait3A_85] : memref<10000x128xf32, #tpu.memory_space<vmem_shared>> -> memref<10000x128xf32, #tpu.memory_space<vmem_shared>>
          tpu.wait_indirect_dma semaphore(%run_scoped3A : memref<!tpu.dma_semaphore, #tpu.memory_space<semaphore_mem>>) src(%arg11 : memref<160x128xf32, #tpu.memory_space<vmem>>) dst(%dma_wait3A_86 : memref<10000x128xf32, #tpu.memory_space<vmem_shared>>)
          tpu.yield
        }) : () -> ()
        "tpu.region"() ({
          %run_scoped3A = tpu.sem_alloc : memref<!tpu.dma_semaphore, #tpu.memory_space<semaphore_mem>>
          %dma_start3A_81 = arith.constant 0 : i32
          %dma_start3A_82 = tpu.memref_slice %arg7[%dma_start3A_81] : memref<10000xf32, #tpu.memory_space<vmem_shared>> -> memref<10000xf32, #tpu.memory_space<vmem_shared>>
          tpu.enqueue_indirect_dma source(%arg12 : memref<160xf32, #tpu.memory_space<vmem>>) target(%dma_start3A_82 : memref<10000xf32, #tpu.memory_space<vmem_shared>>) offsets(%arg10 : memref<160xi32, #tpu.memory_space<vmem>>) semaphore(%run_scoped3A : memref<!tpu.dma_semaphore, #tpu.memory_space<semaphore_mem>>) {add = true}
          %dma_wait3A_83 = arith.constant 0 : i32
          %dma_wait3A_84 = tpu.memref_slice %arg7[%dma_wait3A_83] : memref<10000xf32, #tpu.memory_space<vmem_shared>> -> memref<10000xf32, #tpu.memory_space<vmem_shared>>
          tpu.wait_indirect_dma semaphore(%run_scoped3A : memref<!tpu.dma_semaphore, #tpu.memory_space<semaphore_mem>>) src(%arg12 : memref<160xf32, #tpu.memory_space<vmem>>) dst(%dma_wait3A_84 : memref<10000xf32, #tpu.memory_space<vmem_shared>>)
          tpu.yield
        }) : () -> ()
        %add3A_74 = arith.constant 64 : i32
        %add3A_75 = arith.addi %add3A_59, %add3A_74 : i32
        %lt3A_76 = arith.constant 2000 : i32
        %lt3A_77 = arith.cmpi slt, %add3A_75, %lt3A_76 : i32
        %convert_element_type3A_78 = arith.extui %lt3A_77 : i1 to i32
        %cond3A_79 = arith.constant 0 : i32
        %cond3A_80 = arith.cmpi ne, %convert_element_type3A_78, %cond3A_79 : i32
        scf.if %cond3A_80 {
          %mul3A_81 = arith.constant 160 : i32
          %mul3A_82 = arith.muli %add3A_75, %mul3A_81 : i32
          %multiple_of3A_83 = tpu.assume_multiple %mul3A_82, 8 : i32
          %dma_start3A_84 = tpu.memref_slice %arg3[%multiple_of3A_83] : memref<320000xi32, #tpu.memory_space<hbm>> -> memref<160xi32, #tpu.memory_space<hbm>>
          %dma_start3A_85 = tpu.memref_slice %arg3[%multiple_of3A_83] : memref<320000xi32, #tpu.memory_space<hbm>> -> memref<160xi32, #tpu.memory_space<hbm>>
          tpu.enqueue_dma source(%dma_start3A_85 : memref<160xi32, #tpu.memory_space<hbm>>) target(%arg10 : memref<160xi32, #tpu.memory_space<vmem>>) target_semaphore(%arg15 : memref<!tpu.dma_semaphore, #tpu.memory_space<semaphore_mem>>)
          %dma_start3A_86 = arith.constant 0 : i32
          %dma_start3A_87 = tpu.memref_slice %arg2[%multiple_of3A_83, %dma_start3A_86] : memref<320000x128xf32, #tpu.memory_space<hbm>> -> memref<160x128xf32, #tpu.memory_space<hbm>>
          %dma_start3A_88 = arith.constant 0 : i32
          %dma_start3A_89 = tpu.memref_slice %arg2[%multiple_of3A_83, %dma_start3A_88] : memref<320000x128xf32, #tpu.memory_space<hbm>> -> memref<160x128xf32, #tpu.memory_space<hbm>>
          tpu.enqueue_dma source(%dma_start3A_89 : memref<160x128xf32, #tpu.memory_space<hbm>>) target(%arg11 : memref<160x128xf32, #tpu.memory_space<vmem>>) target_semaphore(%arg15 : memref<!tpu.dma_semaphore, #tpu.memory_space<semaphore_mem>>)
        } else {
        }
      } else {
      }
    }
    %scan3A_35 = arith.constant 32 : i32
    %barrier3A_36 = arith.constant 0 : index
    tpu.barrier barrier_id(%barrier3A_36)
    %lt3A_37 = arith.constant 10 : i32
    %lt3A_38 = arith.cmpi slt, %arg1, %lt3A_37 : i32
    %convert_element_type3A_39 = arith.extui %lt3A_38 : i1 to i32
    %cond3A_40 = arith.constant 0 : i32
    %cond3A_41 = arith.cmpi ne, %convert_element_type3A_39, %cond3A_40 : i32
    scf.if %cond3A_41 {
      %mul3A_42 = arith.constant 1000 : i32
      %mul3A_43 = arith.muli %arg1, %mul3A_42 : i32
      %multiple_of3A_44 = tpu.assume_multiple %mul3A_43, 8 : i32
      %add3A_45 = arith.constant 0 : i32
      %add3A_46 = arith.addi %multiple_of3A_44, %add3A_45 : i32
      "tpu.region"() ({
        %run_scoped3A = tpu.sem_alloc : memref<!tpu.dma_semaphore, #tpu.memory_space<semaphore_mem>>
        %dma_start3A_143 = arith.constant 0 : i32
        %dma_start3A_144 = arith.constant 0 : i32
        %dma_start3A_145 = tpu.memref_slice %arg9[%dma_start3A_143, %dma_start3A_144] : memref<160x128xf32, #tpu.memory_space<vmem>> -> memref<160x128xf32, #tpu.memory_space<vmem>>
        %dma_start3A_146 = arith.constant 0 : i32
        %dma_start3A_147 = tpu.memref_slice %arg6[%add3A_46, %dma_start3A_146] : memref<10000x128xf32, #tpu.memory_space<vmem_shared>> -> memref<160x128xf32, #tpu.memory_space<vmem_shared>>
        %dma_start3A_148 = arith.constant 0 : i32
        %dma_start3A_149 = arith.constant 0 : i32
        %dma_start3A_150 = tpu.memref_slice %arg9[%dma_start3A_148, %dma_start3A_149] : memref<160x128xf32, #tpu.memory_space<vmem>> -> memref<160x128xf32, #tpu.memory_space<vmem>>
        %dma_start3A_151 = arith.constant 0 : i32
        %dma_start3A_152 = tpu.memref_slice %arg6[%add3A_46, %dma_start3A_151] : memref<10000x128xf32, #tpu.memory_space<vmem_shared>> -> memref<160x128xf32, #tpu.memory_space<vmem_shared>>
        tpu.enqueue_dma source(%dma_start3A_152 : memref<160x128xf32, #tpu.memory_space<vmem_shared>>) target(%dma_start3A_150 : memref<160x128xf32, #tpu.memory_space<vmem>>) target_semaphore(%run_scoped3A : memref<!tpu.dma_semaphore, #tpu.memory_space<semaphore_mem>>)
        %dma_wait3A = arith.constant 0 : i32
        %dma_wait3A_153 = arith.constant 0 : i32
        %dma_wait3A_154 = tpu.memref_slice %arg9[%dma_wait3A, %dma_wait3A_153] : memref<160x128xf32, #tpu.memory_space<vmem>> -> memref<160x128xf32, #tpu.memory_space<vmem>>
        %dma_wait3A_155 = arith.constant 0 : i32
        %dma_wait3A_156 = tpu.memref_slice %arg6[%add3A_46, %dma_wait3A_155] : memref<10000x128xf32, #tpu.memory_space<vmem_shared>> -> memref<160x128xf32, #tpu.memory_space<vmem_shared>>
        %dma_wait3A_157 = arith.constant 0 : i32
        %dma_wait3A_158 = arith.constant 0 : i32
        %dma_wait3A_159 = tpu.memref_slice %arg9[%dma_wait3A_157, %dma_wait3A_158] : memref<160x128xf32, #tpu.memory_space<vmem>> -> memref<160x128xf32, #tpu.memory_space<vmem>>
        %dma_wait3A_160 = arith.constant 0 : i32
        %dma_wait3A_161 = tpu.memref_slice %arg6[%add3A_46, %dma_wait3A_160] : memref<10000x128xf32, #tpu.memory_space<vmem_shared>> -> memref<160x128xf32, #tpu.memory_space<vmem_shared>>
        tpu.wait_dma2 semaphore(%run_scoped3A : memref<!tpu.dma_semaphore, #tpu.memory_space<semaphore_mem>>) src(%dma_wait3A_161 : memref<160x128xf32, #tpu.memory_space<vmem_shared>>) dst(%dma_wait3A_159 : memref<160x128xf32, #tpu.memory_space<vmem>>)
        tpu.yield
      }) : () -> ()
      %mul3A_47 = arith.constant 10000 : i32
      %mul3A_48 = arith.muli %arg0, %mul3A_47 : i32
      %add3A_49 = arith.addi %mul3A_48, %multiple_of3A_44 : i32
      %add3A_50 = arith.constant 0 : i32
      %add3A_51 = arith.addi %add3A_49, %add3A_50 : i32
      "tpu.region"() ({
        %run_scoped3A = tpu.sem_alloc : memref<!tpu.dma_semaphore, #tpu.memory_space<semaphore_mem>>
        %dma_start3A_143 = arith.constant 0 : i32
        %dma_start3A_144 = arith.constant 0 : i32
        %dma_start3A_145 = tpu.memref_slice %arg9[%dma_start3A_143, %dma_start3A_144] : memref<160x128xf32, #tpu.memory_space<vmem>> -> memref<160x128xf32, #tpu.memory_space<vmem>>
        %dma_start3A_146 = arith.constant 0 : i32
        %dma_start3A_147 = tpu.memref_slice %arg4[%add3A_51, %dma_start3A_146] : memref<20000x128xf32, #tpu.memory_space<hbm>> -> memref<160x128xf32, #tpu.memory_space<hbm>>
        %dma_start3A_148 = arith.constant 0 : i32
        %dma_start3A_149 = tpu.memref_slice %arg4[%add3A_51, %dma_start3A_148] : memref<20000x128xf32, #tpu.memory_space<hbm>> -> memref<160x128xf32, #tpu.memory_space<hbm>>
        %dma_start3A_150 = arith.constant 0 : i32
        %dma_start3A_151 = arith.constant 0 : i32
        %dma_start3A_152 = tpu.memref_slice %arg9[%dma_start3A_150, %dma_start3A_151] : memref<160x128xf32, #tpu.memory_space<vmem>> -> memref<160x128xf32, #tpu.memory_space<vmem>>
        tpu.enqueue_dma source(%dma_start3A_152 : memref<160x128xf32, #tpu.memory_space<vmem>>) target(%dma_start3A_149 : memref<160x128xf32, #tpu.memory_space<hbm>>) target_semaphore(%run_scoped3A : memref<!tpu.dma_semaphore, #tpu.memory_space<semaphore_mem>>)
        %dma_wait3A = arith.constant 0 : i32
        %dma_wait3A_153 = arith.constant 0 : i32
        %dma_wait3A_154 = tpu.memref_slice %arg9[%dma_wait3A, %dma_wait3A_153] : memref<160x128xf32, #tpu.memory_space<vmem>> -> memref<160x128xf32, #tpu.memory_space<vmem>>
        %dma_wait3A_155 = arith.constant 0 : i32
        %dma_wait3A_156 = tpu.memref_slice %arg4[%add3A_51, %dma_wait3A_155] : memref<20000x128xf32, #tpu.memory_space<hbm>> -> memref<160x128xf32, #tpu.memory_space<hbm>>
        %dma_wait3A_157 = arith.constant 0 : i32
        %dma_wait3A_158 = tpu.memref_slice %arg4[%add3A_51, %dma_wait3A_157] : memref<20000x128xf32, #tpu.memory_space<hbm>> -> memref<160x128xf32, #tpu.memory_space<hbm>>
        %dma_wait3A_159 = arith.constant 0 : i32
        %dma_wait3A_160 = arith.constant 0 : i32
        %dma_wait3A_161 = tpu.memref_slice %arg9[%dma_wait3A_159, %dma_wait3A_160] : memref<160x128xf32, #tpu.memory_space<vmem>> -> memref<160x128xf32, #tpu.memory_space<vmem>>
        tpu.wait_dma2 semaphore(%run_scoped3A : memref<!tpu.dma_semaphore, #tpu.memory_space<semaphore_mem>>) src(%dma_wait3A_161 : memref<160x128xf32, #tpu.memory_space<vmem>>) dst(%dma_wait3A_158 : memref<160x128xf32, #tpu.memory_space<hbm>>)
        tpu.yield
      }) : () -> ()
      %add3A_52 = arith.constant 0 : i32
      %add3A_53 = arith.addi %multiple_of3A_44, %add3A_52 : i32
      "tpu.region"() ({
        %run_scoped3A = tpu.sem_alloc : memref<!tpu.dma_semaphore, #tpu.memory_space<semaphore_mem>>
        %dma_start3A_143 = arith.constant 0 : i32
        %dma_start3A_144 = tpu.memref_slice %arg13[%dma_start3A_143] : memref<160xf32, #tpu.memory_space<vmem>> -> memref<160xf32, #tpu.memory_space<vmem>>
        %dma_start3A_145 = tpu.memref_slice %arg7[%add3A_53] : memref<10000xf32, #tpu.memory_space<vmem_shared>> -> memref<160xf32, #tpu.memory_space<vmem_shared>>
        %dma_start3A_146 = arith.constant 0 : i32
        %dma_start3A_147 = tpu.memref_slice %arg13[%dma_start3A_146] : memref<160xf32, #tpu.memory_space<vmem>> -> memref<160xf32, #tpu.memory_space<vmem>>
        %dma_start3A_148 = tpu.memref_slice %arg7[%add3A_53] : memref<10000xf32, #tpu.memory_space<vmem_shared>> -> memref<160xf32, #tpu.memory_space<vmem_shared>>
        tpu.enqueue_dma source(%dma_start3A_148 : memref<160xf32, #tpu.memory_space<vmem_shared>>) target(%dma_start3A_147 : memref<160xf32, #tpu.memory_space<vmem>>) target_semaphore(%run_scoped3A : memref<!tpu.dma_semaphore, #tpu.memory_space<semaphore_mem>>)
        %dma_wait3A = arith.constant 0 : i32
        %dma_wait3A_149 = tpu.memref_slice %arg13[%dma_wait3A] : memref<160xf32, #tpu.memory_space<vmem>> -> memref<160xf32, #tpu.memory_space<vmem>>
        %dma_wait3A_150 = tpu.memref_slice %arg7[%add3A_53] : memref<10000xf32, #tpu.memory_space<vmem_shared>> -> memref<160xf32, #tpu.memory_space<vmem_shared>>
        %dma_wait3A_151 = arith.constant 0 : i32
        %dma_wait3A_152 = tpu.memref_slice %arg13[%dma_wait3A_151] : memref<160xf32, #tpu.memory_space<vmem>> -> memref<160xf32, #tpu.memory_space<vmem>>
        %dma_wait3A_153 = tpu.memref_slice %arg7[%add3A_53] : memref<10000xf32, #tpu.memory_space<vmem_shared>> -> memref<160xf32, #tpu.memory_space<vmem_shared>>
        tpu.wait_dma2 semaphore(%run_scoped3A : memref<!tpu.dma_semaphore, #tpu.memory_space<semaphore_mem>>) src(%dma_wait3A_153 : memref<160xf32, #tpu.memory_space<vmem_shared>>) dst(%dma_wait3A_152 : memref<160xf32, #tpu.memory_space<vmem>>)
        tpu.yield
      }) : () -> ()
      %mul3A_54 = arith.constant 10000 : i32
      %mul3A_55 = arith.muli %arg0, %mul3A_54 : i32
      %add3A_56 = arith.addi %mul3A_55, %multiple_of3A_44 : i32
      %add3A_57 = arith.constant 0 : i32
      %add3A_58 = arith.addi %add3A_56, %add3A_57 : i32
      "tpu.region"() ({
        %run_scoped3A = tpu.sem_alloc : memref<!tpu.dma_semaphore, #tpu.memory_space<semaphore_mem>>
        %dma_start3A_143 = arith.constant 0 : i32
        %dma_start3A_144 = tpu.memref_slice %arg13[%dma_start3A_143] : memref<160xf32, #tpu.memory_space<vmem>> -> memref<160xf32, #tpu.memory_space<vmem>>
        %dma_start3A_145 = tpu.memref_slice %arg5[%add3A_58] : memref<20000xf32, #tpu.memory_space<hbm>> -> memref<160xf32, #tpu.memory_space<hbm>>
        %dma_start3A_146 = tpu.memref_slice %arg5[%add3A_58] : memref<20000xf32, #tpu.memory_space<hbm>> -> memref<160xf32, #tpu.memory_space<hbm>>
        %dma_start3A_147 = arith.constant 0 : i32
        %dma_start3A_148 = tpu.memref_slice %arg13[%dma_start3A_147] : memref<160xf32, #tpu.memory_space<vmem>> -> memref<160xf32, #tpu.memory_space<vmem>>
        tpu.enqueue_dma source(%dma_start3A_148 : memref<160xf32, #tpu.memory_space<vmem>>) target(%dma_start3A_146 : memref<160xf32, #tpu.memory_space<hbm>>) target_semaphore(%run_scoped3A : memref<!tpu.dma_semaphore, #tpu.memory_space<semaphore_mem>>)
        %dma_wait3A = arith.constant 0 : i32
        %dma_wait3A_149 = tpu.memref_slice %arg13[%dma_wait3A] : memref<160xf32, #tpu.memory_space<vmem>> -> memref<160xf32, #tpu.memory_space<vmem>>
        %dma_wait3A_150 = tpu.memref_slice %arg5[%add3A_58] : memref<20000xf32, #tpu.memory_space<hbm>> -> memref<160xf32, #tpu.memory_space<hbm>>
        %dma_wait3A_151 = tpu.memref_slice %arg5[%add3A_58] : memref<20000xf32, #tpu.memory_space<hbm>> -> memref<160xf32, #tpu.memory_space<hbm>>
        %dma_wait3A_152 = arith.constant 0 : i32
        %dma_wait3A_153 = tpu.memref_slice %arg13[%dma_wait3A_152] : memref<160xf32, #tpu.memory_space<vmem>> -> memref<160xf32, #tpu.memory_space<vmem>>
        tpu.wait_dma2 semaphore(%run_scoped3A : memref<!tpu.dma_semaphore, #tpu.memory_space<semaphore_mem>>) src(%dma_wait3A_153 : memref<160xf32, #tpu.memory_space<vmem>>) dst(%dma_wait3A_151 : memref<160xf32, #tpu.memory_space<hbm>>)
        tpu.yield
      }) : () -> ()
      %add3A_59 = arith.constant 160 : i32
      %add3A_60 = arith.addi %multiple_of3A_44, %add3A_59 : i32
      "tpu.region"() ({
        %run_scoped3A = tpu.sem_alloc : memref<!tpu.dma_semaphore, #tpu.memory_space<semaphore_mem>>
        %dma_start3A_143 = arith.constant 0 : i32
        %dma_start3A_144 = arith.constant 0 : i32
        %dma_start3A_145 = tpu.memref_slice %arg9[%dma_start3A_143, %dma_start3A_144] : memref<160x128xf32, #tpu.memory_space<vmem>> -> memref<160x128xf32, #tpu.memory_space<vmem>>
        %dma_start3A_146 = arith.constant 0 : i32
        %dma_start3A_147 = tpu.memref_slice %arg6[%add3A_60, %dma_start3A_146] : memref<10000x128xf32, #tpu.memory_space<vmem_shared>> -> memref<160x128xf32, #tpu.memory_space<vmem_shared>>
        %dma_start3A_148 = arith.constant 0 : i32
        %dma_start3A_149 = arith.constant 0 : i32
        %dma_start3A_150 = tpu.memref_slice %arg9[%dma_start3A_148, %dma_start3A_149] : memref<160x128xf32, #tpu.memory_space<vmem>> -> memref<160x128xf32, #tpu.memory_space<vmem>>
        %dma_start3A_151 = arith.constant 0 : i32
        %dma_start3A_152 = tpu.memref_slice %arg6[%add3A_60, %dma_start3A_151] : memref<10000x128xf32, #tpu.memory_space<vmem_shared>> -> memref<160x128xf32, #tpu.memory_space<vmem_shared>>
        tpu.enqueue_dma source(%dma_start3A_152 : memref<160x128xf32, #tpu.memory_space<vmem_shared>>) target(%dma_start3A_150 : memref<160x128xf32, #tpu.memory_space<vmem>>) target_semaphore(%run_scoped3A : memref<!tpu.dma_semaphore, #tpu.memory_space<semaphore_mem>>)
        %dma_wait3A = arith.constant 0 : i32
        %dma_wait3A_153 = arith.constant 0 : i32
        %dma_wait3A_154 = tpu.memref_slice %arg9[%dma_wait3A, %dma_wait3A_153] : memref<160x128xf32, #tpu.memory_space<vmem>> -> memref<160x128xf32, #tpu.memory_space<vmem>>
        %dma_wait3A_155 = arith.constant 0 : i32
        %dma_wait3A_156 = tpu.memref_slice %arg6[%add3A_60, %dma_wait3A_155] : memref<10000x128xf32, #tpu.memory_space<vmem_shared>> -> memref<160x128xf32, #tpu.memory_space<vmem_shared>>
        %dma_wait3A_157 = arith.constant 0 : i32
        %dma_wait3A_158 = arith.constant 0 : i32
        %dma_wait3A_159 = tpu.memref_slice %arg9[%dma_wait3A_157, %dma_wait3A_158] : memref<160x128xf32, #tpu.memory_space<vmem>> -> memref<160x128xf32, #tpu.memory_space<vmem>>
        %dma_wait3A_160 = arith.constant 0 : i32
        %dma_wait3A_161 = tpu.memref_slice %arg6[%add3A_60, %dma_wait3A_160] : memref<10000x128xf32, #tpu.memory_space<vmem_shared>> -> memref<160x128xf32, #tpu.memory_space<vmem_shared>>
        tpu.wait_dma2 semaphore(%run_scoped3A : memref<!tpu.dma_semaphore, #tpu.memory_space<semaphore_mem>>) src(%dma_wait3A_161 : memref<160x128xf32, #tpu.memory_space<vmem_shared>>) dst(%dma_wait3A_159 : memref<160x128xf32, #tpu.memory_space<vmem>>)
        tpu.yield
      }) : () -> ()
      %mul3A_61 = arith.constant 10000 : i32
      %mul3A_62 = arith.muli %arg0, %mul3A_61 : i32
      %add3A_63 = arith.addi %mul3A_62, %multiple_of3A_44 : i32
      %add3A_64 = arith.constant 160 : i32
      %add3A_65 = arith.addi %add3A_63, %add3A_64 : i32
      "tpu.region"() ({
        %run_scoped3A = tpu.sem_alloc : memref<!tpu.dma_semaphore, #tpu.memory_space<semaphore_mem>>
        %dma_start3A_143 = arith.constant 0 : i32
        %dma_start3A_144 = arith.constant 0 : i32
        %dma_start3A_145 = tpu.memref_slice %arg9[%dma_start3A_143, %dma_start3A_144] : memref<160x128xf32, #tpu.memory_space<vmem>> -> memref<160x128xf32, #tpu.memory_space<vmem>>
        %dma_start3A_146 = arith.constant 0 : i32
        %dma_start3A_147 = tpu.memref_slice %arg4[%add3A_65, %dma_start3A_146] : memref<20000x128xf32, #tpu.memory_space<hbm>> -> memref<160x128xf32, #tpu.memory_space<hbm>>
        %dma_start3A_148 = arith.constant 0 : i32
        %dma_start3A_149 = tpu.memref_slice %arg4[%add3A_65, %dma_start3A_148] : memref<20000x128xf32, #tpu.memory_space<hbm>> -> memref<160x128xf32, #tpu.memory_space<hbm>>
        %dma_start3A_150 = arith.constant 0 : i32
        %dma_start3A_151 = arith.constant 0 : i32
        %dma_start3A_152 = tpu.memref_slice %arg9[%dma_start3A_150, %dma_start3A_151] : memref<160x128xf32, #tpu.memory_space<vmem>> -> memref<160x128xf32, #tpu.memory_space<vmem>>
        tpu.enqueue_dma source(%dma_start3A_152 : memref<160x128xf32, #tpu.memory_space<vmem>>) target(%dma_start3A_149 : memref<160x128xf32, #tpu.memory_space<hbm>>) target_semaphore(%run_scoped3A : memref<!tpu.dma_semaphore, #tpu.memory_space<semaphore_mem>>)
        %dma_wait3A = arith.constant 0 : i32
        %dma_wait3A_153 = arith.constant 0 : i32
        %dma_wait3A_154 = tpu.memref_slice %arg9[%dma_wait3A, %dma_wait3A_153] : memref<160x128xf32, #tpu.memory_space<vmem>> -> memref<160x128xf32, #tpu.memory_space<vmem>>
        %dma_wait3A_155 = arith.constant 0 : i32
        %dma_wait3A_156 = tpu.memref_slice %arg4[%add3A_65, %dma_wait3A_155] : memref<20000x128xf32, #tpu.memory_space<hbm>> -> memref<160x128xf32, #tpu.memory_space<hbm>>
        %dma_wait3A_157 = arith.constant 0 : i32
        %dma_wait3A_158 = tpu.memref_slice %arg4[%add3A_65, %dma_wait3A_157] : memref<20000x128xf32, #tpu.memory_space<hbm>> -> memref<160x128xf32, #tpu.memory_space<hbm>>
        %dma_wait3A_159 = arith.constant 0 : i32
        %dma_wait3A_160 = arith.constant 0 : i32
        %dma_wait3A_161 = tpu.memref_slice %arg9[%dma_wait3A_159, %dma_wait3A_160] : memref<160x128xf32, #tpu.memory_space<vmem>> -> memref<160x128xf32, #tpu.memory_space<vmem>>
        tpu.wait_dma2 semaphore(%run_scoped3A : memref<!tpu.dma_semaphore, #tpu.memory_space<semaphore_mem>>) src(%dma_wait3A_161 : memref<160x128xf32, #tpu.memory_space<vmem>>) dst(%dma_wait3A_158 : memref<160x128xf32, #tpu.memory_space<hbm>>)
        tpu.yield
      }) : () -> ()
      %add3A_66 = arith.constant 160 : i32
      %add3A_67 = arith.addi %multiple_of3A_44, %add3A_66 : i32
      "tpu.region"() ({
        %run_scoped3A = tpu.sem_alloc : memref<!tpu.dma_semaphore, #tpu.memory_space<semaphore_mem>>
        %dma_start3A_143 = arith.constant 0 : i32
        %dma_start3A_144 = tpu.memref_slice %arg13[%dma_start3A_143] : memref<160xf32, #tpu.memory_space<vmem>> -> memref<160xf32, #tpu.memory_space<vmem>>
        %dma_start3A_145 = tpu.memref_slice %arg7[%add3A_67] : memref<10000xf32, #tpu.memory_space<vmem_shared>> -> memref<160xf32, #tpu.memory_space<vmem_shared>>
        %dma_start3A_146 = arith.constant 0 : i32
        %dma_start3A_147 = tpu.memref_slice %arg13[%dma_start3A_146] : memref<160xf32, #tpu.memory_space<vmem>> -> memref<160xf32, #tpu.memory_space<vmem>>
        %dma_start3A_148 = tpu.memref_slice %arg7[%add3A_67] : memref<10000xf32, #tpu.memory_space<vmem_shared>> -> memref<160xf32, #tpu.memory_space<vmem_shared>>
        tpu.enqueue_dma source(%dma_start3A_148 : memref<160xf32, #tpu.memory_space<vmem_shared>>) target(%dma_start3A_147 : memref<160xf32, #tpu.memory_space<vmem>>) target_semaphore(%run_scoped3A : memref<!tpu.dma_semaphore, #tpu.memory_space<semaphore_mem>>)
        %dma_wait3A = arith.constant 0 : i32
        %dma_wait3A_149 = tpu.memref_slice %arg13[%dma_wait3A] : memref<160xf32, #tpu.memory_space<vmem>> -> memref<160xf32, #tpu.memory_space<vmem>>
        %dma_wait3A_150 = tpu.memref_slice %arg7[%add3A_67] : memref<10000xf32, #tpu.memory_space<vmem_shared>> -> memref<160xf32, #tpu.memory_space<vmem_shared>>
        %dma_wait3A_151 = arith.constant 0 : i32
        %dma_wait3A_152 = tpu.memref_slice %arg13[%dma_wait3A_151] : memref<160xf32, #tpu.memory_space<vmem>> -> memref<160xf32, #tpu.memory_space<vmem>>
        %dma_wait3A_153 = tpu.memref_slice %arg7[%add3A_67] : memref<10000xf32, #tpu.memory_space<vmem_shared>> -> memref<160xf32, #tpu.memory_space<vmem_shared>>
        tpu.wait_dma2 semaphore(%run_scoped3A : memref<!tpu.dma_semaphore, #tpu.memory_space<semaphore_mem>>) src(%dma_wait3A_153 : memref<160xf32, #tpu.memory_space<vmem_shared>>) dst(%dma_wait3A_152 : memref<160xf32, #tpu.memory_space<vmem>>)
        tpu.yield
      }) : () -> ()
      %mul3A_68 = arith.constant 10000 : i32
      %mul3A_69 = arith.muli %arg0, %mul3A_68 : i32
      %add3A_70 = arith.addi %mul3A_69, %multiple_of3A_44 : i32
      %add3A_71 = arith.constant 160 : i32
      %add3A_72 = arith.addi %add3A_70, %add3A_71 : i32
      "tpu.region"() ({
        %run_scoped3A = tpu.sem_alloc : memref<!tpu.dma_semaphore, #tpu.memory_space<semaphore_mem>>
        %dma_start3A_143 = arith.constant 0 : i32
        %dma_start3A_144 = tpu.memref_slice %arg13[%dma_start3A_143] : memref<160xf32, #tpu.memory_space<vmem>> -> memref<160xf32, #tpu.memory_space<vmem>>
        %dma_start3A_145 = tpu.memref_slice %arg5[%add3A_72] : memref<20000xf32, #tpu.memory_space<hbm>> -> memref<160xf32, #tpu.memory_space<hbm>>
        %dma_start3A_146 = tpu.memref_slice %arg5[%add3A_72] : memref<20000xf32, #tpu.memory_space<hbm>> -> memref<160xf32, #tpu.memory_space<hbm>>
        %dma_start3A_147 = arith.constant 0 : i32
        %dma_start3A_148 = tpu.memref_slice %arg13[%dma_start3A_147] : memref<160xf32, #tpu.memory_space<vmem>> -> memref<160xf32, #tpu.memory_space<vmem>>
        tpu.enqueue_dma source(%dma_start3A_148 : memref<160xf32, #tpu.memory_space<vmem>>) target(%dma_start3A_146 : memref<160xf32, #tpu.memory_space<hbm>>) target_semaphore(%run_scoped3A : memref<!tpu.dma_semaphore, #tpu.memory_space<semaphore_mem>>)
        %dma_wait3A = arith.constant 0 : i32
        %dma_wait3A_149 = tpu.memref_slice %arg13[%dma_wait3A] : memref<160xf32, #tpu.memory_space<vmem>> -> memref<160xf32, #tpu.memory_space<vmem>>
        %dma_wait3A_150 = tpu.memref_slice %arg5[%add3A_72] : memref<20000xf32, #tpu.memory_space<hbm>> -> memref<160xf32, #tpu.memory_space<hbm>>
        %dma_wait3A_151 = tpu.memref_slice %arg5[%add3A_72] : memref<20000xf32, #tpu.memory_space<hbm>> -> memref<160xf32, #tpu.memory_space<hbm>>
        %dma_wait3A_152 = arith.constant 0 : i32
        %dma_wait3A_153 = tpu.memref_slice %arg13[%dma_wait3A_152] : memref<160xf32, #tpu.memory_space<vmem>> -> memref<160xf32, #tpu.memory_space<vmem>>
        tpu.wait_dma2 semaphore(%run_scoped3A : memref<!tpu.dma_semaphore, #tpu.memory_space<semaphore_mem>>) src(%dma_wait3A_153 : memref<160xf32, #tpu.memory_space<vmem>>) dst(%dma_wait3A_151 : memref<160xf32, #tpu.memory_space<hbm>>)
        tpu.yield
      }) : () -> ()
      %add3A_73 = arith.constant 320 : i32
      %add3A_74 = arith.addi %multiple_of3A_44, %add3A_73 : i32
      "tpu.region"() ({
        %run_scoped3A = tpu.sem_alloc : memref<!tpu.dma_semaphore, #tpu.memory_space<semaphore_mem>>
        %dma_start3A_143 = arith.constant 0 : i32
        %dma_start3A_144 = arith.constant 0 : i32
        %dma_start3A_145 = tpu.memref_slice %arg9[%dma_start3A_143, %dma_start3A_144] : memref<160x128xf32, #tpu.memory_space<vmem>> -> memref<160x128xf32, #tpu.memory_space<vmem>>
        %dma_start3A_146 = arith.constant 0 : i32
        %dma_start3A_147 = tpu.memref_slice %arg6[%add3A_74, %dma_start3A_146] : memref<10000x128xf32, #tpu.memory_space<vmem_shared>> -> memref<160x128xf32, #tpu.memory_space<vmem_shared>>
        %dma_start3A_148 = arith.constant 0 : i32
        %dma_start3A_149 = arith.constant 0 : i32
        %dma_start3A_150 = tpu.memref_slice %arg9[%dma_start3A_148, %dma_start3A_149] : memref<160x128xf32, #tpu.memory_space<vmem>> -> memref<160x128xf32, #tpu.memory_space<vmem>>
        %dma_start3A_151 = arith.constant 0 : i32
        %dma_start3A_152 = tpu.memref_slice %arg6[%add3A_74, %dma_start3A_151] : memref<10000x128xf32, #tpu.memory_space<vmem_shared>> -> memref<160x128xf32, #tpu.memory_space<vmem_shared>>
        tpu.enqueue_dma source(%dma_start3A_152 : memref<160x128xf32, #tpu.memory_space<vmem_shared>>) target(%dma_start3A_150 : memref<160x128xf32, #tpu.memory_space<vmem>>) target_semaphore(%run_scoped3A : memref<!tpu.dma_semaphore, #tpu.memory_space<semaphore_mem>>)
        %dma_wait3A = arith.constant 0 : i32
        %dma_wait3A_153 = arith.constant 0 : i32
        %dma_wait3A_154 = tpu.memref_slice %arg9[%dma_wait3A, %dma_wait3A_153] : memref<160x128xf32, #tpu.memory_space<vmem>> -> memref<160x128xf32, #tpu.memory_space<vmem>>
        %dma_wait3A_155 = arith.constant 0 : i32
        %dma_wait3A_156 = tpu.memref_slice %arg6[%add3A_74, %dma_wait3A_155] : memref<10000x128xf32, #tpu.memory_space<vmem_shared>> -> memref<160x128xf32, #tpu.memory_space<vmem_shared>>
        %dma_wait3A_157 = arith.constant 0 : i32
        %dma_wait3A_158 = arith.constant 0 : i32
        %dma_wait3A_159 = tpu.memref_slice %arg9[%dma_wait3A_157, %dma_wait3A_158] : memref<160x128xf32, #tpu.memory_space<vmem>> -> memref<160x128xf32, #tpu.memory_space<vmem>>
        %dma_wait3A_160 = arith.constant 0 : i32
        %dma_wait3A_161 = tpu.memref_slice %arg6[%add3A_74, %dma_wait3A_160] : memref<10000x128xf32, #tpu.memory_space<vmem_shared>> -> memref<160x128xf32, #tpu.memory_space<vmem_shared>>
        tpu.wait_dma2 semaphore(%run_scoped3A : memref<!tpu.dma_semaphore, #tpu.memory_space<semaphore_mem>>) src(%dma_wait3A_161 : memref<160x128xf32, #tpu.memory_space<vmem_shared>>) dst(%dma_wait3A_159 : memref<160x128xf32, #tpu.memory_space<vmem>>)
        tpu.yield
      }) : () -> ()
      %mul3A_75 = arith.constant 10000 : i32
      %mul3A_76 = arith.muli %arg0, %mul3A_75 : i32
      %add3A_77 = arith.addi %mul3A_76, %multiple_of3A_44 : i32
      %add3A_78 = arith.constant 320 : i32
      %add3A_79 = arith.addi %add3A_77, %add3A_78 : i32
      "tpu.region"() ({
        %run_scoped3A = tpu.sem_alloc : memref<!tpu.dma_semaphore, #tpu.memory_space<semaphore_mem>>
        %dma_start3A_143 = arith.constant 0 : i32
        %dma_start3A_144 = arith.constant 0 : i32
        %dma_start3A_145 = tpu.memref_slice %arg9[%dma_start3A_143, %dma_start3A_144] : memref<160x128xf32, #tpu.memory_space<vmem>> -> memref<160x128xf32, #tpu.memory_space<vmem>>
        %dma_start3A_146 = arith.constant 0 : i32
        %dma_start3A_147 = tpu.memref_slice %arg4[%add3A_79, %dma_start3A_146] : memref<20000x128xf32, #tpu.memory_space<hbm>> -> memref<160x128xf32, #tpu.memory_space<hbm>>
        %dma_start3A_148 = arith.constant 0 : i32
        %dma_start3A_149 = tpu.memref_slice %arg4[%add3A_79, %dma_start3A_148] : memref<20000x128xf32, #tpu.memory_space<hbm>> -> memref<160x128xf32, #tpu.memory_space<hbm>>
        %dma_start3A_150 = arith.constant 0 : i32
        %dma_start3A_151 = arith.constant 0 : i32
        %dma_start3A_152 = tpu.memref_slice %arg9[%dma_start3A_150, %dma_start3A_151] : memref<160x128xf32, #tpu.memory_space<vmem>> -> memref<160x128xf32, #tpu.memory_space<vmem>>
        tpu.enqueue_dma source(%dma_start3A_152 : memref<160x128xf32, #tpu.memory_space<vmem>>) target(%dma_start3A_149 : memref<160x128xf32, #tpu.memory_space<hbm>>) target_semaphore(%run_scoped3A : memref<!tpu.dma_semaphore, #tpu.memory_space<semaphore_mem>>)
        %dma_wait3A = arith.constant 0 : i32
        %dma_wait3A_153 = arith.constant 0 : i32
        %dma_wait3A_154 = tpu.memref_slice %arg9[%dma_wait3A, %dma_wait3A_153] : memref<160x128xf32, #tpu.memory_space<vmem>> -> memref<160x128xf32, #tpu.memory_space<vmem>>
        %dma_wait3A_155 = arith.constant 0 : i32
        %dma_wait3A_156 = tpu.memref_slice %arg4[%add3A_79, %dma_wait3A_155] : memref<20000x128xf32, #tpu.memory_space<hbm>> -> memref<160x128xf32, #tpu.memory_space<hbm>>
        %dma_wait3A_157 = arith.constant 0 : i32
        %dma_wait3A_158 = tpu.memref_slice %arg4[%add3A_79, %dma_wait3A_157] : memref<20000x128xf32, #tpu.memory_space<hbm>> -> memref<160x128xf32, #tpu.memory_space<hbm>>
        %dma_wait3A_159 = arith.constant 0 : i32
        %dma_wait3A_160 = arith.constant 0 : i32
        %dma_wait3A_161 = tpu.memref_slice %arg9[%dma_wait3A_159, %dma_wait3A_160] : memref<160x128xf32, #tpu.memory_space<vmem>> -> memref<160x128xf32, #tpu.memory_space<vmem>>
        tpu.wait_dma2 semaphore(%run_scoped3A : memref<!tpu.dma_semaphore, #tpu.memory_space<semaphore_mem>>) src(%dma_wait3A_161 : memref<160x128xf32, #tpu.memory_space<vmem>>) dst(%dma_wait3A_158 : memref<160x128xf32, #tpu.memory_space<hbm>>)
        tpu.yield
      }) : () -> ()
      %add3A_80 = arith.constant 320 : i32
      %add3A_81 = arith.addi %multiple_of3A_44, %add3A_80 : i32
      "tpu.region"() ({
        %run_scoped3A = tpu.sem_alloc : memref<!tpu.dma_semaphore, #tpu.memory_space<semaphore_mem>>
        %dma_start3A_143 = arith.constant 0 : i32
        %dma_start3A_144 = tpu.memref_slice %arg13[%dma_start3A_143] : memref<160xf32, #tpu.memory_space<vmem>> -> memref<160xf32, #tpu.memory_space<vmem>>
        %dma_start3A_145 = tpu.memref_slice %arg7[%add3A_81] : memref<10000xf32, #tpu.memory_space<vmem_shared>> -> memref<160xf32, #tpu.memory_space<vmem_shared>>
        %dma_start3A_146 = arith.constant 0 : i32
        %dma_start3A_147 = tpu.memref_slice %arg13[%dma_start3A_146] : memref<160xf32, #tpu.memory_space<vmem>> -> memref<160xf32, #tpu.memory_space<vmem>>
        %dma_start3A_148 = tpu.memref_slice %arg7[%add3A_81] : memref<10000xf32, #tpu.memory_space<vmem_shared>> -> memref<160xf32, #tpu.memory_space<vmem_shared>>
        tpu.enqueue_dma source(%dma_start3A_148 : memref<160xf32, #tpu.memory_space<vmem_shared>>) target(%dma_start3A_147 : memref<160xf32, #tpu.memory_space<vmem>>) target_semaphore(%run_scoped3A : memref<!tpu.dma_semaphore, #tpu.memory_space<semaphore_mem>>)
        %dma_wait3A = arith.constant 0 : i32
        %dma_wait3A_149 = tpu.memref_slice %arg13[%dma_wait3A] : memref<160xf32, #tpu.memory_space<vmem>> -> memref<160xf32, #tpu.memory_space<vmem>>
        %dma_wait3A_150 = tpu.memref_slice %arg7[%add3A_81] : memref<10000xf32, #tpu.memory_space<vmem_shared>> -> memref<160xf32, #tpu.memory_space<vmem_shared>>
        %dma_wait3A_151 = arith.constant 0 : i32
        %dma_wait3A_152 = tpu.memref_slice %arg13[%dma_wait3A_151] : memref<160xf32, #tpu.memory_space<vmem>> -> memref<160xf32, #tpu.memory_space<vmem>>
        %dma_wait3A_153 = tpu.memref_slice %arg7[%add3A_81] : memref<10000xf32, #tpu.memory_space<vmem_shared>> -> memref<160xf32, #tpu.memory_space<vmem_shared>>
        tpu.wait_dma2 semaphore(%run_scoped3A : memref<!tpu.dma_semaphore, #tpu.memory_space<semaphore_mem>>) src(%dma_wait3A_153 : memref<160xf32, #tpu.memory_space<vmem_shared>>) dst(%dma_wait3A_152 : memref<160xf32, #tpu.memory_space<vmem>>)
        tpu.yield
      }) : () -> ()
      %mul3A_82 = arith.constant 10000 : i32
      %mul3A_83 = arith.muli %arg0, %mul3A_82 : i32
      %add3A_84 = arith.addi %mul3A_83, %multiple_of3A_44 : i32
      %add3A_85 = arith.constant 320 : i32
      %add3A_86 = arith.addi %add3A_84, %add3A_85 : i32
      "tpu.region"() ({
        %run_scoped3A = tpu.sem_alloc : memref<!tpu.dma_semaphore, #tpu.memory_space<semaphore_mem>>
        %dma_start3A_143 = arith.constant 0 : i32
        %dma_start3A_144 = tpu.memref_slice %arg13[%dma_start3A_143] : memref<160xf32, #tpu.memory_space<vmem>> -> memref<160xf32, #tpu.memory_space<vmem>>
        %dma_start3A_145 = tpu.memref_slice %arg5[%add3A_86] : memref<20000xf32, #tpu.memory_space<hbm>> -> memref<160xf32, #tpu.memory_space<hbm>>
        %dma_start3A_146 = tpu.memref_slice %arg5[%add3A_86] : memref<20000xf32, #tpu.memory_space<hbm>> -> memref<160xf32, #tpu.memory_space<hbm>>
        %dma_start3A_147 = arith.constant 0 : i32
        %dma_start3A_148 = tpu.memref_slice %arg13[%dma_start3A_147] : memref<160xf32, #tpu.memory_space<vmem>> -> memref<160xf32, #tpu.memory_space<vmem>>
        tpu.enqueue_dma source(%dma_start3A_148 : memref<160xf32, #tpu.memory_space<vmem>>) target(%dma_start3A_146 : memref<160xf32, #tpu.memory_space<hbm>>) target_semaphore(%run_scoped3A : memref<!tpu.dma_semaphore, #tpu.memory_space<semaphore_mem>>)
        %dma_wait3A = arith.constant 0 : i32
        %dma_wait3A_149 = tpu.memref_slice %arg13[%dma_wait3A] : memref<160xf32, #tpu.memory_space<vmem>> -> memref<160xf32, #tpu.memory_space<vmem>>
        %dma_wait3A_150 = tpu.memref_slice %arg5[%add3A_86] : memref<20000xf32, #tpu.memory_space<hbm>> -> memref<160xf32, #tpu.memory_space<hbm>>
        %dma_wait3A_151 = tpu.memref_slice %arg5[%add3A_86] : memref<20000xf32, #tpu.memory_space<hbm>> -> memref<160xf32, #tpu.memory_space<hbm>>
        %dma_wait3A_152 = arith.constant 0 : i32
        %dma_wait3A_153 = tpu.memref_slice %arg13[%dma_wait3A_152] : memref<160xf32, #tpu.memory_space<vmem>> -> memref<160xf32, #tpu.memory_space<vmem>>
        tpu.wait_dma2 semaphore(%run_scoped3A : memref<!tpu.dma_semaphore, #tpu.memory_space<semaphore_mem>>) src(%dma_wait3A_153 : memref<160xf32, #tpu.memory_space<vmem>>) dst(%dma_wait3A_151 : memref<160xf32, #tpu.memory_space<hbm>>)
        tpu.yield
      }) : () -> ()
      %add3A_87 = arith.constant 480 : i32
      %add3A_88 = arith.addi %multiple_of3A_44, %add3A_87 : i32
      "tpu.region"() ({
        %run_scoped3A = tpu.sem_alloc : memref<!tpu.dma_semaphore, #tpu.memory_space<semaphore_mem>>
        %dma_start3A_143 = arith.constant 0 : i32
        %dma_start3A_144 = arith.constant 0 : i32
        %dma_start3A_145 = tpu.memref_slice %arg9[%dma_start3A_143, %dma_start3A_144] : memref<160x128xf32, #tpu.memory_space<vmem>> -> memref<160x128xf32, #tpu.memory_space<vmem>>
        %dma_start3A_146 = arith.constant 0 : i32
        %dma_start3A_147 = tpu.memref_slice %arg6[%add3A_88, %dma_start3A_146] : memref<10000x128xf32, #tpu.memory_space<vmem_shared>> -> memref<160x128xf32, #tpu.memory_space<vmem_shared>>
        %dma_start3A_148 = arith.constant 0 : i32
        %dma_start3A_149 = arith.constant 0 : i32
        %dma_start3A_150 = tpu.memref_slice %arg9[%dma_start3A_148, %dma_start3A_149] : memref<160x128xf32, #tpu.memory_space<vmem>> -> memref<160x128xf32, #tpu.memory_space<vmem>>
        %dma_start3A_151 = arith.constant 0 : i32
        %dma_start3A_152 = tpu.memref_slice %arg6[%add3A_88, %dma_start3A_151] : memref<10000x128xf32, #tpu.memory_space<vmem_shared>> -> memref<160x128xf32, #tpu.memory_space<vmem_shared>>
        tpu.enqueue_dma source(%dma_start3A_152 : memref<160x128xf32, #tpu.memory_space<vmem_shared>>) target(%dma_start3A_150 : memref<160x128xf32, #tpu.memory_space<vmem>>) target_semaphore(%run_scoped3A : memref<!tpu.dma_semaphore, #tpu.memory_space<semaphore_mem>>)
        %dma_wait3A = arith.constant 0 : i32
        %dma_wait3A_153 = arith.constant 0 : i32
        %dma_wait3A_154 = tpu.memref_slice %arg9[%dma_wait3A, %dma_wait3A_153] : memref<160x128xf32, #tpu.memory_space<vmem>> -> memref<160x128xf32, #tpu.memory_space<vmem>>
        %dma_wait3A_155 = arith.constant 0 : i32
        %dma_wait3A_156 = tpu.memref_slice %arg6[%add3A_88, %dma_wait3A_155] : memref<10000x128xf32, #tpu.memory_space<vmem_shared>> -> memref<160x128xf32, #tpu.memory_space<vmem_shared>>
        %dma_wait3A_157 = arith.constant 0 : i32
        %dma_wait3A_158 = arith.constant 0 : i32
        %dma_wait3A_159 = tpu.memref_slice %arg9[%dma_wait3A_157, %dma_wait3A_158] : memref<160x128xf32, #tpu.memory_space<vmem>> -> memref<160x128xf32, #tpu.memory_space<vmem>>
        %dma_wait3A_160 = arith.constant 0 : i32
        %dma_wait3A_161 = tpu.memref_slice %arg6[%add3A_88, %dma_wait3A_160] : memref<10000x128xf32, #tpu.memory_space<vmem_shared>> -> memref<160x128xf32, #tpu.memory_space<vmem_shared>>
        tpu.wait_dma2 semaphore(%run_scoped3A : memref<!tpu.dma_semaphore, #tpu.memory_space<semaphore_mem>>) src(%dma_wait3A_161 : memref<160x128xf32, #tpu.memory_space<vmem_shared>>) dst(%dma_wait3A_159 : memref<160x128xf32, #tpu.memory_space<vmem>>)
        tpu.yield
      }) : () -> ()
      %mul3A_89 = arith.constant 10000 : i32
      %mul3A_90 = arith.muli %arg0, %mul3A_89 : i32
      %add3A_91 = arith.addi %mul3A_90, %multiple_of3A_44 : i32
      %add3A_92 = arith.constant 480 : i32
      %add3A_93 = arith.addi %add3A_91, %add3A_92 : i32
      "tpu.region"() ({
        %run_scoped3A = tpu.sem_alloc : memref<!tpu.dma_semaphore, #tpu.memory_space<semaphore_mem>>
        %dma_start3A_143 = arith.constant 0 : i32
        %dma_start3A_144 = arith.constant 0 : i32
        %dma_start3A_145 = tpu.memref_slice %arg9[%dma_start3A_143, %dma_start3A_144] : memref<160x128xf32, #tpu.memory_space<vmem>> -> memref<160x128xf32, #tpu.memory_space<vmem>>
        %dma_start3A_146 = arith.constant 0 : i32
        %dma_start3A_147 = tpu.memref_slice %arg4[%add3A_93, %dma_start3A_146] : memref<20000x128xf32, #tpu.memory_space<hbm>> -> memref<160x128xf32, #tpu.memory_space<hbm>>
        %dma_start3A_148 = arith.constant 0 : i32
        %dma_start3A_149 = tpu.memref_slice %arg4[%add3A_93, %dma_start3A_148] : memref<20000x128xf32, #tpu.memory_space<hbm>> -> memref<160x128xf32, #tpu.memory_space<hbm>>
        %dma_start3A_150 = arith.constant 0 : i32
        %dma_start3A_151 = arith.constant 0 : i32
        %dma_start3A_152 = tpu.memref_slice %arg9[%dma_start3A_150, %dma_start3A_151] : memref<160x128xf32, #tpu.memory_space<vmem>> -> memref<160x128xf32, #tpu.memory_space<vmem>>
        tpu.enqueue_dma source(%dma_start3A_152 : memref<160x128xf32, #tpu.memory_space<vmem>>) target(%dma_start3A_149 : memref<160x128xf32, #tpu.memory_space<hbm>>) target_semaphore(%run_scoped3A : memref<!tpu.dma_semaphore, #tpu.memory_space<semaphore_mem>>)
        %dma_wait3A = arith.constant 0 : i32
        %dma_wait3A_153 = arith.constant 0 : i32
        %dma_wait3A_154 = tpu.memref_slice %arg9[%dma_wait3A, %dma_wait3A_153] : memref<160x128xf32, #tpu.memory_space<vmem>> -> memref<160x128xf32, #tpu.memory_space<vmem>>
        %dma_wait3A_155 = arith.constant 0 : i32
        %dma_wait3A_156 = tpu.memref_slice %arg4[%add3A_93, %dma_wait3A_155] : memref<20000x128xf32, #tpu.memory_space<hbm>> -> memref<160x128xf32, #tpu.memory_space<hbm>>
        %dma_wait3A_157 = arith.constant 0 : i32
        %dma_wait3A_158 = tpu.memref_slice %arg4[%add3A_93, %dma_wait3A_157] : memref<20000x128xf32, #tpu.memory_space<hbm>> -> memref<160x128xf32, #tpu.memory_space<hbm>>
        %dma_wait3A_159 = arith.constant 0 : i32
        %dma_wait3A_160 = arith.constant 0 : i32
        %dma_wait3A_161 = tpu.memref_slice %arg9[%dma_wait3A_159, %dma_wait3A_160] : memref<160x128xf32, #tpu.memory_space<vmem>> -> memref<160x128xf32, #tpu.memory_space<vmem>>
        tpu.wait_dma2 semaphore(%run_scoped3A : memref<!tpu.dma_semaphore, #tpu.memory_space<semaphore_mem>>) src(%dma_wait3A_161 : memref<160x128xf32, #tpu.memory_space<vmem>>) dst(%dma_wait3A_158 : memref<160x128xf32, #tpu.memory_space<hbm>>)
        tpu.yield
      }) : () -> ()
      %add3A_94 = arith.constant 480 : i32
      %add3A_95 = arith.addi %multiple_of3A_44, %add3A_94 : i32
      "tpu.region"() ({
        %run_scoped3A = tpu.sem_alloc : memref<!tpu.dma_semaphore, #tpu.memory_space<semaphore_mem>>
        %dma_start3A_143 = arith.constant 0 : i32
        %dma_start3A_144 = tpu.memref_slice %arg13[%dma_start3A_143] : memref<160xf32, #tpu.memory_space<vmem>> -> memref<160xf32, #tpu.memory_space<vmem>>
        %dma_start3A_145 = tpu.memref_slice %arg7[%add3A_95] : memref<10000xf32, #tpu.memory_space<vmem_shared>> -> memref<160xf32, #tpu.memory_space<vmem_shared>>
        %dma_start3A_146 = arith.constant 0 : i32
        %dma_start3A_147 = tpu.memref_slice %arg13[%dma_start3A_146] : memref<160xf32, #tpu.memory_space<vmem>> -> memref<160xf32, #tpu.memory_space<vmem>>
        %dma_start3A_148 = tpu.memref_slice %arg7[%add3A_95] : memref<10000xf32, #tpu.memory_space<vmem_shared>> -> memref<160xf32, #tpu.memory_space<vmem_shared>>
        tpu.enqueue_dma source(%dma_start3A_148 : memref<160xf32, #tpu.memory_space<vmem_shared>>) target(%dma_start3A_147 : memref<160xf32, #tpu.memory_space<vmem>>) target_semaphore(%run_scoped3A : memref<!tpu.dma_semaphore, #tpu.memory_space<semaphore_mem>>)
        %dma_wait3A = arith.constant 0 : i32
        %dma_wait3A_149 = tpu.memref_slice %arg13[%dma_wait3A] : memref<160xf32, #tpu.memory_space<vmem>> -> memref<160xf32, #tpu.memory_space<vmem>>
        %dma_wait3A_150 = tpu.memref_slice %arg7[%add3A_95] : memref<10000xf32, #tpu.memory_space<vmem_shared>> -> memref<160xf32, #tpu.memory_space<vmem_shared>>
        %dma_wait3A_151 = arith.constant 0 : i32
        %dma_wait3A_152 = tpu.memref_slice %arg13[%dma_wait3A_151] : memref<160xf32, #tpu.memory_space<vmem>> -> memref<160xf32, #tpu.memory_space<vmem>>
        %dma_wait3A_153 = tpu.memref_slice %arg7[%add3A_95] : memref<10000xf32, #tpu.memory_space<vmem_shared>> -> memref<160xf32, #tpu.memory_space<vmem_shared>>
        tpu.wait_dma2 semaphore(%run_scoped3A : memref<!tpu.dma_semaphore, #tpu.memory_space<semaphore_mem>>) src(%dma_wait3A_153 : memref<160xf32, #tpu.memory_space<vmem_shared>>) dst(%dma_wait3A_152 : memref<160xf32, #tpu.memory_space<vmem>>)
        tpu.yield
      }) : () -> ()
      %mul3A_96 = arith.constant 10000 : i32
      %mul3A_97 = arith.muli %arg0, %mul3A_96 : i32
      %add3A_98 = arith.addi %mul3A_97, %multiple_of3A_44 : i32
      %add3A_99 = arith.constant 480 : i32
      %add3A_100 = arith.addi %add3A_98, %add3A_99 : i32
      "tpu.region"() ({
        %run_scoped3A = tpu.sem_alloc : memref<!tpu.dma_semaphore, #tpu.memory_space<semaphore_mem>>
        %dma_start3A_143 = arith.constant 0 : i32
        %dma_start3A_144 = tpu.memref_slice %arg13[%dma_start3A_143] : memref<160xf32, #tpu.memory_space<vmem>> -> memref<160xf32, #tpu.memory_space<vmem>>
        %dma_start3A_145 = tpu.memref_slice %arg5[%add3A_100] : memref<20000xf32, #tpu.memory_space<hbm>> -> memref<160xf32, #tpu.memory_space<hbm>>
        %dma_start3A_146 = tpu.memref_slice %arg5[%add3A_100] : memref<20000xf32, #tpu.memory_space<hbm>> -> memref<160xf32, #tpu.memory_space<hbm>>
        %dma_start3A_147 = arith.constant 0 : i32
        %dma_start3A_148 = tpu.memref_slice %arg13[%dma_start3A_147] : memref<160xf32, #tpu.memory_space<vmem>> -> memref<160xf32, #tpu.memory_space<vmem>>
        tpu.enqueue_dma source(%dma_start3A_148 : memref<160xf32, #tpu.memory_space<vmem>>) target(%dma_start3A_146 : memref<160xf32, #tpu.memory_space<hbm>>) target_semaphore(%run_scoped3A : memref<!tpu.dma_semaphore, #tpu.memory_space<semaphore_mem>>)
        %dma_wait3A = arith.constant 0 : i32
        %dma_wait3A_149 = tpu.memref_slice %arg13[%dma_wait3A] : memref<160xf32, #tpu.memory_space<vmem>> -> memref<160xf32, #tpu.memory_space<vmem>>
        %dma_wait3A_150 = tpu.memref_slice %arg5[%add3A_100] : memref<20000xf32, #tpu.memory_space<hbm>> -> memref<160xf32, #tpu.memory_space<hbm>>
        %dma_wait3A_151 = tpu.memref_slice %arg5[%add3A_100] : memref<20000xf32, #tpu.memory_space<hbm>> -> memref<160xf32, #tpu.memory_space<hbm>>
        %dma_wait3A_152 = arith.constant 0 : i32
        %dma_wait3A_153 = tpu.memref_slice %arg13[%dma_wait3A_152] : memref<160xf32, #tpu.memory_space<vmem>> -> memref<160xf32, #tpu.memory_space<vmem>>
        tpu.wait_dma2 semaphore(%run_scoped3A : memref<!tpu.dma_semaphore, #tpu.memory_space<semaphore_mem>>) src(%dma_wait3A_153 : memref<160xf32, #tpu.memory_space<vmem>>) dst(%dma_wait3A_151 : memref<160xf32, #tpu.memory_space<hbm>>)
        tpu.yield
      }) : () -> ()
      %add3A_101 = arith.constant 640 : i32
      %add3A_102 = arith.addi %multiple_of3A_44, %add3A_101 : i32
      "tpu.region"() ({
        %run_scoped3A = tpu.sem_alloc : memref<!tpu.dma_semaphore, #tpu.memory_space<semaphore_mem>>
        %dma_start3A_143 = arith.constant 0 : i32
        %dma_start3A_144 = arith.constant 0 : i32
        %dma_start3A_145 = tpu.memref_slice %arg9[%dma_start3A_143, %dma_start3A_144] : memref<160x128xf32, #tpu.memory_space<vmem>> -> memref<160x128xf32, #tpu.memory_space<vmem>>
        %dma_start3A_146 = arith.constant 0 : i32
        %dma_start3A_147 = tpu.memref_slice %arg6[%add3A_102, %dma_start3A_146] : memref<10000x128xf32, #tpu.memory_space<vmem_shared>> -> memref<160x128xf32, #tpu.memory_space<vmem_shared>>
        %dma_start3A_148 = arith.constant 0 : i32
        %dma_start3A_149 = arith.constant 0 : i32
        %dma_start3A_150 = tpu.memref_slice %arg9[%dma_start3A_148, %dma_start3A_149] : memref<160x128xf32, #tpu.memory_space<vmem>> -> memref<160x128xf32, #tpu.memory_space<vmem>>
        %dma_start3A_151 = arith.constant 0 : i32
        %dma_start3A_152 = tpu.memref_slice %arg6[%add3A_102, %dma_start3A_151] : memref<10000x128xf32, #tpu.memory_space<vmem_shared>> -> memref<160x128xf32, #tpu.memory_space<vmem_shared>>
        tpu.enqueue_dma source(%dma_start3A_152 : memref<160x128xf32, #tpu.memory_space<vmem_shared>>) target(%dma_start3A_150 : memref<160x128xf32, #tpu.memory_space<vmem>>) target_semaphore(%run_scoped3A : memref<!tpu.dma_semaphore, #tpu.memory_space<semaphore_mem>>)
        %dma_wait3A = arith.constant 0 : i32
        %dma_wait3A_153 = arith.constant 0 : i32
        %dma_wait3A_154 = tpu.memref_slice %arg9[%dma_wait3A, %dma_wait3A_153] : memref<160x128xf32, #tpu.memory_space<vmem>> -> memref<160x128xf32, #tpu.memory_space<vmem>>
        %dma_wait3A_155 = arith.constant 0 : i32
        %dma_wait3A_156 = tpu.memref_slice %arg6[%add3A_102, %dma_wait3A_155] : memref<10000x128xf32, #tpu.memory_space<vmem_shared>> -> memref<160x128xf32, #tpu.memory_space<vmem_shared>>
        %dma_wait3A_157 = arith.constant 0 : i32
        %dma_wait3A_158 = arith.constant 0 : i32
        %dma_wait3A_159 = tpu.memref_slice %arg9[%dma_wait3A_157, %dma_wait3A_158] : memref<160x128xf32, #tpu.memory_space<vmem>> -> memref<160x128xf32, #tpu.memory_space<vmem>>
        %dma_wait3A_160 = arith.constant 0 : i32
        %dma_wait3A_161 = tpu.memref_slice %arg6[%add3A_102, %dma_wait3A_160] : memref<10000x128xf32, #tpu.memory_space<vmem_shared>> -> memref<160x128xf32, #tpu.memory_space<vmem_shared>>
        tpu.wait_dma2 semaphore(%run_scoped3A : memref<!tpu.dma_semaphore, #tpu.memory_space<semaphore_mem>>) src(%dma_wait3A_161 : memref<160x128xf32, #tpu.memory_space<vmem_shared>>) dst(%dma_wait3A_159 : memref<160x128xf32, #tpu.memory_space<vmem>>)
        tpu.yield
      }) : () -> ()
      %mul3A_103 = arith.constant 10000 : i32
      %mul3A_104 = arith.muli %arg0, %mul3A_103 : i32
      %add3A_105 = arith.addi %mul3A_104, %multiple_of3A_44 : i32
      %add3A_106 = arith.constant 640 : i32
      %add3A_107 = arith.addi %add3A_105, %add3A_106 : i32
      "tpu.region"() ({
        %run_scoped3A = tpu.sem_alloc : memref<!tpu.dma_semaphore, #tpu.memory_space<semaphore_mem>>
        %dma_start3A_143 = arith.constant 0 : i32
        %dma_start3A_144 = arith.constant 0 : i32
        %dma_start3A_145 = tpu.memref_slice %arg9[%dma_start3A_143, %dma_start3A_144] : memref<160x128xf32, #tpu.memory_space<vmem>> -> memref<160x128xf32, #tpu.memory_space<vmem>>
        %dma_start3A_146 = arith.constant 0 : i32
        %dma_start3A_147 = tpu.memref_slice %arg4[%add3A_107, %dma_start3A_146] : memref<20000x128xf32, #tpu.memory_space<hbm>> -> memref<160x128xf32, #tpu.memory_space<hbm>>
        %dma_start3A_148 = arith.constant 0 : i32
        %dma_start3A_149 = tpu.memref_slice %arg4[%add3A_107, %dma_start3A_148] : memref<20000x128xf32, #tpu.memory_space<hbm>> -> memref<160x128xf32, #tpu.memory_space<hbm>>
        %dma_start3A_150 = arith.constant 0 : i32
        %dma_start3A_151 = arith.constant 0 : i32
        %dma_start3A_152 = tpu.memref_slice %arg9[%dma_start3A_150, %dma_start3A_151] : memref<160x128xf32, #tpu.memory_space<vmem>> -> memref<160x128xf32, #tpu.memory_space<vmem>>
        tpu.enqueue_dma source(%dma_start3A_152 : memref<160x128xf32, #tpu.memory_space<vmem>>) target(%dma_start3A_149 : memref<160x128xf32, #tpu.memory_space<hbm>>) target_semaphore(%run_scoped3A : memref<!tpu.dma_semaphore, #tpu.memory_space<semaphore_mem>>)
        %dma_wait3A = arith.constant 0 : i32
        %dma_wait3A_153 = arith.constant 0 : i32
        %dma_wait3A_154 = tpu.memref_slice %arg9[%dma_wait3A, %dma_wait3A_153] : memref<160x128xf32, #tpu.memory_space<vmem>> -> memref<160x128xf32, #tpu.memory_space<vmem>>
        %dma_wait3A_155 = arith.constant 0 : i32
        %dma_wait3A_156 = tpu.memref_slice %arg4[%add3A_107, %dma_wait3A_155] : memref<20000x128xf32, #tpu.memory_space<hbm>> -> memref<160x128xf32, #tpu.memory_space<hbm>>
        %dma_wait3A_157 = arith.constant 0 : i32
        %dma_wait3A_158 = tpu.memref_slice %arg4[%add3A_107, %dma_wait3A_157] : memref<20000x128xf32, #tpu.memory_space<hbm>> -> memref<160x128xf32, #tpu.memory_space<hbm>>
        %dma_wait3A_159 = arith.constant 0 : i32
        %dma_wait3A_160 = arith.constant 0 : i32
        %dma_wait3A_161 = tpu.memref_slice %arg9[%dma_wait3A_159, %dma_wait3A_160] : memref<160x128xf32, #tpu.memory_space<vmem>> -> memref<160x128xf32, #tpu.memory_space<vmem>>
        tpu.wait_dma2 semaphore(%run_scoped3A : memref<!tpu.dma_semaphore, #tpu.memory_space<semaphore_mem>>) src(%dma_wait3A_161 : memref<160x128xf32, #tpu.memory_space<vmem>>) dst(%dma_wait3A_158 : memref<160x128xf32, #tpu.memory_space<hbm>>)
        tpu.yield
      }) : () -> ()
      %add3A_108 = arith.constant 640 : i32
      %add3A_109 = arith.addi %multiple_of3A_44, %add3A_108 : i32
      "tpu.region"() ({
        %run_scoped3A = tpu.sem_alloc : memref<!tpu.dma_semaphore, #tpu.memory_space<semaphore_mem>>
        %dma_start3A_143 = arith.constant 0 : i32
        %dma_start3A_144 = tpu.memref_slice %arg13[%dma_start3A_143] : memref<160xf32, #tpu.memory_space<vmem>> -> memref<160xf32, #tpu.memory_space<vmem>>
        %dma_start3A_145 = tpu.memref_slice %arg7[%add3A_109] : memref<10000xf32, #tpu.memory_space<vmem_shared>> -> memref<160xf32, #tpu.memory_space<vmem_shared>>
        %dma_start3A_146 = arith.constant 0 : i32
        %dma_start3A_147 = tpu.memref_slice %arg13[%dma_start3A_146] : memref<160xf32, #tpu.memory_space<vmem>> -> memref<160xf32, #tpu.memory_space<vmem>>
        %dma_start3A_148 = tpu.memref_slice %arg7[%add3A_109] : memref<10000xf32, #tpu.memory_space<vmem_shared>> -> memref<160xf32, #tpu.memory_space<vmem_shared>>
        tpu.enqueue_dma source(%dma_start3A_148 : memref<160xf32, #tpu.memory_space<vmem_shared>>) target(%dma_start3A_147 : memref<160xf32, #tpu.memory_space<vmem>>) target_semaphore(%run_scoped3A : memref<!tpu.dma_semaphore, #tpu.memory_space<semaphore_mem>>)
        %dma_wait3A = arith.constant 0 : i32
        %dma_wait3A_149 = tpu.memref_slice %arg13[%dma_wait3A] : memref<160xf32, #tpu.memory_space<vmem>> -> memref<160xf32, #tpu.memory_space<vmem>>
        %dma_wait3A_150 = tpu.memref_slice %arg7[%add3A_109] : memref<10000xf32, #tpu.memory_space<vmem_shared>> -> memref<160xf32, #tpu.memory_space<vmem_shared>>
        %dma_wait3A_151 = arith.constant 0 : i32
        %dma_wait3A_152 = tpu.memref_slice %arg13[%dma_wait3A_151] : memref<160xf32, #tpu.memory_space<vmem>> -> memref<160xf32, #tpu.memory_space<vmem>>
        %dma_wait3A_153 = tpu.memref_slice %arg7[%add3A_109] : memref<10000xf32, #tpu.memory_space<vmem_shared>> -> memref<160xf32, #tpu.memory_space<vmem_shared>>
        tpu.wait_dma2 semaphore(%run_scoped3A : memref<!tpu.dma_semaphore, #tpu.memory_space<semaphore_mem>>) src(%dma_wait3A_153 : memref<160xf32, #tpu.memory_space<vmem_shared>>) dst(%dma_wait3A_152 : memref<160xf32, #tpu.memory_space<vmem>>)
        tpu.yield
      }) : () -> ()
      %mul3A_110 = arith.constant 10000 : i32
      %mul3A_111 = arith.muli %arg0, %mul3A_110 : i32
      %add3A_112 = arith.addi %mul3A_111, %multiple_of3A_44 : i32
      %add3A_113 = arith.constant 640 : i32
      %add3A_114 = arith.addi %add3A_112, %add3A_113 : i32
      "tpu.region"() ({
        %run_scoped3A = tpu.sem_alloc : memref<!tpu.dma_semaphore, #tpu.memory_space<semaphore_mem>>
        %dma_start3A_143 = arith.constant 0 : i32
        %dma_start3A_144 = tpu.memref_slice %arg13[%dma_start3A_143] : memref<160xf32, #tpu.memory_space<vmem>> -> memref<160xf32, #tpu.memory_space<vmem>>
        %dma_start3A_145 = tpu.memref_slice %arg5[%add3A_114] : memref<20000xf32, #tpu.memory_space<hbm>> -> memref<160xf32, #tpu.memory_space<hbm>>
        %dma_start3A_146 = tpu.memref_slice %arg5[%add3A_114] : memref<20000xf32, #tpu.memory_space<hbm>> -> memref<160xf32, #tpu.memory_space<hbm>>
        %dma_start3A_147 = arith.constant 0 : i32
        %dma_start3A_148 = tpu.memref_slice %arg13[%dma_start3A_147] : memref<160xf32, #tpu.memory_space<vmem>> -> memref<160xf32, #tpu.memory_space<vmem>>
        tpu.enqueue_dma source(%dma_start3A_148 : memref<160xf32, #tpu.memory_space<vmem>>) target(%dma_start3A_146 : memref<160xf32, #tpu.memory_space<hbm>>) target_semaphore(%run_scoped3A : memref<!tpu.dma_semaphore, #tpu.memory_space<semaphore_mem>>)
        %dma_wait3A = arith.constant 0 : i32
        %dma_wait3A_149 = tpu.memref_slice %arg13[%dma_wait3A] : memref<160xf32, #tpu.memory_space<vmem>> -> memref<160xf32, #tpu.memory_space<vmem>>
        %dma_wait3A_150 = tpu.memref_slice %arg5[%add3A_114] : memref<20000xf32, #tpu.memory_space<hbm>> -> memref<160xf32, #tpu.memory_space<hbm>>
        %dma_wait3A_151 = tpu.memref_slice %arg5[%add3A_114] : memref<20000xf32, #tpu.memory_space<hbm>> -> memref<160xf32, #tpu.memory_space<hbm>>
        %dma_wait3A_152 = arith.constant 0 : i32
        %dma_wait3A_153 = tpu.memref_slice %arg13[%dma_wait3A_152] : memref<160xf32, #tpu.memory_space<vmem>> -> memref<160xf32, #tpu.memory_space<vmem>>
        tpu.wait_dma2 semaphore(%run_scoped3A : memref<!tpu.dma_semaphore, #tpu.memory_space<semaphore_mem>>) src(%dma_wait3A_153 : memref<160xf32, #tpu.memory_space<vmem>>) dst(%dma_wait3A_151 : memref<160xf32, #tpu.memory_space<hbm>>)
        tpu.yield
      }) : () -> ()
      %add3A_115 = arith.constant 800 : i32
      %add3A_116 = arith.addi %multiple_of3A_44, %add3A_115 : i32
      "tpu.region"() ({
        %run_scoped3A = tpu.sem_alloc : memref<!tpu.dma_semaphore, #tpu.memory_space<semaphore_mem>>
        %dma_start3A_143 = arith.constant 0 : i32
        %dma_start3A_144 = arith.constant 0 : i32
        %dma_start3A_145 = tpu.memref_slice %arg9[%dma_start3A_143, %dma_start3A_144] : memref<160x128xf32, #tpu.memory_space<vmem>> -> memref<160x128xf32, #tpu.memory_space<vmem>>
        %dma_start3A_146 = arith.constant 0 : i32
        %dma_start3A_147 = tpu.memref_slice %arg6[%add3A_116, %dma_start3A_146] : memref<10000x128xf32, #tpu.memory_space<vmem_shared>> -> memref<160x128xf32, #tpu.memory_space<vmem_shared>>
        %dma_start3A_148 = arith.constant 0 : i32
        %dma_start3A_149 = arith.constant 0 : i32
        %dma_start3A_150 = tpu.memref_slice %arg9[%dma_start3A_148, %dma_start3A_149] : memref<160x128xf32, #tpu.memory_space<vmem>> -> memref<160x128xf32, #tpu.memory_space<vmem>>
        %dma_start3A_151 = arith.constant 0 : i32
        %dma_start3A_152 = tpu.memref_slice %arg6[%add3A_116, %dma_start3A_151] : memref<10000x128xf32, #tpu.memory_space<vmem_shared>> -> memref<160x128xf32, #tpu.memory_space<vmem_shared>>
        tpu.enqueue_dma source(%dma_start3A_152 : memref<160x128xf32, #tpu.memory_space<vmem_shared>>) target(%dma_start3A_150 : memref<160x128xf32, #tpu.memory_space<vmem>>) target_semaphore(%run_scoped3A : memref<!tpu.dma_semaphore, #tpu.memory_space<semaphore_mem>>)
        %dma_wait3A = arith.constant 0 : i32
        %dma_wait3A_153 = arith.constant 0 : i32
        %dma_wait3A_154 = tpu.memref_slice %arg9[%dma_wait3A, %dma_wait3A_153] : memref<160x128xf32, #tpu.memory_space<vmem>> -> memref<160x128xf32, #tpu.memory_space<vmem>>
        %dma_wait3A_155 = arith.constant 0 : i32
        %dma_wait3A_156 = tpu.memref_slice %arg6[%add3A_116, %dma_wait3A_155] : memref<10000x128xf32, #tpu.memory_space<vmem_shared>> -> memref<160x128xf32, #tpu.memory_space<vmem_shared>>
        %dma_wait3A_157 = arith.constant 0 : i32
        %dma_wait3A_158 = arith.constant 0 : i32
        %dma_wait3A_159 = tpu.memref_slice %arg9[%dma_wait3A_157, %dma_wait3A_158] : memref<160x128xf32, #tpu.memory_space<vmem>> -> memref<160x128xf32, #tpu.memory_space<vmem>>
        %dma_wait3A_160 = arith.constant 0 : i32
        %dma_wait3A_161 = tpu.memref_slice %arg6[%add3A_116, %dma_wait3A_160] : memref<10000x128xf32, #tpu.memory_space<vmem_shared>> -> memref<160x128xf32, #tpu.memory_space<vmem_shared>>
        tpu.wait_dma2 semaphore(%run_scoped3A : memref<!tpu.dma_semaphore, #tpu.memory_space<semaphore_mem>>) src(%dma_wait3A_161 : memref<160x128xf32, #tpu.memory_space<vmem_shared>>) dst(%dma_wait3A_159 : memref<160x128xf32, #tpu.memory_space<vmem>>)
        tpu.yield
      }) : () -> ()
      %mul3A_117 = arith.constant 10000 : i32
      %mul3A_118 = arith.muli %arg0, %mul3A_117 : i32
      %add3A_119 = arith.addi %mul3A_118, %multiple_of3A_44 : i32
      %add3A_120 = arith.constant 800 : i32
      %add3A_121 = arith.addi %add3A_119, %add3A_120 : i32
      "tpu.region"() ({
        %run_scoped3A = tpu.sem_alloc : memref<!tpu.dma_semaphore, #tpu.memory_space<semaphore_mem>>
        %dma_start3A_143 = arith.constant 0 : i32
        %dma_start3A_144 = arith.constant 0 : i32
        %dma_start3A_145 = tpu.memref_slice %arg9[%dma_start3A_143, %dma_start3A_144] : memref<160x128xf32, #tpu.memory_space<vmem>> -> memref<160x128xf32, #tpu.memory_space<vmem>>
        %dma_start3A_146 = arith.constant 0 : i32
        %dma_start3A_147 = tpu.memref_slice %arg4[%add3A_121, %dma_start3A_146] : memref<20000x128xf32, #tpu.memory_space<hbm>> -> memref<160x128xf32, #tpu.memory_space<hbm>>
        %dma_start3A_148 = arith.constant 0 : i32
        %dma_start3A_149 = tpu.memref_slice %arg4[%add3A_121, %dma_start3A_148] : memref<20000x128xf32, #tpu.memory_space<hbm>> -> memref<160x128xf32, #tpu.memory_space<hbm>>
        %dma_start3A_150 = arith.constant 0 : i32
        %dma_start3A_151 = arith.constant 0 : i32
        %dma_start3A_152 = tpu.memref_slice %arg9[%dma_start3A_150, %dma_start3A_151] : memref<160x128xf32, #tpu.memory_space<vmem>> -> memref<160x128xf32, #tpu.memory_space<vmem>>
        tpu.enqueue_dma source(%dma_start3A_152 : memref<160x128xf32, #tpu.memory_space<vmem>>) target(%dma_start3A_149 : memref<160x128xf32, #tpu.memory_space<hbm>>) target_semaphore(%run_scoped3A : memref<!tpu.dma_semaphore, #tpu.memory_space<semaphore_mem>>)
        %dma_wait3A = arith.constant 0 : i32
        %dma_wait3A_153 = arith.constant 0 : i32
        %dma_wait3A_154 = tpu.memref_slice %arg9[%dma_wait3A, %dma_wait3A_153] : memref<160x128xf32, #tpu.memory_space<vmem>> -> memref<160x128xf32, #tpu.memory_space<vmem>>
        %dma_wait3A_155 = arith.constant 0 : i32
        %dma_wait3A_156 = tpu.memref_slice %arg4[%add3A_121, %dma_wait3A_155] : memref<20000x128xf32, #tpu.memory_space<hbm>> -> memref<160x128xf32, #tpu.memory_space<hbm>>
        %dma_wait3A_157 = arith.constant 0 : i32
        %dma_wait3A_158 = tpu.memref_slice %arg4[%add3A_121, %dma_wait3A_157] : memref<20000x128xf32, #tpu.memory_space<hbm>> -> memref<160x128xf32, #tpu.memory_space<hbm>>
        %dma_wait3A_159 = arith.constant 0 : i32
        %dma_wait3A_160 = arith.constant 0 : i32
        %dma_wait3A_161 = tpu.memref_slice %arg9[%dma_wait3A_159, %dma_wait3A_160] : memref<160x128xf32, #tpu.memory_space<vmem>> -> memref<160x128xf32, #tpu.memory_space<vmem>>
        tpu.wait_dma2 semaphore(%run_scoped3A : memref<!tpu.dma_semaphore, #tpu.memory_space<semaphore_mem>>) src(%dma_wait3A_161 : memref<160x128xf32, #tpu.memory_space<vmem>>) dst(%dma_wait3A_158 : memref<160x128xf32, #tpu.memory_space<hbm>>)
        tpu.yield
      }) : () -> ()
      %add3A_122 = arith.constant 800 : i32
      %add3A_123 = arith.addi %multiple_of3A_44, %add3A_122 : i32
      "tpu.region"() ({
        %run_scoped3A = tpu.sem_alloc : memref<!tpu.dma_semaphore, #tpu.memory_space<semaphore_mem>>
        %dma_start3A_143 = arith.constant 0 : i32
        %dma_start3A_144 = tpu.memref_slice %arg13[%dma_start3A_143] : memref<160xf32, #tpu.memory_space<vmem>> -> memref<160xf32, #tpu.memory_space<vmem>>
        %dma_start3A_145 = tpu.memref_slice %arg7[%add3A_123] : memref<10000xf32, #tpu.memory_space<vmem_shared>> -> memref<160xf32, #tpu.memory_space<vmem_shared>>
        %dma_start3A_146 = arith.constant 0 : i32
        %dma_start3A_147 = tpu.memref_slice %arg13[%dma_start3A_146] : memref<160xf32, #tpu.memory_space<vmem>> -> memref<160xf32, #tpu.memory_space<vmem>>
        %dma_start3A_148 = tpu.memref_slice %arg7[%add3A_123] : memref<10000xf32, #tpu.memory_space<vmem_shared>> -> memref<160xf32, #tpu.memory_space<vmem_shared>>
        tpu.enqueue_dma source(%dma_start3A_148 : memref<160xf32, #tpu.memory_space<vmem_shared>>) target(%dma_start3A_147 : memref<160xf32, #tpu.memory_space<vmem>>) target_semaphore(%run_scoped3A : memref<!tpu.dma_semaphore, #tpu.memory_space<semaphore_mem>>)
        %dma_wait3A = arith.constant 0 : i32
        %dma_wait3A_149 = tpu.memref_slice %arg13[%dma_wait3A] : memref<160xf32, #tpu.memory_space<vmem>> -> memref<160xf32, #tpu.memory_space<vmem>>
        %dma_wait3A_150 = tpu.memref_slice %arg7[%add3A_123] : memref<10000xf32, #tpu.memory_space<vmem_shared>> -> memref<160xf32, #tpu.memory_space<vmem_shared>>
        %dma_wait3A_151 = arith.constant 0 : i32
        %dma_wait3A_152 = tpu.memref_slice %arg13[%dma_wait3A_151] : memref<160xf32, #tpu.memory_space<vmem>> -> memref<160xf32, #tpu.memory_space<vmem>>
        %dma_wait3A_153 = tpu.memref_slice %arg7[%add3A_123] : memref<10000xf32, #tpu.memory_space<vmem_shared>> -> memref<160xf32, #tpu.memory_space<vmem_shared>>
        tpu.wait_dma2 semaphore(%run_scoped3A : memref<!tpu.dma_semaphore, #tpu.memory_space<semaphore_mem>>) src(%dma_wait3A_153 : memref<160xf32, #tpu.memory_space<vmem_shared>>) dst(%dma_wait3A_152 : memref<160xf32, #tpu.memory_space<vmem>>)
        tpu.yield
      }) : () -> ()
      %mul3A_124 = arith.constant 10000 : i32
      %mul3A_125 = arith.muli %arg0, %mul3A_124 : i32
      %add3A_126 = arith.addi %mul3A_125, %multiple_of3A_44 : i32
      %add3A_127 = arith.constant 800 : i32
      %add3A_128 = arith.addi %add3A_126, %add3A_127 : i32
      "tpu.region"() ({
        %run_scoped3A = tpu.sem_alloc : memref<!tpu.dma_semaphore, #tpu.memory_space<semaphore_mem>>
        %dma_start3A_143 = arith.constant 0 : i32
        %dma_start3A_144 = tpu.memref_slice %arg13[%dma_start3A_143] : memref<160xf32, #tpu.memory_space<vmem>> -> memref<160xf32, #tpu.memory_space<vmem>>
        %dma_start3A_145 = tpu.memref_slice %arg5[%add3A_128] : memref<20000xf32, #tpu.memory_space<hbm>> -> memref<160xf32, #tpu.memory_space<hbm>>
        %dma_start3A_146 = tpu.memref_slice %arg5[%add3A_128] : memref<20000xf32, #tpu.memory_space<hbm>> -> memref<160xf32, #tpu.memory_space<hbm>>
        %dma_start3A_147 = arith.constant 0 : i32
        %dma_start3A_148 = tpu.memref_slice %arg13[%dma_start3A_147] : memref<160xf32, #tpu.memory_space<vmem>> -> memref<160xf32, #tpu.memory_space<vmem>>
        tpu.enqueue_dma source(%dma_start3A_148 : memref<160xf32, #tpu.memory_space<vmem>>) target(%dma_start3A_146 : memref<160xf32, #tpu.memory_space<hbm>>) target_semaphore(%run_scoped3A : memref<!tpu.dma_semaphore, #tpu.memory_space<semaphore_mem>>)
        %dma_wait3A = arith.constant 0 : i32
        %dma_wait3A_149 = tpu.memref_slice %arg13[%dma_wait3A] : memref<160xf32, #tpu.memory_space<vmem>> -> memref<160xf32, #tpu.memory_space<vmem>>
        %dma_wait3A_150 = tpu.memref_slice %arg5[%add3A_128] : memref<20000xf32, #tpu.memory_space<hbm>> -> memref<160xf32, #tpu.memory_space<hbm>>
        %dma_wait3A_151 = tpu.memref_slice %arg5[%add3A_128] : memref<20000xf32, #tpu.memory_space<hbm>> -> memref<160xf32, #tpu.memory_space<hbm>>
        %dma_wait3A_152 = arith.constant 0 : i32
        %dma_wait3A_153 = tpu.memref_slice %arg13[%dma_wait3A_152] : memref<160xf32, #tpu.memory_space<vmem>> -> memref<160xf32, #tpu.memory_space<vmem>>
        tpu.wait_dma2 semaphore(%run_scoped3A : memref<!tpu.dma_semaphore, #tpu.memory_space<semaphore_mem>>) src(%dma_wait3A_153 : memref<160xf32, #tpu.memory_space<vmem>>) dst(%dma_wait3A_151 : memref<160xf32, #tpu.memory_space<hbm>>)
        tpu.yield
      }) : () -> ()
      %add3A_129 = arith.constant 960 : i32
      %add3A_130 = arith.addi %multiple_of3A_44, %add3A_129 : i32
      "tpu.region"() ({
        %run_scoped3A = tpu.sem_alloc : memref<!tpu.dma_semaphore, #tpu.memory_space<semaphore_mem>>
        %dma_start3A_143 = arith.constant 0 : i32
        %dma_start3A_144 = arith.constant 0 : i32
        %dma_start3A_145 = tpu.memref_slice %arg9[%dma_start3A_143, %dma_start3A_144] : memref<160x128xf32, #tpu.memory_space<vmem>> -> memref<40x128xf32, #tpu.memory_space<vmem>>
        %dma_start3A_146 = arith.constant 0 : i32
        %dma_start3A_147 = tpu.memref_slice %arg6[%add3A_130, %dma_start3A_146] : memref<10000x128xf32, #tpu.memory_space<vmem_shared>> -> memref<40x128xf32, #tpu.memory_space<vmem_shared>>
        %dma_start3A_148 = arith.constant 0 : i32
        %dma_start3A_149 = arith.constant 0 : i32
        %dma_start3A_150 = tpu.memref_slice %arg9[%dma_start3A_148, %dma_start3A_149] : memref<160x128xf32, #tpu.memory_space<vmem>> -> memref<40x128xf32, #tpu.memory_space<vmem>>
        %dma_start3A_151 = arith.constant 0 : i32
        %dma_start3A_152 = tpu.memref_slice %arg6[%add3A_130, %dma_start3A_151] : memref<10000x128xf32, #tpu.memory_space<vmem_shared>> -> memref<40x128xf32, #tpu.memory_space<vmem_shared>>
        tpu.enqueue_dma source(%dma_start3A_152 : memref<40x128xf32, #tpu.memory_space<vmem_shared>>) target(%dma_start3A_150 : memref<40x128xf32, #tpu.memory_space<vmem>>) target_semaphore(%run_scoped3A : memref<!tpu.dma_semaphore, #tpu.memory_space<semaphore_mem>>)
        %dma_wait3A = arith.constant 0 : i32
        %dma_wait3A_153 = arith.constant 0 : i32
        %dma_wait3A_154 = tpu.memref_slice %arg9[%dma_wait3A, %dma_wait3A_153] : memref<160x128xf32, #tpu.memory_space<vmem>> -> memref<40x128xf32, #tpu.memory_space<vmem>>
        %dma_wait3A_155 = arith.constant 0 : i32
        %dma_wait3A_156 = tpu.memref_slice %arg6[%add3A_130, %dma_wait3A_155] : memref<10000x128xf32, #tpu.memory_space<vmem_shared>> -> memref<40x128xf32, #tpu.memory_space<vmem_shared>>
        %dma_wait3A_157 = arith.constant 0 : i32
        %dma_wait3A_158 = arith.constant 0 : i32
        %dma_wait3A_159 = tpu.memref_slice %arg9[%dma_wait3A_157, %dma_wait3A_158] : memref<160x128xf32, #tpu.memory_space<vmem>> -> memref<40x128xf32, #tpu.memory_space<vmem>>
        %dma_wait3A_160 = arith.constant 0 : i32
        %dma_wait3A_161 = tpu.memref_slice %arg6[%add3A_130, %dma_wait3A_160] : memref<10000x128xf32, #tpu.memory_space<vmem_shared>> -> memref<40x128xf32, #tpu.memory_space<vmem_shared>>
        tpu.wait_dma2 semaphore(%run_scoped3A : memref<!tpu.dma_semaphore, #tpu.memory_space<semaphore_mem>>) src(%dma_wait3A_161 : memref<40x128xf32, #tpu.memory_space<vmem_shared>>) dst(%dma_wait3A_159 : memref<40x128xf32, #tpu.memory_space<vmem>>)
        tpu.yield
      }) : () -> ()
      %mul3A_131 = arith.constant 10000 : i32
      %mul3A_132 = arith.muli %arg0, %mul3A_131 : i32
      %add3A_133 = arith.addi %mul3A_132, %multiple_of3A_44 : i32
      %add3A_134 = arith.constant 960 : i32
      %add3A_135 = arith.addi %add3A_133, %add3A_134 : i32
      "tpu.region"() ({
        %run_scoped3A = tpu.sem_alloc : memref<!tpu.dma_semaphore, #tpu.memory_space<semaphore_mem>>
        %dma_start3A_143 = arith.constant 0 : i32
        %dma_start3A_144 = arith.constant 0 : i32
        %dma_start3A_145 = tpu.memref_slice %arg9[%dma_start3A_143, %dma_start3A_144] : memref<160x128xf32, #tpu.memory_space<vmem>> -> memref<40x128xf32, #tpu.memory_space<vmem>>
        %dma_start3A_146 = arith.constant 0 : i32
        %dma_start3A_147 = tpu.memref_slice %arg4[%add3A_135, %dma_start3A_146] : memref<20000x128xf32, #tpu.memory_space<hbm>> -> memref<40x128xf32, #tpu.memory_space<hbm>>
        %dma_start3A_148 = arith.constant 0 : i32
        %dma_start3A_149 = tpu.memref_slice %arg4[%add3A_135, %dma_start3A_148] : memref<20000x128xf32, #tpu.memory_space<hbm>> -> memref<40x128xf32, #tpu.memory_space<hbm>>
        %dma_start3A_150 = arith.constant 0 : i32
        %dma_start3A_151 = arith.constant 0 : i32
        %dma_start3A_152 = tpu.memref_slice %arg9[%dma_start3A_150, %dma_start3A_151] : memref<160x128xf32, #tpu.memory_space<vmem>> -> memref<40x128xf32, #tpu.memory_space<vmem>>
        tpu.enqueue_dma source(%dma_start3A_152 : memref<40x128xf32, #tpu.memory_space<vmem>>) target(%dma_start3A_149 : memref<40x128xf32, #tpu.memory_space<hbm>>) target_semaphore(%run_scoped3A : memref<!tpu.dma_semaphore, #tpu.memory_space<semaphore_mem>>)
        %dma_wait3A = arith.constant 0 : i32
        %dma_wait3A_153 = arith.constant 0 : i32
        %dma_wait3A_154 = tpu.memref_slice %arg9[%dma_wait3A, %dma_wait3A_153] : memref<160x128xf32, #tpu.memory_space<vmem>> -> memref<40x128xf32, #tpu.memory_space<vmem>>
        %dma_wait3A_155 = arith.constant 0 : i32
        %dma_wait3A_156 = tpu.memref_slice %arg4[%add3A_135, %dma_wait3A_155] : memref<20000x128xf32, #tpu.memory_space<hbm>> -> memref<40x128xf32, #tpu.memory_space<hbm>>
        %dma_wait3A_157 = arith.constant 0 : i32
        %dma_wait3A_158 = tpu.memref_slice %arg4[%add3A_135, %dma_wait3A_157] : memref<20000x128xf32, #tpu.memory_space<hbm>> -> memref<40x128xf32, #tpu.memory_space<hbm>>
        %dma_wait3A_159 = arith.constant 0 : i32
        %dma_wait3A_160 = arith.constant 0 : i32
        %dma_wait3A_161 = tpu.memref_slice %arg9[%dma_wait3A_159, %dma_wait3A_160] : memref<160x128xf32, #tpu.memory_space<vmem>> -> memref<40x128xf32, #tpu.memory_space<vmem>>
        tpu.wait_dma2 semaphore(%run_scoped3A : memref<!tpu.dma_semaphore, #tpu.memory_space<semaphore_mem>>) src(%dma_wait3A_161 : memref<40x128xf32, #tpu.memory_space<vmem>>) dst(%dma_wait3A_158 : memref<40x128xf32, #tpu.memory_space<hbm>>)
        tpu.yield
      }) : () -> ()
      %add3A_136 = arith.constant 960 : i32
      %add3A_137 = arith.addi %multiple_of3A_44, %add3A_136 : i32
      "tpu.region"() ({
        %run_scoped3A = tpu.sem_alloc : memref<!tpu.dma_semaphore, #tpu.memory_space<semaphore_mem>>
        %dma_start3A_143 = arith.constant 0 : i32
        %dma_start3A_144 = tpu.memref_slice %arg13[%dma_start3A_143] : memref<160xf32, #tpu.memory_space<vmem>> -> memref<40xf32, #tpu.memory_space<vmem>>
        %dma_start3A_145 = tpu.memref_slice %arg7[%add3A_137] : memref<10000xf32, #tpu.memory_space<vmem_shared>> -> memref<40xf32, #tpu.memory_space<vmem_shared>>
        %dma_start3A_146 = arith.constant 0 : i32
        %dma_start3A_147 = tpu.memref_slice %arg13[%dma_start3A_146] : memref<160xf32, #tpu.memory_space<vmem>> -> memref<40xf32, #tpu.memory_space<vmem>>
        %dma_start3A_148 = tpu.memref_slice %arg7[%add3A_137] : memref<10000xf32, #tpu.memory_space<vmem_shared>> -> memref<40xf32, #tpu.memory_space<vmem_shared>>
        tpu.enqueue_dma source(%dma_start3A_148 : memref<40xf32, #tpu.memory_space<vmem_shared>>) target(%dma_start3A_147 : memref<40xf32, #tpu.memory_space<vmem>>) target_semaphore(%run_scoped3A : memref<!tpu.dma_semaphore, #tpu.memory_space<semaphore_mem>>)
        %dma_wait3A = arith.constant 0 : i32
        %dma_wait3A_149 = tpu.memref_slice %arg13[%dma_wait3A] : memref<160xf32, #tpu.memory_space<vmem>> -> memref<40xf32, #tpu.memory_space<vmem>>
        %dma_wait3A_150 = tpu.memref_slice %arg7[%add3A_137] : memref<10000xf32, #tpu.memory_space<vmem_shared>> -> memref<40xf32, #tpu.memory_space<vmem_shared>>
        %dma_wait3A_151 = arith.constant 0 : i32
        %dma_wait3A_152 = tpu.memref_slice %arg13[%dma_wait3A_151] : memref<160xf32, #tpu.memory_space<vmem>> -> memref<40xf32, #tpu.memory_space<vmem>>
        %dma_wait3A_153 = tpu.memref_slice %arg7[%add3A_137] : memref<10000xf32, #tpu.memory_space<vmem_shared>> -> memref<40xf32, #tpu.memory_space<vmem_shared>>
        tpu.wait_dma2 semaphore(%run_scoped3A : memref<!tpu.dma_semaphore, #tpu.memory_space<semaphore_mem>>) src(%dma_wait3A_153 : memref<40xf32, #tpu.memory_space<vmem_shared>>) dst(%dma_wait3A_152 : memref<40xf32, #tpu.memory_space<vmem>>)
        tpu.yield
      }) : () -> ()
      %mul3A_138 = arith.constant 10000 : i32
      %mul3A_139 = arith.muli %arg0, %mul3A_138 : i32
      %add3A_140 = arith.addi %mul3A_139, %multiple_of3A_44 : i32
      %add3A_141 = arith.constant 960 : i32
      %add3A_142 = arith.addi %add3A_140, %add3A_141 : i32
      "tpu.region"() ({
        %run_scoped3A = tpu.sem_alloc : memref<!tpu.dma_semaphore, #tpu.memory_space<semaphore_mem>>
        %dma_start3A_143 = arith.constant 0 : i32
        %dma_start3A_144 = tpu.memref_slice %arg13[%dma_start3A_143] : memref<160xf32, #tpu.memory_space<vmem>> -> memref<40xf32, #tpu.memory_space<vmem>>
        %dma_start3A_145 = tpu.memref_slice %arg5[%add3A_142] : memref<20000xf32, #tpu.memory_space<hbm>> -> memref<40xf32, #tpu.memory_space<hbm>>
        %dma_start3A_146 = tpu.memref_slice %arg5[%add3A_142] : memref<20000xf32, #tpu.memory_space<hbm>> -> memref<40xf32, #tpu.memory_space<hbm>>
        %dma_start3A_147 = arith.constant 0 : i32
        %dma_start3A_148 = tpu.memref_slice %arg13[%dma_start3A_147] : memref<160xf32, #tpu.memory_space<vmem>> -> memref<40xf32, #tpu.memory_space<vmem>>
        tpu.enqueue_dma source(%dma_start3A_148 : memref<40xf32, #tpu.memory_space<vmem>>) target(%dma_start3A_146 : memref<40xf32, #tpu.memory_space<hbm>>) target_semaphore(%run_scoped3A : memref<!tpu.dma_semaphore, #tpu.memory_space<semaphore_mem>>)
        %dma_wait3A = arith.constant 0 : i32
        %dma_wait3A_149 = tpu.memref_slice %arg13[%dma_wait3A] : memref<160xf32, #tpu.memory_space<vmem>> -> memref<40xf32, #tpu.memory_space<vmem>>
        %dma_wait3A_150 = tpu.memref_slice %arg5[%add3A_142] : memref<20000xf32, #tpu.memory_space<hbm>> -> memref<40xf32, #tpu.memory_space<hbm>>
        %dma_wait3A_151 = tpu.memref_slice %arg5[%add3A_142] : memref<20000xf32, #tpu.memory_space<hbm>> -> memref<40xf32, #tpu.memory_space<hbm>>
        %dma_wait3A_152 = arith.constant 0 : i32
        %dma_wait3A_153 = tpu.memref_slice %arg13[%dma_wait3A_152] : memref<160xf32, #tpu.memory_space<vmem>> -> memref<40xf32, #tpu.memory_space<vmem>>
        tpu.wait_dma2 semaphore(%run_scoped3A : memref<!tpu.dma_semaphore, #tpu.memory_space<semaphore_mem>>) src(%dma_wait3A_153 : memref<40xf32, #tpu.memory_space<vmem>>) dst(%dma_wait3A_151 : memref<40xf32, #tpu.memory_space<hbm>>)
        tpu.yield
      }) : () -> ()
    } else {
    }
    return
  }
}

#map = affine_map<(d0, d1) -> (0, 0)>
#map1 = affine_map<(d0, d1) -> (0)>
module attributes {stable_mosaic.version = 14 : i64} {
  func.func @_gather_body(%arg0: i32, %arg1: i32, %arg2: memref<10000x128xf32, #tpu.memory_space<hbm>>, %arg3: memref<10000xf32, #tpu.memory_space<hbm>>, %arg4: memref<10000xf32, #tpu.memory_space<hbm>>, %arg5: memref<10000xf32, #tpu.memory_space<hbm>>, %arg6: memref<10000xf32, #tpu.memory_space<hbm>>, %arg7: memref<10000xf32, #tpu.memory_space<hbm>>, %arg8: memref<10000xf32, #tpu.memory_space<hbm>>, %arg9: memref<320000xi32, #tpu.memory_space<hbm>>, %arg10: memref<320000xi32, #tpu.memory_space<hbm>>, %arg11: memref<320000x128xf32, #tpu.memory_space<hbm>>, %arg12: memref<6x320000xf32, #tpu.memory_space<hbm>>, %arg13: memref<10000xf32, #tpu.memory_space<vmem>>, %arg14: memref<10000xf32, #tpu.memory_space<vmem>>, %arg15: memref<10000xf32, #tpu.memory_space<vmem>>, %arg16: memref<10000xf32, #tpu.memory_space<vmem>>, %arg17: memref<10000xf32, #tpu.memory_space<vmem>>, %arg18: memref<10000xf32, #tpu.memory_space<vmem>>, %arg19: memref<128xi32, #tpu.memory_space<vmem>>, %arg20: memref<128xi32, #tpu.memory_space<vmem>>, %arg21: memref<128x128xf32, #tpu.memory_space<vmem>>, %arg22: memref<6x128xf32, #tpu.memory_space<vmem>>, %arg23: memref<128xi32, #tpu.memory_space<vmem>>, %arg24: memref<128xi32, #tpu.memory_space<vmem>>, %arg25: memref<128x128xf32, #tpu.memory_space<vmem>>, %arg26: memref<6x128xf32, #tpu.memory_space<vmem>>, %arg27: memref<!tpu.dma_semaphore, #tpu.memory_space<semaphore_mem>>, %arg28: memref<!tpu.dma_semaphore, #tpu.memory_space<semaphore_mem>>, %arg29: memref<!tpu.dma_semaphore, #tpu.memory_space<semaphore_mem>>, %arg30: memref<!tpu.dma_semaphore, #tpu.memory_space<semaphore_mem>>, %arg31: memref<!tpu.dma_semaphore, #tpu.memory_space<semaphore_mem>>, %arg32: memref<!tpu.dma_semaphore, #tpu.memory_space<semaphore_mem>>) attributes {dimension_semantics = [#tpu.dimension_semantics<core_parallel>, #tpu.dimension_semantics<subcore_parallel>], iteration_bounds = array<i64: 2, 16>, scalar_prefetch = 0 : i64, scratch_operands = 20 : i64, tpu.core_type = #tpu.core_type<sc_vector_subcore>, window_params = [{transform_indices = #map}, {transform_indices = #map1}, {transform_indices = #map1}, {transform_indices = #map1}, {transform_indices = #map1}, {transform_indices = #map1}, {transform_indices = #map1}, {transform_indices = #map1}, {transform_indices = #map1}, {transform_indices = #map}, {transform_indices = #map}]} {
    %mul3A = arith.constant 2 : i32
    %mul3A_0 = arith.muli %arg1, %mul3A : i32
    %add3A = arith.addi %mul3A_0, %arg0 : i32
    "tpu.region"() ({
      %run_scoped3A = tpu.sem_alloc : memref<!tpu.dma_semaphore, #tpu.memory_space<semaphore_mem>>
      tpu.enqueue_dma source(%arg3 : memref<10000xf32, #tpu.memory_space<hbm>>) target(%arg13 : memref<10000xf32, #tpu.memory_space<vmem>>) target_semaphore(%run_scoped3A : memref<!tpu.dma_semaphore, #tpu.memory_space<semaphore_mem>>)
      tpu.wait_dma2 semaphore(%run_scoped3A : memref<!tpu.dma_semaphore, #tpu.memory_space<semaphore_mem>>) src(%arg3 : memref<10000xf32, #tpu.memory_space<hbm>>) dst(%arg13 : memref<10000xf32, #tpu.memory_space<vmem>>)
      tpu.yield
    }) : () -> ()
    "tpu.region"() ({
      %run_scoped3A = tpu.sem_alloc : memref<!tpu.dma_semaphore, #tpu.memory_space<semaphore_mem>>
      tpu.enqueue_dma source(%arg4 : memref<10000xf32, #tpu.memory_space<hbm>>) target(%arg14 : memref<10000xf32, #tpu.memory_space<vmem>>) target_semaphore(%run_scoped3A : memref<!tpu.dma_semaphore, #tpu.memory_space<semaphore_mem>>)
      tpu.wait_dma2 semaphore(%run_scoped3A : memref<!tpu.dma_semaphore, #tpu.memory_space<semaphore_mem>>) src(%arg4 : memref<10000xf32, #tpu.memory_space<hbm>>) dst(%arg14 : memref<10000xf32, #tpu.memory_space<vmem>>)
      tpu.yield
    }) : () -> ()
    "tpu.region"() ({
      %run_scoped3A = tpu.sem_alloc : memref<!tpu.dma_semaphore, #tpu.memory_space<semaphore_mem>>
      tpu.enqueue_dma source(%arg5 : memref<10000xf32, #tpu.memory_space<hbm>>) target(%arg15 : memref<10000xf32, #tpu.memory_space<vmem>>) target_semaphore(%run_scoped3A : memref<!tpu.dma_semaphore, #tpu.memory_space<semaphore_mem>>)
      tpu.wait_dma2 semaphore(%run_scoped3A : memref<!tpu.dma_semaphore, #tpu.memory_space<semaphore_mem>>) src(%arg5 : memref<10000xf32, #tpu.memory_space<hbm>>) dst(%arg15 : memref<10000xf32, #tpu.memory_space<vmem>>)
      tpu.yield
    }) : () -> ()
    "tpu.region"() ({
      %run_scoped3A = tpu.sem_alloc : memref<!tpu.dma_semaphore, #tpu.memory_space<semaphore_mem>>
      tpu.enqueue_dma source(%arg6 : memref<10000xf32, #tpu.memory_space<hbm>>) target(%arg16 : memref<10000xf32, #tpu.memory_space<vmem>>) target_semaphore(%run_scoped3A : memref<!tpu.dma_semaphore, #tpu.memory_space<semaphore_mem>>)
      tpu.wait_dma2 semaphore(%run_scoped3A : memref<!tpu.dma_semaphore, #tpu.memory_space<semaphore_mem>>) src(%arg6 : memref<10000xf32, #tpu.memory_space<hbm>>) dst(%arg16 : memref<10000xf32, #tpu.memory_space<vmem>>)
      tpu.yield
    }) : () -> ()
    "tpu.region"() ({
      %run_scoped3A = tpu.sem_alloc : memref<!tpu.dma_semaphore, #tpu.memory_space<semaphore_mem>>
      tpu.enqueue_dma source(%arg7 : memref<10000xf32, #tpu.memory_space<hbm>>) target(%arg17 : memref<10000xf32, #tpu.memory_space<vmem>>) target_semaphore(%run_scoped3A : memref<!tpu.dma_semaphore, #tpu.memory_space<semaphore_mem>>)
      tpu.wait_dma2 semaphore(%run_scoped3A : memref<!tpu.dma_semaphore, #tpu.memory_space<semaphore_mem>>) src(%arg7 : memref<10000xf32, #tpu.memory_space<hbm>>) dst(%arg17 : memref<10000xf32, #tpu.memory_space<vmem>>)
      tpu.yield
    }) : () -> ()
    "tpu.region"() ({
      %run_scoped3A = tpu.sem_alloc : memref<!tpu.dma_semaphore, #tpu.memory_space<semaphore_mem>>
      tpu.enqueue_dma source(%arg8 : memref<10000xf32, #tpu.memory_space<hbm>>) target(%arg18 : memref<10000xf32, #tpu.memory_space<vmem>>) target_semaphore(%run_scoped3A : memref<!tpu.dma_semaphore, #tpu.memory_space<semaphore_mem>>)
      tpu.wait_dma2 semaphore(%run_scoped3A : memref<!tpu.dma_semaphore, #tpu.memory_space<semaphore_mem>>) src(%arg8 : memref<10000xf32, #tpu.memory_space<hbm>>) dst(%arg18 : memref<10000xf32, #tpu.memory_space<vmem>>)
      tpu.yield
    }) : () -> ()
    %mul3A_1 = arith.constant 128 : i32
    %mul3A_2 = arith.muli %add3A, %mul3A_1 : i32
    %multiple_of3A = tpu.assume_multiple %mul3A_2, 8 : i32
    %dma_start3A = tpu.memref_slice %arg9[%multiple_of3A] : memref<320000xi32, #tpu.memory_space<hbm>> -> memref<128xi32, #tpu.memory_space<hbm>>
    %dma_start3A_3 = tpu.memref_slice %arg9[%multiple_of3A] : memref<320000xi32, #tpu.memory_space<hbm>> -> memref<128xi32, #tpu.memory_space<hbm>>
    tpu.enqueue_dma source(%dma_start3A_3 : memref<128xi32, #tpu.memory_space<hbm>>) target(%arg19 : memref<128xi32, #tpu.memory_space<vmem>>) target_semaphore(%arg27 : memref<!tpu.dma_semaphore, #tpu.memory_space<semaphore_mem>>)
    %dma_start3A_4 = tpu.memref_slice %arg10[%multiple_of3A] : memref<320000xi32, #tpu.memory_space<hbm>> -> memref<128xi32, #tpu.memory_space<hbm>>
    %dma_start3A_5 = tpu.memref_slice %arg10[%multiple_of3A] : memref<320000xi32, #tpu.memory_space<hbm>> -> memref<128xi32, #tpu.memory_space<hbm>>
    tpu.enqueue_dma source(%dma_start3A_5 : memref<128xi32, #tpu.memory_space<hbm>>) target(%arg20 : memref<128xi32, #tpu.memory_space<vmem>>) target_semaphore(%arg27 : memref<!tpu.dma_semaphore, #tpu.memory_space<semaphore_mem>>)
    %add3A_6 = arith.constant 32 : i32
    %add3A_7 = arith.addi %add3A, %add3A_6 : i32
    %mul3A_8 = arith.constant 128 : i32
    %mul3A_9 = arith.muli %add3A_7, %mul3A_8 : i32
    %multiple_of3A_10 = tpu.assume_multiple %mul3A_9, 8 : i32
    %dma_start3A_11 = tpu.memref_slice %arg9[%multiple_of3A_10] : memref<320000xi32, #tpu.memory_space<hbm>> -> memref<128xi32, #tpu.memory_space<hbm>>
    %dma_start3A_12 = tpu.memref_slice %arg9[%multiple_of3A_10] : memref<320000xi32, #tpu.memory_space<hbm>> -> memref<128xi32, #tpu.memory_space<hbm>>
    tpu.enqueue_dma source(%dma_start3A_12 : memref<128xi32, #tpu.memory_space<hbm>>) target(%arg23 : memref<128xi32, #tpu.memory_space<vmem>>) target_semaphore(%arg30 : memref<!tpu.dma_semaphore, #tpu.memory_space<semaphore_mem>>)
    %dma_start3A_13 = tpu.memref_slice %arg10[%multiple_of3A_10] : memref<320000xi32, #tpu.memory_space<hbm>> -> memref<128xi32, #tpu.memory_space<hbm>>
    %dma_start3A_14 = tpu.memref_slice %arg10[%multiple_of3A_10] : memref<320000xi32, #tpu.memory_space<hbm>> -> memref<128xi32, #tpu.memory_space<hbm>>
    tpu.enqueue_dma source(%dma_start3A_14 : memref<128xi32, #tpu.memory_space<hbm>>) target(%arg24 : memref<128xi32, #tpu.memory_space<vmem>>) target_semaphore(%arg30 : memref<!tpu.dma_semaphore, #tpu.memory_space<semaphore_mem>>)
    %scan3A = arith.constant 0 : i32
    %scan3A_15 = arith.constant 40 : i32
    %scan3A_16 = arith.addi %scan3A, %scan3A_15 : i32
    %scan3A_17 = arith.constant 1 : i32
    scf.for %scan3A_42 = %scan3A to %scan3A_16 step %scan3A_17  : i32 {
      %mul3A_43 = arith.constant 1 : i32
      %mul3A_44 = arith.muli %scan3A_42, %mul3A_43 : i32
      %add3A_45 = arith.constant 0 : i32
      %add3A_46 = arith.addi %add3A_45, %mul3A_44 : i32
      %mul3A_47 = arith.constant 64 : i32
      %mul3A_48 = arith.muli %mul3A_47, %add3A_46 : i32
      %add3A_49 = arith.addi %add3A, %mul3A_48 : i32
      %lt3A = arith.constant 2500 : i32
      %lt3A_50 = arith.cmpi slt, %add3A_49, %lt3A : i32
      %convert_element_type3A = arith.extui %lt3A_50 : i1 to i32
      %cond3A = arith.constant 0 : i32
      %cond3A_51 = arith.cmpi ne, %convert_element_type3A, %cond3A : i32
      scf.if %cond3A_51 {
        %mul3A_62 = arith.constant 128 : i32
        %mul3A_63 = arith.muli %add3A_49, %mul3A_62 : i32
        %multiple_of3A_64 = tpu.assume_multiple %mul3A_63, 8 : i32
        %dma_wait3A_65 = arith.constant 0 : i32
        %dma_wait3A_66 = tpu.memref_slice %arg9[%dma_wait3A_65] : memref<320000xi32, #tpu.memory_space<hbm>> -> memref<128xi32, #tpu.memory_space<hbm>>
        %dma_wait3A_67 = arith.constant 0 : i32
        %dma_wait3A_68 = tpu.memref_slice %arg9[%dma_wait3A_67] : memref<320000xi32, #tpu.memory_space<hbm>> -> memref<128xi32, #tpu.memory_space<hbm>>
        tpu.wait_dma2 semaphore(%arg27 : memref<!tpu.dma_semaphore, #tpu.memory_space<semaphore_mem>>) src(%dma_wait3A_68 : memref<128xi32, #tpu.memory_space<hbm>>) dst(%arg19 : memref<128xi32, #tpu.memory_space<vmem>>)
        %dma_wait3A_69 = arith.constant 0 : i32
        %dma_wait3A_70 = tpu.memref_slice %arg10[%dma_wait3A_69] : memref<320000xi32, #tpu.memory_space<hbm>> -> memref<128xi32, #tpu.memory_space<hbm>>
        %dma_wait3A_71 = arith.constant 0 : i32
        %dma_wait3A_72 = tpu.memref_slice %arg10[%dma_wait3A_71] : memref<320000xi32, #tpu.memory_space<hbm>> -> memref<128xi32, #tpu.memory_space<hbm>>
        tpu.wait_dma2 semaphore(%arg27 : memref<!tpu.dma_semaphore, #tpu.memory_space<semaphore_mem>>) src(%dma_wait3A_72 : memref<128xi32, #tpu.memory_space<hbm>>) dst(%arg20 : memref<128xi32, #tpu.memory_space<vmem>>)
        %gt3A = arith.constant 0 : i32
        %gt3A_73 = arith.cmpi sgt, %add3A_46, %gt3A : i32
        %convert_element_type3A_74 = arith.extui %gt3A_73 : i1 to i32
        %cond3A_75 = arith.constant 0 : i32
        %cond3A_76 = arith.cmpi ne, %convert_element_type3A_74, %cond3A_75 : i32
        scf.if %cond3A_76 {
          %dma_wait3A_106 = arith.constant 0 : i32
          %dma_wait3A_107 = arith.constant 0 : i32
          %dma_wait3A_108 = tpu.memref_slice %arg11[%dma_wait3A_106, %dma_wait3A_107] : memref<320000x128xf32, #tpu.memory_space<hbm>> -> memref<128x128xf32, #tpu.memory_space<hbm>>
          %dma_wait3A_109 = arith.constant 0 : i32
          %dma_wait3A_110 = arith.constant 0 : i32
          %dma_wait3A_111 = tpu.memref_slice %arg11[%dma_wait3A_109, %dma_wait3A_110] : memref<320000x128xf32, #tpu.memory_space<hbm>> -> memref<128x128xf32, #tpu.memory_space<hbm>>
          tpu.wait_dma2 semaphore(%arg29 : memref<!tpu.dma_semaphore, #tpu.memory_space<semaphore_mem>>) src(%arg21 : memref<128x128xf32, #tpu.memory_space<vmem>>) dst(%dma_wait3A_111 : memref<128x128xf32, #tpu.memory_space<hbm>>)
          %dma_wait3A_112 = arith.constant 0 : i32
          %dma_wait3A_113 = arith.constant 0 : i32
          %dma_wait3A_114 = tpu.memref_slice %arg12[%dma_wait3A_112, %dma_wait3A_113] : memref<6x320000xf32, #tpu.memory_space<hbm>> -> memref<6x128xf32, #tpu.memory_space<hbm>>
          %dma_wait3A_115 = arith.constant 0 : i32
          %dma_wait3A_116 = arith.constant 0 : i32
          %dma_wait3A_117 = tpu.memref_slice %arg12[%dma_wait3A_115, %dma_wait3A_116] : memref<6x320000xf32, #tpu.memory_space<hbm>> -> memref<6x128xf32, #tpu.memory_space<hbm>>
          tpu.wait_dma2 semaphore(%arg29 : memref<!tpu.dma_semaphore, #tpu.memory_space<semaphore_mem>>) src(%arg22 : memref<6x128xf32, #tpu.memory_space<vmem>>) dst(%dma_wait3A_117 : memref<6x128xf32, #tpu.memory_space<hbm>>)
        } else {
        }
        %dma_start3A_77 = arith.constant 0 : i32
        %dma_start3A_78 = arith.constant 0 : i32
        %dma_start3A_79 = tpu.memref_slice %arg2[%dma_start3A_77, %dma_start3A_78] : memref<10000x128xf32, #tpu.memory_space<hbm>> -> memref<10000x128xf32, #tpu.memory_space<hbm>>
        tpu.enqueue_indirect_dma source(%dma_start3A_79 : memref<10000x128xf32, #tpu.memory_space<hbm>>) target(%arg21 : memref<128x128xf32, #tpu.memory_space<vmem>>) offsets(%arg19 : memref<128xi32, #tpu.memory_space<vmem>>) semaphore(%arg28 : memref<!tpu.dma_semaphore, #tpu.memory_space<semaphore_mem>>)
        %scan3A_80 = arith.constant 0 : i32
        %scan3A_81 = arith.constant 8 : i32
        %scan3A_82 = arith.addi %scan3A_80, %scan3A_81 : i32
        %scan3A_83 = arith.constant 1 : i32
        scf.for %scan3A_106 = %scan3A_80 to %scan3A_82 step %scan3A_83  : i32 {
          %mul3A_107 = arith.constant 1 : i32
          %mul3A_108 = arith.muli %scan3A_106, %mul3A_107 : i32
          %add3A_109 = arith.constant 0 : i32
          %add3A_110 = arith.addi %add3A_109, %mul3A_108 : i32
          %mul3A_111 = arith.constant 16 : i32
          %mul3A_112 = arith.muli %add3A_110, %mul3A_111 : i32
          %get3A = arith.index_cast %mul3A_112 : i32 to index
          %get3A_113 = tpu.vector_load %arg19[%get3A] {strides = array<i32>} : memref<128xi32, #tpu.memory_space<vmem>>, vector<16xi32>,
          %mul3A_114 = arith.constant 16 : i32
          %mul3A_115 = arith.muli %add3A_110, %mul3A_114 : i32
          %get3A_116 = arith.index_cast %mul3A_115 : i32 to index
          %get3A_117 = tpu.vector_load %arg20[%get3A_116] {strides = array<i32>} : memref<128xi32, #tpu.memory_space<vmem>>, vector<16xi32>,
          %gather3A = tpu.vector_load_idx %arg13[%get3A_113] : memref<10000xf32, #tpu.memory_space<vmem>>[vector<16xi32>], vector<16xf32>,
          %mul3A_118 = arith.constant 16 : i32
          %mul3A_119 = arith.muli %add3A_110, %mul3A_118 : i32
          %swap3A = arith.constant 0 : i32
          %swap3A_120 = arith.index_cast %swap3A : i32 to index
          %swap3A_121 = arith.index_cast %mul3A_119 : i32 to index
          %swap3A_122 = tpu.vector_load %arg22[%swap3A_120, %swap3A_121] {strides = array<i32>} : memref<6x128xf32, #tpu.memory_space<vmem>>, vector<16xf32>,
          tpu.vector_store %arg22[%swap3A_120, %swap3A_121], %gather3A {strides = array<i32>} : memref<6x128xf32, #tpu.memory_space<vmem>>, vector<16xf32>,
          %gather3A_123 = tpu.vector_load_idx %arg14[%get3A_113] : memref<10000xf32, #tpu.memory_space<vmem>>[vector<16xi32>], vector<16xf32>,
          %mul3A_124 = arith.constant 16 : i32
          %mul3A_125 = arith.muli %add3A_110, %mul3A_124 : i32
          %swap3A_126 = arith.constant 1 : i32
          %swap3A_127 = arith.index_cast %swap3A_126 : i32 to index
          %swap3A_128 = arith.index_cast %mul3A_125 : i32 to index
          %swap3A_129 = tpu.vector_load %arg22[%swap3A_127, %swap3A_128] {strides = array<i32>} : memref<6x128xf32, #tpu.memory_space<vmem>>, vector<16xf32>,
          tpu.vector_store %arg22[%swap3A_127, %swap3A_128], %gather3A_123 {strides = array<i32>} : memref<6x128xf32, #tpu.memory_space<vmem>>, vector<16xf32>,
          %gather3A_130 = tpu.vector_load_idx %arg15[%get3A_113] : memref<10000xf32, #tpu.memory_space<vmem>>[vector<16xi32>], vector<16xf32>,
          %mul3A_131 = arith.constant 16 : i32
          %mul3A_132 = arith.muli %add3A_110, %mul3A_131 : i32
          %swap3A_133 = arith.constant 2 : i32
          %swap3A_134 = arith.index_cast %swap3A_133 : i32 to index
          %swap3A_135 = arith.index_cast %mul3A_132 : i32 to index
          %swap3A_136 = tpu.vector_load %arg22[%swap3A_134, %swap3A_135] {strides = array<i32>} : memref<6x128xf32, #tpu.memory_space<vmem>>, vector<16xf32>,
          tpu.vector_store %arg22[%swap3A_134, %swap3A_135], %gather3A_130 {strides = array<i32>} : memref<6x128xf32, #tpu.memory_space<vmem>>, vector<16xf32>,
          %gather3A_137 = tpu.vector_load_idx %arg16[%get3A_117] : memref<10000xf32, #tpu.memory_space<vmem>>[vector<16xi32>], vector<16xf32>,
          %mul3A_138 = arith.constant 16 : i32
          %mul3A_139 = arith.muli %add3A_110, %mul3A_138 : i32
          %swap3A_140 = arith.constant 3 : i32
          %swap3A_141 = arith.index_cast %swap3A_140 : i32 to index
          %swap3A_142 = arith.index_cast %mul3A_139 : i32 to index
          %swap3A_143 = tpu.vector_load %arg22[%swap3A_141, %swap3A_142] {strides = array<i32>} : memref<6x128xf32, #tpu.memory_space<vmem>>, vector<16xf32>,
          tpu.vector_store %arg22[%swap3A_141, %swap3A_142], %gather3A_137 {strides = array<i32>} : memref<6x128xf32, #tpu.memory_space<vmem>>, vector<16xf32>,
          %gather3A_144 = tpu.vector_load_idx %arg17[%get3A_117] : memref<10000xf32, #tpu.memory_space<vmem>>[vector<16xi32>], vector<16xf32>,
          %mul3A_145 = arith.constant 16 : i32
          %mul3A_146 = arith.muli %add3A_110, %mul3A_145 : i32
          %swap3A_147 = arith.constant 4 : i32
          %swap3A_148 = arith.index_cast %swap3A_147 : i32 to index
          %swap3A_149 = arith.index_cast %mul3A_146 : i32 to index
          %swap3A_150 = tpu.vector_load %arg22[%swap3A_148, %swap3A_149] {strides = array<i32>} : memref<6x128xf32, #tpu.memory_space<vmem>>, vector<16xf32>,
          tpu.vector_store %arg22[%swap3A_148, %swap3A_149], %gather3A_144 {strides = array<i32>} : memref<6x128xf32, #tpu.memory_space<vmem>>, vector<16xf32>,
          %gather3A_151 = tpu.vector_load_idx %arg18[%get3A_117] : memref<10000xf32, #tpu.memory_space<vmem>>[vector<16xi32>], vector<16xf32>,
          %mul3A_152 = arith.constant 16 : i32
          %mul3A_153 = arith.muli %add3A_110, %mul3A_152 : i32
          %swap3A_154 = arith.constant 5 : i32
          %swap3A_155 = arith.index_cast %swap3A_154 : i32 to index
          %swap3A_156 = arith.index_cast %mul3A_153 : i32 to index
          %swap3A_157 = tpu.vector_load %arg22[%swap3A_155, %swap3A_156] {strides = array<i32>} : memref<6x128xf32, #tpu.memory_space<vmem>>, vector<16xf32>,
          tpu.vector_store %arg22[%swap3A_155, %swap3A_156], %gather3A_151 {strides = array<i32>} : memref<6x128xf32, #tpu.memory_space<vmem>>, vector<16xf32>,
        }
        %scan3A_84 = arith.constant 8 : i32
        %dma_wait3A_85 = arith.constant 0 : i32
        %dma_wait3A_86 = arith.constant 0 : i32
        %dma_wait3A_87 = tpu.memref_slice %arg2[%dma_wait3A_85, %dma_wait3A_86] : memref<10000x128xf32, #tpu.memory_space<hbm>> -> memref<128x128xf32, #tpu.memory_space<hbm>>
        %dma_wait3A_88 = arith.constant 0 : i32
        %dma_wait3A_89 = arith.constant 0 : i32
        %dma_wait3A_90 = tpu.memref_slice %arg2[%dma_wait3A_88, %dma_wait3A_89] : memref<10000x128xf32, #tpu.memory_space<hbm>> -> memref<128x128xf32, #tpu.memory_space<hbm>>
        tpu.wait_dma2 semaphore(%arg28 : memref<!tpu.dma_semaphore, #tpu.memory_space<semaphore_mem>>) src(%dma_wait3A_90 : memref<128x128xf32, #tpu.memory_space<hbm>>) dst(%arg21 : memref<128x128xf32, #tpu.memory_space<vmem>>)
        %dma_start3A_91 = arith.constant 0 : i32
        %dma_start3A_92 = tpu.memref_slice %arg11[%multiple_of3A_64, %dma_start3A_91] : memref<320000x128xf32, #tpu.memory_space<hbm>> -> memref<128x128xf32, #tpu.memory_space<hbm>>
        %dma_start3A_93 = arith.constant 0 : i32
        %dma_start3A_94 = tpu.memref_slice %arg11[%multiple_of3A_64, %dma_start3A_93] : memref<320000x128xf32, #tpu.memory_space<hbm>> -> memref<128x128xf32, #tpu.memory_space<hbm>>
        tpu.enqueue_dma source(%arg21 : memref<128x128xf32, #tpu.memory_space<vmem>>) target(%dma_start3A_94 : memref<128x128xf32, #tpu.memory_space<hbm>>) target_semaphore(%arg29 : memref<!tpu.dma_semaphore, #tpu.memory_space<semaphore_mem>>)
        %dma_start3A_95 = arith.constant 0 : i32
        %dma_start3A_96 = tpu.memref_slice %arg12[%dma_start3A_95, %multiple_of3A_64] : memref<6x320000xf32, #tpu.memory_space<hbm>> -> memref<6x128xf32, #tpu.memory_space<hbm>>
        %dma_start3A_97 = arith.constant 0 : i32
        %dma_start3A_98 = tpu.memref_slice %arg12[%dma_start3A_97, %multiple_of3A_64] : memref<6x320000xf32, #tpu.memory_space<hbm>> -> memref<6x128xf32, #tpu.memory_space<hbm>>
        tpu.enqueue_dma source(%arg22 : memref<6x128xf32, #tpu.memory_space<vmem>>) target(%dma_start3A_98 : memref<6x128xf32, #tpu.memory_space<hbm>>) target_semaphore(%arg29 : memref<!tpu.dma_semaphore, #tpu.memory_space<semaphore_mem>>)
        %add3A_99 = arith.constant 64 : i32
        %add3A_100 = arith.addi %add3A_49, %add3A_99 : i32
        %lt3A_101 = arith.constant 2500 : i32
        %lt3A_102 = arith.cmpi slt, %add3A_100, %lt3A_101 : i32
        %convert_element_type3A_103 = arith.extui %lt3A_102 : i1 to i32
        %cond3A_104 = arith.constant 0 : i32
        %cond3A_105 = arith.cmpi ne, %convert_element_type3A_103, %cond3A_104 : i32
        scf.if %cond3A_105 {
          %mul3A_106 = arith.constant 128 : i32
          %mul3A_107 = arith.muli %add3A_100, %mul3A_106 : i32
          %multiple_of3A_108 = tpu.assume_multiple %mul3A_107, 8 : i32
          %dma_start3A_109 = tpu.memref_slice %arg9[%multiple_of3A_108] : memref<320000xi32, #tpu.memory_space<hbm>> -> memref<128xi32, #tpu.memory_space<hbm>>
          %dma_start3A_110 = tpu.memref_slice %arg9[%multiple_of3A_108] : memref<320000xi32, #tpu.memory_space<hbm>> -> memref<128xi32, #tpu.memory_space<hbm>>
          tpu.enqueue_dma source(%dma_start3A_110 : memref<128xi32, #tpu.memory_space<hbm>>) target(%arg19 : memref<128xi32, #tpu.memory_space<vmem>>) target_semaphore(%arg27 : memref<!tpu.dma_semaphore, #tpu.memory_space<semaphore_mem>>)
          %dma_start3A_111 = tpu.memref_slice %arg10[%multiple_of3A_108] : memref<320000xi32, #tpu.memory_space<hbm>> -> memref<128xi32, #tpu.memory_space<hbm>>
          %dma_start3A_112 = tpu.memref_slice %arg10[%multiple_of3A_108] : memref<320000xi32, #tpu.memory_space<hbm>> -> memref<128xi32, #tpu.memory_space<hbm>>
          tpu.enqueue_dma source(%dma_start3A_112 : memref<128xi32, #tpu.memory_space<hbm>>) target(%arg20 : memref<128xi32, #tpu.memory_space<vmem>>) target_semaphore(%arg27 : memref<!tpu.dma_semaphore, #tpu.memory_space<semaphore_mem>>)
        } else {
        }
      } else {
      }
      %add3A_52 = arith.constant 32 : i32
      %add3A_53 = arith.addi %add3A, %add3A_52 : i32
      %mul3A_54 = arith.constant 64 : i32
      %mul3A_55 = arith.muli %mul3A_54, %add3A_46 : i32
      %add3A_56 = arith.addi %add3A_53, %mul3A_55 : i32
      %lt3A_57 = arith.constant 2500 : i32
      %lt3A_58 = arith.cmpi slt, %add3A_56, %lt3A_57 : i32
      %convert_element_type3A_59 = arith.extui %lt3A_58 : i1 to i32
      %cond3A_60 = arith.constant 0 : i32
      %cond3A_61 = arith.cmpi ne, %convert_element_type3A_59, %cond3A_60 : i32
      scf.if %cond3A_61 {
        %mul3A_62 = arith.constant 128 : i32
        %mul3A_63 = arith.muli %add3A_56, %mul3A_62 : i32
        %multiple_of3A_64 = tpu.assume_multiple %mul3A_63, 8 : i32
        %dma_wait3A_65 = arith.constant 0 : i32
        %dma_wait3A_66 = tpu.memref_slice %arg9[%dma_wait3A_65] : memref<320000xi32, #tpu.memory_space<hbm>> -> memref<128xi32, #tpu.memory_space<hbm>>
        %dma_wait3A_67 = arith.constant 0 : i32
        %dma_wait3A_68 = tpu.memref_slice %arg9[%dma_wait3A_67] : memref<320000xi32, #tpu.memory_space<hbm>> -> memref<128xi32, #tpu.memory_space<hbm>>
        tpu.wait_dma2 semaphore(%arg30 : memref<!tpu.dma_semaphore, #tpu.memory_space<semaphore_mem>>) src(%dma_wait3A_68 : memref<128xi32, #tpu.memory_space<hbm>>) dst(%arg23 : memref<128xi32, #tpu.memory_space<vmem>>)
        %dma_wait3A_69 = arith.constant 0 : i32
        %dma_wait3A_70 = tpu.memref_slice %arg10[%dma_wait3A_69] : memref<320000xi32, #tpu.memory_space<hbm>> -> memref<128xi32, #tpu.memory_space<hbm>>
        %dma_wait3A_71 = arith.constant 0 : i32
        %dma_wait3A_72 = tpu.memref_slice %arg10[%dma_wait3A_71] : memref<320000xi32, #tpu.memory_space<hbm>> -> memref<128xi32, #tpu.memory_space<hbm>>
        tpu.wait_dma2 semaphore(%arg30 : memref<!tpu.dma_semaphore, #tpu.memory_space<semaphore_mem>>) src(%dma_wait3A_72 : memref<128xi32, #tpu.memory_space<hbm>>) dst(%arg24 : memref<128xi32, #tpu.memory_space<vmem>>)
        %gt3A = arith.constant 0 : i32
        %gt3A_73 = arith.cmpi sgt, %add3A_46, %gt3A : i32
        %convert_element_type3A_74 = arith.extui %gt3A_73 : i1 to i32
        %cond3A_75 = arith.constant 0 : i32
        %cond3A_76 = arith.cmpi ne, %convert_element_type3A_74, %cond3A_75 : i32
        scf.if %cond3A_76 {
          %dma_wait3A_106 = arith.constant 0 : i32
          %dma_wait3A_107 = arith.constant 0 : i32
          %dma_wait3A_108 = tpu.memref_slice %arg11[%dma_wait3A_106, %dma_wait3A_107] : memref<320000x128xf32, #tpu.memory_space<hbm>> -> memref<128x128xf32, #tpu.memory_space<hbm>>
          %dma_wait3A_109 = arith.constant 0 : i32
          %dma_wait3A_110 = arith.constant 0 : i32
          %dma_wait3A_111 = tpu.memref_slice %arg11[%dma_wait3A_109, %dma_wait3A_110] : memref<320000x128xf32, #tpu.memory_space<hbm>> -> memref<128x128xf32, #tpu.memory_space<hbm>>
          tpu.wait_dma2 semaphore(%arg32 : memref<!tpu.dma_semaphore, #tpu.memory_space<semaphore_mem>>) src(%arg25 : memref<128x128xf32, #tpu.memory_space<vmem>>) dst(%dma_wait3A_111 : memref<128x128xf32, #tpu.memory_space<hbm>>)
          %dma_wait3A_112 = arith.constant 0 : i32
          %dma_wait3A_113 = arith.constant 0 : i32
          %dma_wait3A_114 = tpu.memref_slice %arg12[%dma_wait3A_112, %dma_wait3A_113] : memref<6x320000xf32, #tpu.memory_space<hbm>> -> memref<6x128xf32, #tpu.memory_space<hbm>>
          %dma_wait3A_115 = arith.constant 0 : i32
          %dma_wait3A_116 = arith.constant 0 : i32
          %dma_wait3A_117 = tpu.memref_slice %arg12[%dma_wait3A_115, %dma_wait3A_116] : memref<6x320000xf32, #tpu.memory_space<hbm>> -> memref<6x128xf32, #tpu.memory_space<hbm>>
          tpu.wait_dma2 semaphore(%arg32 : memref<!tpu.dma_semaphore, #tpu.memory_space<semaphore_mem>>) src(%arg26 : memref<6x128xf32, #tpu.memory_space<vmem>>) dst(%dma_wait3A_117 : memref<6x128xf32, #tpu.memory_space<hbm>>)
        } else {
        }
        %dma_start3A_77 = arith.constant 0 : i32
        %dma_start3A_78 = arith.constant 0 : i32
        %dma_start3A_79 = tpu.memref_slice %arg2[%dma_start3A_77, %dma_start3A_78] : memref<10000x128xf32, #tpu.memory_space<hbm>> -> memref<10000x128xf32, #tpu.memory_space<hbm>>
        tpu.enqueue_indirect_dma source(%dma_start3A_79 : memref<10000x128xf32, #tpu.memory_space<hbm>>) target(%arg25 : memref<128x128xf32, #tpu.memory_space<vmem>>) offsets(%arg23 : memref<128xi32, #tpu.memory_space<vmem>>) semaphore(%arg31 : memref<!tpu.dma_semaphore, #tpu.memory_space<semaphore_mem>>)
        %scan3A_80 = arith.constant 0 : i32
        %scan3A_81 = arith.constant 8 : i32
        %scan3A_82 = arith.addi %scan3A_80, %scan3A_81 : i32
        %scan3A_83 = arith.constant 1 : i32
        scf.for %scan3A_106 = %scan3A_80 to %scan3A_82 step %scan3A_83  : i32 {
          %mul3A_107 = arith.constant 1 : i32
          %mul3A_108 = arith.muli %scan3A_106, %mul3A_107 : i32
          %add3A_109 = arith.constant 0 : i32
          %add3A_110 = arith.addi %add3A_109, %mul3A_108 : i32
          %mul3A_111 = arith.constant 16 : i32
          %mul3A_112 = arith.muli %add3A_110, %mul3A_111 : i32
          %get3A = arith.index_cast %mul3A_112 : i32 to index
          %get3A_113 = tpu.vector_load %arg23[%get3A] {strides = array<i32>} : memref<128xi32, #tpu.memory_space<vmem>>, vector<16xi32>,
          %mul3A_114 = arith.constant 16 : i32
          %mul3A_115 = arith.muli %add3A_110, %mul3A_114 : i32
          %get3A_116 = arith.index_cast %mul3A_115 : i32 to index
          %get3A_117 = tpu.vector_load %arg24[%get3A_116] {strides = array<i32>} : memref<128xi32, #tpu.memory_space<vmem>>, vector<16xi32>,
          %gather3A = tpu.vector_load_idx %arg13[%get3A_113] : memref<10000xf32, #tpu.memory_space<vmem>>[vector<16xi32>], vector<16xf32>,
          %mul3A_118 = arith.constant 16 : i32
          %mul3A_119 = arith.muli %add3A_110, %mul3A_118 : i32
          %swap3A = arith.constant 0 : i32
          %swap3A_120 = arith.index_cast %swap3A : i32 to index
          %swap3A_121 = arith.index_cast %mul3A_119 : i32 to index
          %swap3A_122 = tpu.vector_load %arg26[%swap3A_120, %swap3A_121] {strides = array<i32>} : memref<6x128xf32, #tpu.memory_space<vmem>>, vector<16xf32>,
          tpu.vector_store %arg26[%swap3A_120, %swap3A_121], %gather3A {strides = array<i32>} : memref<6x128xf32, #tpu.memory_space<vmem>>, vector<16xf32>,
          %gather3A_123 = tpu.vector_load_idx %arg14[%get3A_113] : memref<10000xf32, #tpu.memory_space<vmem>>[vector<16xi32>], vector<16xf32>,
          %mul3A_124 = arith.constant 16 : i32
          %mul3A_125 = arith.muli %add3A_110, %mul3A_124 : i32
          %swap3A_126 = arith.constant 1 : i32
          %swap3A_127 = arith.index_cast %swap3A_126 : i32 to index
          %swap3A_128 = arith.index_cast %mul3A_125 : i32 to index
          %swap3A_129 = tpu.vector_load %arg26[%swap3A_127, %swap3A_128] {strides = array<i32>} : memref<6x128xf32, #tpu.memory_space<vmem>>, vector<16xf32>,
          tpu.vector_store %arg26[%swap3A_127, %swap3A_128], %gather3A_123 {strides = array<i32>} : memref<6x128xf32, #tpu.memory_space<vmem>>, vector<16xf32>,
          %gather3A_130 = tpu.vector_load_idx %arg15[%get3A_113] : memref<10000xf32, #tpu.memory_space<vmem>>[vector<16xi32>], vector<16xf32>,
          %mul3A_131 = arith.constant 16 : i32
          %mul3A_132 = arith.muli %add3A_110, %mul3A_131 : i32
          %swap3A_133 = arith.constant 2 : i32
          %swap3A_134 = arith.index_cast %swap3A_133 : i32 to index
          %swap3A_135 = arith.index_cast %mul3A_132 : i32 to index
          %swap3A_136 = tpu.vector_load %arg26[%swap3A_134, %swap3A_135] {strides = array<i32>} : memref<6x128xf32, #tpu.memory_space<vmem>>, vector<16xf32>,
          tpu.vector_store %arg26[%swap3A_134, %swap3A_135], %gather3A_130 {strides = array<i32>} : memref<6x128xf32, #tpu.memory_space<vmem>>, vector<16xf32>,
          %gather3A_137 = tpu.vector_load_idx %arg16[%get3A_117] : memref<10000xf32, #tpu.memory_space<vmem>>[vector<16xi32>], vector<16xf32>,
          %mul3A_138 = arith.constant 16 : i32
          %mul3A_139 = arith.muli %add3A_110, %mul3A_138 : i32
          %swap3A_140 = arith.constant 3 : i32
          %swap3A_141 = arith.index_cast %swap3A_140 : i32 to index
          %swap3A_142 = arith.index_cast %mul3A_139 : i32 to index
          %swap3A_143 = tpu.vector_load %arg26[%swap3A_141, %swap3A_142] {strides = array<i32>} : memref<6x128xf32, #tpu.memory_space<vmem>>, vector<16xf32>,
          tpu.vector_store %arg26[%swap3A_141, %swap3A_142], %gather3A_137 {strides = array<i32>} : memref<6x128xf32, #tpu.memory_space<vmem>>, vector<16xf32>,
          %gather3A_144 = tpu.vector_load_idx %arg17[%get3A_117] : memref<10000xf32, #tpu.memory_space<vmem>>[vector<16xi32>], vector<16xf32>,
          %mul3A_145 = arith.constant 16 : i32
          %mul3A_146 = arith.muli %add3A_110, %mul3A_145 : i32
          %swap3A_147 = arith.constant 4 : i32
          %swap3A_148 = arith.index_cast %swap3A_147 : i32 to index
          %swap3A_149 = arith.index_cast %mul3A_146 : i32 to index
          %swap3A_150 = tpu.vector_load %arg26[%swap3A_148, %swap3A_149] {strides = array<i32>} : memref<6x128xf32, #tpu.memory_space<vmem>>, vector<16xf32>,
          tpu.vector_store %arg26[%swap3A_148, %swap3A_149], %gather3A_144 {strides = array<i32>} : memref<6x128xf32, #tpu.memory_space<vmem>>, vector<16xf32>,
          %gather3A_151 = tpu.vector_load_idx %arg18[%get3A_117] : memref<10000xf32, #tpu.memory_space<vmem>>[vector<16xi32>], vector<16xf32>,
          %mul3A_152 = arith.constant 16 : i32
          %mul3A_153 = arith.muli %add3A_110, %mul3A_152 : i32
          %swap3A_154 = arith.constant 5 : i32
          %swap3A_155 = arith.index_cast %swap3A_154 : i32 to index
          %swap3A_156 = arith.index_cast %mul3A_153 : i32 to index
          %swap3A_157 = tpu.vector_load %arg26[%swap3A_155, %swap3A_156] {strides = array<i32>} : memref<6x128xf32, #tpu.memory_space<vmem>>, vector<16xf32>,
          tpu.vector_store %arg26[%swap3A_155, %swap3A_156], %gather3A_151 {strides = array<i32>} : memref<6x128xf32, #tpu.memory_space<vmem>>, vector<16xf32>,
        }
        %scan3A_84 = arith.constant 8 : i32
        %dma_wait3A_85 = arith.constant 0 : i32
        %dma_wait3A_86 = arith.constant 0 : i32
        %dma_wait3A_87 = tpu.memref_slice %arg2[%dma_wait3A_85, %dma_wait3A_86] : memref<10000x128xf32, #tpu.memory_space<hbm>> -> memref<128x128xf32, #tpu.memory_space<hbm>>
        %dma_wait3A_88 = arith.constant 0 : i32
        %dma_wait3A_89 = arith.constant 0 : i32
        %dma_wait3A_90 = tpu.memref_slice %arg2[%dma_wait3A_88, %dma_wait3A_89] : memref<10000x128xf32, #tpu.memory_space<hbm>> -> memref<128x128xf32, #tpu.memory_space<hbm>>
        tpu.wait_dma2 semaphore(%arg31 : memref<!tpu.dma_semaphore, #tpu.memory_space<semaphore_mem>>) src(%dma_wait3A_90 : memref<128x128xf32, #tpu.memory_space<hbm>>) dst(%arg25 : memref<128x128xf32, #tpu.memory_space<vmem>>)
        %dma_start3A_91 = arith.constant 0 : i32
        %dma_start3A_92 = tpu.memref_slice %arg11[%multiple_of3A_64, %dma_start3A_91] : memref<320000x128xf32, #tpu.memory_space<hbm>> -> memref<128x128xf32, #tpu.memory_space<hbm>>
        %dma_start3A_93 = arith.constant 0 : i32
        %dma_start3A_94 = tpu.memref_slice %arg11[%multiple_of3A_64, %dma_start3A_93] : memref<320000x128xf32, #tpu.memory_space<hbm>> -> memref<128x128xf32, #tpu.memory_space<hbm>>
        tpu.enqueue_dma source(%arg25 : memref<128x128xf32, #tpu.memory_space<vmem>>) target(%dma_start3A_94 : memref<128x128xf32, #tpu.memory_space<hbm>>) target_semaphore(%arg32 : memref<!tpu.dma_semaphore, #tpu.memory_space<semaphore_mem>>)
        %dma_start3A_95 = arith.constant 0 : i32
        %dma_start3A_96 = tpu.memref_slice %arg12[%dma_start3A_95, %multiple_of3A_64] : memref<6x320000xf32, #tpu.memory_space<hbm>> -> memref<6x128xf32, #tpu.memory_space<hbm>>
        %dma_start3A_97 = arith.constant 0 : i32
        %dma_start3A_98 = tpu.memref_slice %arg12[%dma_start3A_97, %multiple_of3A_64] : memref<6x320000xf32, #tpu.memory_space<hbm>> -> memref<6x128xf32, #tpu.memory_space<hbm>>
        tpu.enqueue_dma source(%arg26 : memref<6x128xf32, #tpu.memory_space<vmem>>) target(%dma_start3A_98 : memref<6x128xf32, #tpu.memory_space<hbm>>) target_semaphore(%arg32 : memref<!tpu.dma_semaphore, #tpu.memory_space<semaphore_mem>>)
        %add3A_99 = arith.constant 64 : i32
        %add3A_100 = arith.addi %add3A_56, %add3A_99 : i32
        %lt3A_101 = arith.constant 2500 : i32
        %lt3A_102 = arith.cmpi slt, %add3A_100, %lt3A_101 : i32
        %convert_element_type3A_103 = arith.extui %lt3A_102 : i1 to i32
        %cond3A_104 = arith.constant 0 : i32
        %cond3A_105 = arith.cmpi ne, %convert_element_type3A_103, %cond3A_104 : i32
        scf.if %cond3A_105 {
          %mul3A_106 = arith.constant 128 : i32
          %mul3A_107 = arith.muli %add3A_100, %mul3A_106 : i32
          %multiple_of3A_108 = tpu.assume_multiple %mul3A_107, 8 : i32
          %dma_start3A_109 = tpu.memref_slice %arg9[%multiple_of3A_108] : memref<320000xi32, #tpu.memory_space<hbm>> -> memref<128xi32, #tpu.memory_space<hbm>>
          %dma_start3A_110 = tpu.memref_slice %arg9[%multiple_of3A_108] : memref<320000xi32, #tpu.memory_space<hbm>> -> memref<128xi32, #tpu.memory_space<hbm>>
          tpu.enqueue_dma source(%dma_start3A_110 : memref<128xi32, #tpu.memory_space<hbm>>) target(%arg23 : memref<128xi32, #tpu.memory_space<vmem>>) target_semaphore(%arg30 : memref<!tpu.dma_semaphore, #tpu.memory_space<semaphore_mem>>)
          %dma_start3A_111 = tpu.memref_slice %arg10[%multiple_of3A_108] : memref<320000xi32, #tpu.memory_space<hbm>> -> memref<128xi32, #tpu.memory_space<hbm>>
          %dma_start3A_112 = tpu.memref_slice %arg10[%multiple_of3A_108] : memref<320000xi32, #tpu.memory_space<hbm>> -> memref<128xi32, #tpu.memory_space<hbm>>
          tpu.enqueue_dma source(%dma_start3A_112 : memref<128xi32, #tpu.memory_space<hbm>>) target(%arg24 : memref<128xi32, #tpu.memory_space<vmem>>) target_semaphore(%arg30 : memref<!tpu.dma_semaphore, #tpu.memory_space<semaphore_mem>>)
        } else {
        }
      } else {
      }
    }
    %scan3A_18 = arith.constant 40 : i32
    %dma_wait3A = arith.constant 0 : i32
    %dma_wait3A_19 = arith.constant 0 : i32
    %dma_wait3A_20 = tpu.memref_slice %arg11[%dma_wait3A, %dma_wait3A_19] : memref<320000x128xf32, #tpu.memory_space<hbm>> -> memref<128x128xf32, #tpu.memory_space<hbm>>
    %dma_wait3A_21 = arith.constant 0 : i32
    %dma_wait3A_22 = arith.constant 0 : i32
    %dma_wait3A_23 = tpu.memref_slice %arg11[%dma_wait3A_21, %dma_wait3A_22] : memref<320000x128xf32, #tpu.memory_space<hbm>> -> memref<128x128xf32, #tpu.memory_space<hbm>>
    tpu.wait_dma2 semaphore(%arg29 : memref<!tpu.dma_semaphore, #tpu.memory_space<semaphore_mem>>) src(%arg21 : memref<128x128xf32, #tpu.memory_space<vmem>>) dst(%dma_wait3A_23 : memref<128x128xf32, #tpu.memory_space<hbm>>)
    %dma_wait3A_24 = arith.constant 0 : i32
    %dma_wait3A_25 = arith.constant 0 : i32
    %dma_wait3A_26 = tpu.memref_slice %arg12[%dma_wait3A_24, %dma_wait3A_25] : memref<6x320000xf32, #tpu.memory_space<hbm>> -> memref<6x128xf32, #tpu.memory_space<hbm>>
    %dma_wait3A_27 = arith.constant 0 : i32
    %dma_wait3A_28 = arith.constant 0 : i32
    %dma_wait3A_29 = tpu.memref_slice %arg12[%dma_wait3A_27, %dma_wait3A_28] : memref<6x320000xf32, #tpu.memory_space<hbm>> -> memref<6x128xf32, #tpu.memory_space<hbm>>
    tpu.wait_dma2 semaphore(%arg29 : memref<!tpu.dma_semaphore, #tpu.memory_space<semaphore_mem>>) src(%arg22 : memref<6x128xf32, #tpu.memory_space<vmem>>) dst(%dma_wait3A_29 : memref<6x128xf32, #tpu.memory_space<hbm>>)
    %dma_wait3A_30 = arith.constant 0 : i32
    %dma_wait3A_31 = arith.constant 0 : i32
    %dma_wait3A_32 = tpu.memref_slice %arg11[%dma_wait3A_30, %dma_wait3A_31] : memref<320000x128xf32, #tpu.memory_space<hbm>> -> memref<128x128xf32, #tpu.memory_space<hbm>>
    %dma_wait3A_33 = arith.constant 0 : i32
    %dma_wait3A_34 = arith.constant 0 : i32
    %dma_wait3A_35 = tpu.memref_slice %arg11[%dma_wait3A_33, %dma_wait3A_34] : memref<320000x128xf32, #tpu.memory_space<hbm>> -> memref<128x128xf32, #tpu.memory_space<hbm>>
    tpu.wait_dma2 semaphore(%arg32 : memref<!tpu.dma_semaphore, #tpu.memory_space<semaphore_mem>>) src(%arg25 : memref<128x128xf32, #tpu.memory_space<vmem>>) dst(%dma_wait3A_35 : memref<128x128xf32, #tpu.memory_space<hbm>>)
    %dma_wait3A_36 = arith.constant 0 : i32
    %dma_wait3A_37 = arith.constant 0 : i32
    %dma_wait3A_38 = tpu.memref_slice %arg12[%dma_wait3A_36, %dma_wait3A_37] : memref<6x320000xf32, #tpu.memory_space<hbm>> -> memref<6x128xf32, #tpu.memory_space<hbm>>
    %dma_wait3A_39 = arith.constant 0 : i32
    %dma_wait3A_40 = arith.constant 0 : i32
    %dma_wait3A_41 = tpu.memref_slice %arg12[%dma_wait3A_39, %dma_wait3A_40] : memref<6x320000xf32, #tpu.memory_space<hbm>> -> memref<6x128xf32, #tpu.memory_space<hbm>>
    tpu.wait_dma2 semaphore(%arg32 : memref<!tpu.dma_semaphore, #tpu.memory_space<semaphore_mem>>) src(%arg26 : memref<6x128xf32, #tpu.memory_space<vmem>>) dst(%dma_wait3A_41 : memref<6x128xf32, #tpu.memory_space<hbm>>)
    return
  }
}

module attributes {stable_mosaic.version = 14 : i64} {
  func.func @_node_body(%arg0: i32, %arg1: memref<1000x128xf32, #tpu.memory_space<vmem>>, %arg2: memref<128x128xf32, #tpu.memory_space<vmem>>, %arg3: memref<1x128xf32, #tpu.memory_space<vmem>>, %arg4: memref<128x128xf32, #tpu.memory_space<vmem>>, %arg5: memref<1x128xf32, #tpu.memory_space<vmem>>, %arg6: memref<1000x128xf32, #tpu.memory_space<vmem>>) attributes {dimension_semantics = [#tpu.dimension_semantics<arbitrary>], iteration_bounds = array<i64: 10>, scalar_prefetch = 0 : i64, scratch_operands = 0 : i64, tpu.core_type = #tpu.core_type<tc>, window_params = [{transform_indices = @transform_0, window_bounds = array<i64: 1000, 128>}, {pipeline_mode = #tpu.pipeline_mode<synchronous>, transform_indices = @transform_1, window_bounds = array<i64: 128, 128>}, {pipeline_mode = #tpu.pipeline_mode<synchronous>, transform_indices = @transform_2, window_bounds = array<i64: 1, 128>}, {pipeline_mode = #tpu.pipeline_mode<synchronous>, transform_indices = @transform_3, window_bounds = array<i64: 128, 128>}, {pipeline_mode = #tpu.pipeline_mode<synchronous>, transform_indices = @transform_4, window_bounds = array<i64: 1, 128>}, {transform_indices = @transform_5, window_bounds = array<i64: 1000, 128>}]} {
    %get3A = arith.constant 0 : index
    %get3A_0 = arith.constant 0 : index
    %get3A_1 = vector.load %arg1[%get3A, %get3A_0] : memref<1000x128xf32, #tpu.memory_space<vmem>>, vector<1000x128xf32>
    %get3A_2 = arith.constant 0 : index
    %get3A_3 = arith.constant 0 : index
    %get3A_4 = vector.load %arg2[%get3A_2, %get3A_3] : memref<128x128xf32, #tpu.memory_space<vmem>>, vector<128x128xf32>
    %dot_general3A = arith.constant dense<0.000000e+00> : vector<1000x128xf32>
    %dot_general3A_5 = tpu.matmul %get3A_1, %get3A_4, %dot_general3A {dimension_numbers = #tpu.dot_dimension_numbers<[1], [0], [0], [1], [0, 0, 1, 1], [], []>, transpose_lhs_hint = false} : vector<1000x128xf32>, vector<128x128xf32>, vector<1000x128xf32> -> vector<1000x128xf32>
    %get3A_6 = arith.constant 0 : index
    %get3A_7 = arith.constant 0 : index
    %get3A_8 = vector.load %arg3[%get3A_6, %get3A_7] : memref<1x128xf32, #tpu.memory_space<vmem>>, vector<1x128xf32>
    %add3A = vector.broadcast %get3A_8 : vector<1x128xf32> to vector<1000x128xf32>
    %add3A_9 = arith.addf %dot_general3A_5, %add3A : vector<1000x128xf32>
    %logistic3A = arith.negf %add3A_9 : vector<1000x128xf32>
    %logistic3A_10 = math.exp %logistic3A : vector<1000x128xf32>
    %logistic3A_11 = arith.constant 1.000000e+00 : f32
    %logistic3A_12 = vector.broadcast %logistic3A_11 : f32 to vector<1000x128xf32>
    %logistic3A_13 = arith.addf %logistic3A_12, %logistic3A_10 : vector<1000x128xf32>
    %logistic3A_14 = arith.divf %logistic3A_12, %logistic3A_13 : vector<1000x128xf32>
    %mul3A = arith.mulf %add3A_9, %logistic3A_14 : vector<1000x128xf32>
    %get3A_15 = arith.constant 0 : index
    %get3A_16 = arith.constant 0 : index
    %get3A_17 = vector.load %arg4[%get3A_15, %get3A_16] : memref<128x128xf32, #tpu.memory_space<vmem>>, vector<128x128xf32>
    %dot_general3A_18 = arith.constant dense<0.000000e+00> : vector<1000x128xf32>
    %dot_general3A_19 = tpu.matmul %mul3A, %get3A_17, %dot_general3A_18 {dimension_numbers = #tpu.dot_dimension_numbers<[1], [0], [0], [1], [0, 0, 1, 1], [], []>, transpose_lhs_hint = false} : vector<1000x128xf32>, vector<128x128xf32>, vector<1000x128xf32> -> vector<1000x128xf32>
    %get3A_20 = arith.constant 0 : index
    %get3A_21 = arith.constant 0 : index
    %get3A_22 = vector.load %arg5[%get3A_20, %get3A_21] : memref<1x128xf32, #tpu.memory_space<vmem>>, vector<1x128xf32>
    %add3A_23 = vector.broadcast %get3A_22 : vector<1x128xf32> to vector<1000x128xf32>
    %add3A_24 = arith.addf %dot_general3A_19, %add3A_23 : vector<1000x128xf32>
    %swap3A = arith.constant 0 : index
    %swap3A_25 = arith.constant 0 : index
    %swap3A_26 = vector.load %arg6[%swap3A, %swap3A_25] : memref<1000x128xf32, #tpu.memory_space<vmem>>, vector<1000x128xf32>
    tpu.vector_store %arg6[%swap3A, %swap3A_25], %add3A_24 {strides = array<i32>} : memref<1000x128xf32, #tpu.memory_space<vmem>>, vector<1000x128xf32>,
    return
  }
  func.func @transform_0(%arg0: i32) -> (i32, i32) {
    %c0_i32 = arith.constant 0 : i32
    %c0_i32_0 = arith.constant 0 : i32
    return %arg0, %c0_i32 : i32, i32
  }
  func.func @transform_1(%arg0: i32) -> (i32, i32) {
    %c0_i32 = arith.constant 0 : i32
    %c0_i32_0 = arith.constant 0 : i32
    %c0_i32_1 = arith.constant 0 : i32
    return %c0_i32, %c0_i32_0 : i32, i32
  }
  func.func @transform_2(%arg0: i32) -> (i32, i32) {
    %c0_i32 = arith.constant 0 : i32
    %c0_i32_0 = arith.constant 0 : i32
    %c0_i32_1 = arith.constant 0 : i32
    return %c0_i32, %c0_i32_0 : i32, i32
  }
  func.func @transform_3(%arg0: i32) -> (i32, i32) {
    %c0_i32 = arith.constant 0 : i32
    %c0_i32_0 = arith.constant 0 : i32
    %c0_i32_1 = arith.constant 0 : i32
    return %c0_i32, %c0_i32_0 : i32, i32
  }
  func.func @transform_4(%arg0: i32) -> (i32, i32) {
    %c0_i32 = arith.constant 0 : i32
    %c0_i32_0 = arith.constant 0 : i32
    %c0_i32_1 = arith.constant 0 : i32
    return %c0_i32, %c0_i32_0 : i32, i32
  }
  func.func @transform_5(%arg0: i32) -> (i32, i32) {
    %c0_i32 = arith.constant 0 : i32
    %c0_i32_0 = arith.constant 0 : i32
    return %arg0, %c0_i32 : i32, i32
  }
}

module attributes {stable_mosaic.version = 14 : i64} {
  func.func @_edge_body(%arg0: i32, %arg1: memref<2560x128xf32, #tpu.memory_space<vmem>>, %arg2: memref<6x2560xf32, #tpu.memory_space<vmem>>, %arg3: memref<6x128xf32, #tpu.memory_space<vmem>>, %arg4: memref<1x128xf32, #tpu.memory_space<vmem>>, %arg5: memref<128x128xf32, #tpu.memory_space<vmem>>, %arg6: memref<1x128xf32, #tpu.memory_space<vmem>>, %arg7: memref<2560x128xf32, #tpu.memory_space<vmem>>) attributes {dimension_semantics = [#tpu.dimension_semantics<arbitrary>], iteration_bounds = array<i64: 125>, scalar_prefetch = 0 : i64, scratch_operands = 0 : i64, tpu.core_type = #tpu.core_type<tc>, window_params = [{transform_indices = @transform_0, window_bounds = array<i64: 2560, 128>}, {transform_indices = @transform_1, window_bounds = array<i64: 6, 2560>}, {pipeline_mode = #tpu.pipeline_mode<synchronous>, transform_indices = @transform_2, window_bounds = array<i64: 6, 128>}, {pipeline_mode = #tpu.pipeline_mode<synchronous>, transform_indices = @transform_3, window_bounds = array<i64: 1, 128>}, {pipeline_mode = #tpu.pipeline_mode<synchronous>, transform_indices = @transform_4, window_bounds = array<i64: 128, 128>}, {pipeline_mode = #tpu.pipeline_mode<synchronous>, transform_indices = @transform_5, window_bounds = array<i64: 1, 128>}, {transform_indices = @transform_6, window_bounds = array<i64: 2560, 128>}]} {
    %get3A = arith.constant 0 : index
    %get3A_0 = arith.constant 0 : index
    %get3A_1 = vector.load %arg2[%get3A, %get3A_0] : memref<6x2560xf32, #tpu.memory_space<vmem>>, vector<6x2560xf32>
    %get3A_2 = arith.constant 0 : index
    %get3A_3 = arith.constant 0 : index
    %get3A_4 = vector.load %arg3[%get3A_2, %get3A_3] : memref<6x128xf32, #tpu.memory_space<vmem>>, vector<6x128xf32>
    %dot_general3A = arith.constant dense<0.000000e+00> : vector<2560x128xf32>
    %dot_general3A_5 = tpu.matmul %get3A_1, %get3A_4, %dot_general3A {dimension_numbers = #tpu.dot_dimension_numbers<[0], [0], [1], [1], [0, 1, 1, 1], [], []>, transpose_lhs_hint = false} : vector<6x2560xf32>, vector<6x128xf32>, vector<2560x128xf32> -> vector<2560x128xf32>
    %get3A_6 = arith.constant 0 : index
    %get3A_7 = arith.constant 0 : index
    %get3A_8 = vector.load %arg4[%get3A_6, %get3A_7] : memref<1x128xf32, #tpu.memory_space<vmem>>, vector<1x128xf32>
    %add3A = vector.broadcast %get3A_8 : vector<1x128xf32> to vector<2560x128xf32>
    %add3A_9 = arith.addf %dot_general3A_5, %add3A : vector<2560x128xf32>
    %logistic3A = arith.negf %add3A_9 : vector<2560x128xf32>
    %logistic3A_10 = math.exp %logistic3A : vector<2560x128xf32>
    %logistic3A_11 = arith.constant 1.000000e+00 : f32
    %logistic3A_12 = vector.broadcast %logistic3A_11 : f32 to vector<2560x128xf32>
    %logistic3A_13 = arith.addf %logistic3A_12, %logistic3A_10 : vector<2560x128xf32>
    %logistic3A_14 = arith.divf %logistic3A_12, %logistic3A_13 : vector<2560x128xf32>
    %mul3A = arith.mulf %add3A_9, %logistic3A_14 : vector<2560x128xf32>
    %get3A_15 = arith.constant 0 : index
    %get3A_16 = arith.constant 0 : index
    %get3A_17 = vector.load %arg5[%get3A_15, %get3A_16] : memref<128x128xf32, #tpu.memory_space<vmem>>, vector<128x128xf32>
    %dot_general3A_18 = arith.constant dense<0.000000e+00> : vector<2560x128xf32>
    %dot_general3A_19 = tpu.matmul %mul3A, %get3A_17, %dot_general3A_18 {dimension_numbers = #tpu.dot_dimension_numbers<[1], [0], [0], [1], [0, 0, 1, 1], [], []>, transpose_lhs_hint = false} : vector<2560x128xf32>, vector<128x128xf32>, vector<2560x128xf32> -> vector<2560x128xf32>
    %get3A_20 = arith.constant 0 : index
    %get3A_21 = arith.constant 0 : index
    %get3A_22 = vector.load %arg1[%get3A_20, %get3A_21] : memref<2560x128xf32, #tpu.memory_space<vmem>>, vector<2560x128xf32>
    %add3A_23 = arith.addf %dot_general3A_19, %get3A_22 : vector<2560x128xf32>
    %get3A_24 = arith.constant 0 : index
    %get3A_25 = arith.constant 0 : index
    %get3A_26 = vector.load %arg6[%get3A_24, %get3A_25] : memref<1x128xf32, #tpu.memory_space<vmem>>, vector<1x128xf32>
    %add3A_27 = vector.broadcast %get3A_26 : vector<1x128xf32> to vector<2560x128xf32>
    %add3A_28 = arith.addf %add3A_23, %add3A_27 : vector<2560x128xf32>
    %logistic3A_29 = arith.negf %add3A_28 : vector<2560x128xf32>
    %logistic3A_30 = math.exp %logistic3A_29 : vector<2560x128xf32>
    %logistic3A_31 = arith.constant 1.000000e+00 : f32
    %logistic3A_32 = vector.broadcast %logistic3A_31 : f32 to vector<2560x128xf32>
    %logistic3A_33 = arith.addf %logistic3A_32, %logistic3A_30 : vector<2560x128xf32>
    %logistic3A_34 = arith.divf %logistic3A_32, %logistic3A_33 : vector<2560x128xf32>
    %mul3A_35 = arith.mulf %add3A_28, %logistic3A_34 : vector<2560x128xf32>
    %swap3A = arith.constant 0 : index
    %swap3A_36 = arith.constant 0 : index
    %swap3A_37 = vector.load %arg7[%swap3A, %swap3A_36] : memref<2560x128xf32, #tpu.memory_space<vmem>>, vector<2560x128xf32>
    tpu.vector_store %arg7[%swap3A, %swap3A_36], %mul3A_35 {strides = array<i32>} : memref<2560x128xf32, #tpu.memory_space<vmem>>, vector<2560x128xf32>,
    return
  }
  func.func @transform_0(%arg0: i32) -> (i32, i32) {
    %c0_i32 = arith.constant 0 : i32
    %c0_i32_0 = arith.constant 0 : i32
    return %arg0, %c0_i32 : i32, i32
  }
  func.func @transform_1(%arg0: i32) -> (i32, i32) {
    %c0_i32 = arith.constant 0 : i32
    %c0_i32_0 = arith.constant 0 : i32
    return %c0_i32, %arg0 : i32, i32
  }
  func.func @transform_2(%arg0: i32) -> (i32, i32) {
    %c0_i32 = arith.constant 0 : i32
    %c0_i32_0 = arith.constant 0 : i32
    %c0_i32_1 = arith.constant 0 : i32
    return %c0_i32, %c0_i32_0 : i32, i32
  }
  func.func @transform_3(%arg0: i32) -> (i32, i32) {
    %c0_i32 = arith.constant 0 : i32
    %c0_i32_0 = arith.constant 0 : i32
    %c0_i32_1 = arith.constant 0 : i32
    return %c0_i32, %c0_i32_0 : i32, i32
  }
  func.func @transform_4(%arg0: i32) -> (i32, i32) {
    %c0_i32 = arith.constant 0 : i32
    %c0_i32_0 = arith.constant 0 : i32
    %c0_i32_1 = arith.constant 0 : i32
    return %c0_i32, %c0_i32_0 : i32, i32
  }
  func.func @transform_5(%arg0: i32) -> (i32, i32) {
    %c0_i32 = arith.constant 0 : i32
    %c0_i32_0 = arith.constant 0 : i32
    %c0_i32_1 = arith.constant 0 : i32
    return %c0_i32, %c0_i32_0 : i32, i32
  }
  func.func @transform_6(%arg0: i32) -> (i32, i32) {
    %c0_i32 = arith.constant 0 : i32
    %c0_i32_0 = arith.constant 0 : i32
    return %arg0, %c0_i32 : i32, i32
  }
}

module attributes {stable_mosaic.version = 14 : i64} {
  func.func @_final_body(%arg0: i32, %arg1: memref<1000x128xf32, #tpu.memory_space<vmem>>, %arg2: memref<1000x128xf32, #tpu.memory_space<vmem>>, %arg3: memref<1000x1xf32, #tpu.memory_space<vmem>>, %arg4: memref<1000x1xf32, #tpu.memory_space<vmem>>, %arg5: memref<128x128xf32, #tpu.memory_space<vmem>>, %arg6: memref<1x128xf32, #tpu.memory_space<vmem>>, %arg7: memref<128x128xf32, #tpu.memory_space<vmem>>, %arg8: memref<1x128xf32, #tpu.memory_space<vmem>>, %arg9: memref<128x128xf32, #tpu.memory_space<vmem>>, %arg10: memref<1x128xf32, #tpu.memory_space<vmem>>, %arg11: memref<1000x128xf32, #tpu.memory_space<vmem>>) attributes {dimension_semantics = [#tpu.dimension_semantics<arbitrary>], iteration_bounds = array<i64: 10>, scalar_prefetch = 0 : i64, scratch_operands = 0 : i64, tpu.core_type = #tpu.core_type<tc>, window_params = [{transform_indices = @transform_0, window_bounds = array<i64: 1000, 128>}, {transform_indices = @transform_1, window_bounds = array<i64: 1000, 128>}, {transform_indices = @transform_2, window_bounds = array<i64: 1000, 1>}, {transform_indices = @transform_3, window_bounds = array<i64: 1000, 1>}, {pipeline_mode = #tpu.pipeline_mode<synchronous>, transform_indices = @transform_4, window_bounds = array<i64: 128, 128>}, {pipeline_mode = #tpu.pipeline_mode<synchronous>, transform_indices = @transform_5, window_bounds = array<i64: 1, 128>}, {pipeline_mode = #tpu.pipeline_mode<synchronous>, transform_indices = @transform_6, window_bounds = array<i64: 128, 128>}, {pipeline_mode = #tpu.pipeline_mode<synchronous>, transform_indices = @transform_7, window_bounds = array<i64: 1, 128>}, {pipeline_mode = #tpu.pipeline_mode<synchronous>, transform_indices = @transform_8, window_bounds = array<i64: 128, 128>}, {pipeline_mode = #tpu.pipeline_mode<synchronous>, transform_indices = @transform_9, window_bounds = array<i64: 1, 128>}, {transform_indices = @transform_10, window_bounds = array<i64: 1000, 128>}]} {
    %get3A = arith.constant 0 : index
    %get3A_0 = arith.constant 0 : index
    %get3A_1 = vector.load %arg1[%get3A, %get3A_0] : memref<1000x128xf32, #tpu.memory_space<vmem>>, vector<1000x128xf32>
    %get3A_2 = arith.constant 0 : index
    %get3A_3 = arith.constant 0 : index
    %get3A_4 = vector.load %arg2[%get3A_2, %get3A_3] : memref<1000x128xf32, #tpu.memory_space<vmem>>, vector<1000x128xf32>
    %add3A = arith.addf %get3A_1, %get3A_4 : vector<1000x128xf32>
    %get3A_5 = arith.constant 0 : index
    %get3A_6 = arith.constant 0 : index
    %get3A_7 = vector.load %arg3[%get3A_5, %get3A_6] : memref<1000x1xf32, #tpu.memory_space<vmem>>, vector<1000x1xf32>
    %get3A_8 = arith.constant 0 : index
    %get3A_9 = arith.constant 0 : index
    %get3A_10 = vector.load %arg4[%get3A_8, %get3A_9] : memref<1000x1xf32, #tpu.memory_space<vmem>>, vector<1000x1xf32>
    %add3A_11 = arith.addf %get3A_7, %get3A_10 : vector<1000x1xf32>
    %get3A_12 = arith.constant 0 : index
    %get3A_13 = arith.constant 0 : index
    %get3A_14 = vector.load %arg5[%get3A_12, %get3A_13] : memref<128x128xf32, #tpu.memory_space<vmem>>, vector<128x128xf32>
    %dot_general3A = arith.constant dense<0.000000e+00> : vector<1000x128xf32>
    %dot_general3A_15 = tpu.matmul %add3A, %get3A_14, %dot_general3A {dimension_numbers = #tpu.dot_dimension_numbers<[1], [0], [0], [1], [0, 0, 1, 1], [], []>, transpose_lhs_hint = false} : vector<1000x128xf32>, vector<128x128xf32>, vector<1000x128xf32> -> vector<1000x128xf32>
    %get3A_16 = arith.constant 0 : index
    %get3A_17 = arith.constant 0 : index
    %get3A_18 = vector.load %arg6[%get3A_16, %get3A_17] : memref<1x128xf32, #tpu.memory_space<vmem>>, vector<1x128xf32>
    %mul3A = vector.broadcast %add3A_11 : vector<1000x1xf32> to vector<1000x128xf32>
    %mul3A_19 = vector.broadcast %get3A_18 : vector<1x128xf32> to vector<1000x128xf32>
    %mul3A_20 = arith.mulf %mul3A, %mul3A_19 : vector<1000x128xf32>
    %add3A_21 = arith.addf %dot_general3A_15, %mul3A_20 : vector<1000x128xf32>
    %max3A = arith.constant 1.000000e+00 : f32
    %max3A_22 = vector.broadcast %max3A : f32 to vector<1000x1xf32>
    %max3A_23 = arith.maximumf %add3A_11, %max3A_22 : vector<1000x1xf32>
    %div3A = vector.broadcast %max3A_23 : vector<1000x1xf32> to vector<1000x128xf32>
    %div3A_24 = arith.divf %add3A_21, %div3A : vector<1000x128xf32>
    %get3A_25 = arith.constant 0 : index
    %get3A_26 = arith.constant 0 : index
    %get3A_27 = vector.load %arg7[%get3A_25, %get3A_26] : memref<128x128xf32, #tpu.memory_space<vmem>>, vector<128x128xf32>
    %dot_general3A_28 = arith.constant dense<0.000000e+00> : vector<1000x128xf32>
    %dot_general3A_29 = tpu.matmul %div3A_24, %get3A_27, %dot_general3A_28 {dimension_numbers = #tpu.dot_dimension_numbers<[1], [0], [0], [1], [0, 0, 1, 1], [], []>, transpose_lhs_hint = false} : vector<1000x128xf32>, vector<128x128xf32>, vector<1000x128xf32> -> vector<1000x128xf32>
    %get3A_30 = arith.constant 0 : index
    %get3A_31 = arith.constant 0 : index
    %get3A_32 = vector.load %arg8[%get3A_30, %get3A_31] : memref<1x128xf32, #tpu.memory_space<vmem>>, vector<1x128xf32>
    %add3A_33 = vector.broadcast %get3A_32 : vector<1x128xf32> to vector<1000x128xf32>
    %add3A_34 = arith.addf %dot_general3A_29, %add3A_33 : vector<1000x128xf32>
    %logistic3A = arith.negf %add3A_34 : vector<1000x128xf32>
    %logistic3A_35 = math.exp %logistic3A : vector<1000x128xf32>
    %logistic3A_36 = arith.constant 1.000000e+00 : f32
    %logistic3A_37 = vector.broadcast %logistic3A_36 : f32 to vector<1000x128xf32>
    %logistic3A_38 = arith.addf %logistic3A_37, %logistic3A_35 : vector<1000x128xf32>
    %logistic3A_39 = arith.divf %logistic3A_37, %logistic3A_38 : vector<1000x128xf32>
    %mul3A_40 = arith.mulf %add3A_34, %logistic3A_39 : vector<1000x128xf32>
    %get3A_41 = arith.constant 0 : index
    %get3A_42 = arith.constant 0 : index
    %get3A_43 = vector.load %arg9[%get3A_41, %get3A_42] : memref<128x128xf32, #tpu.memory_space<vmem>>, vector<128x128xf32>
    %dot_general3A_44 = arith.constant dense<0.000000e+00> : vector<1000x128xf32>
    %dot_general3A_45 = tpu.matmul %mul3A_40, %get3A_43, %dot_general3A_44 {dimension_numbers = #tpu.dot_dimension_numbers<[1], [0], [0], [1], [0, 0, 1, 1], [], []>, transpose_lhs_hint = false} : vector<1000x128xf32>, vector<128x128xf32>, vector<1000x128xf32> -> vector<1000x128xf32>
    %get3A_46 = arith.constant 0 : index
    %get3A_47 = arith.constant 0 : index
    %get3A_48 = vector.load %arg10[%get3A_46, %get3A_47] : memref<1x128xf32, #tpu.memory_space<vmem>>, vector<1x128xf32>
    %add3A_49 = vector.broadcast %get3A_48 : vector<1x128xf32> to vector<1000x128xf32>
    %add3A_50 = arith.addf %dot_general3A_45, %add3A_49 : vector<1000x128xf32>
    %swap3A = arith.constant 0 : index
    %swap3A_51 = arith.constant 0 : index
    %swap3A_52 = vector.load %arg11[%swap3A, %swap3A_51] : memref<1000x128xf32, #tpu.memory_space<vmem>>, vector<1000x128xf32>
    tpu.vector_store %arg11[%swap3A, %swap3A_51], %add3A_50 {strides = array<i32>} : memref<1000x128xf32, #tpu.memory_space<vmem>>, vector<1000x128xf32>,
    return
  }
  func.func @transform_0(%arg0: i32) -> (i32, i32) {
    %c0_i32 = arith.constant 0 : i32
    %c0_i32_0 = arith.constant 0 : i32
    return %arg0, %c0_i32 : i32, i32
  }
  func.func @transform_1(%arg0: i32) -> (i32, i32) {
    %c0_i32 = arith.constant 0 : i32
    %c0_i32_0 = arith.constant 0 : i32
    return %arg0, %c0_i32 : i32, i32
  }
  func.func @transform_2(%arg0: i32) -> (i32, i32) {
    %c0_i32 = arith.constant 0 : i32
    %c0_i32_0 = arith.constant 0 : i32
    return %arg0, %c0_i32 : i32, i32
  }
  func.func @transform_3(%arg0: i32) -> (i32, i32) {
    %c0_i32 = arith.constant 0 : i32
    %c0_i32_0 = arith.constant 0 : i32
    return %arg0, %c0_i32 : i32, i32
  }
  func.func @transform_4(%arg0: i32) -> (i32, i32) {
    %c0_i32 = arith.constant 0 : i32
    %c0_i32_0 = arith.constant 0 : i32
    %c0_i32_1 = arith.constant 0 : i32
    return %c0_i32, %c0_i32_0 : i32, i32
  }
  func.func @transform_5(%arg0: i32) -> (i32, i32) {
    %c0_i32 = arith.constant 0 : i32
    %c0_i32_0 = arith.constant 0 : i32
    %c0_i32_1 = arith.constant 0 : i32
    return %c0_i32, %c0_i32_0 : i32, i32
  }
  func.func @transform_6(%arg0: i32) -> (i32, i32) {
    %c0_i32 = arith.constant 0 : i32
    %c0_i32_0 = arith.constant 0 : i32
    %c0_i32_1 = arith.constant 0 : i32
    return %c0_i32, %c0_i32_0 : i32, i32
  }
  func.func @transform_7(%arg0: i32) -> (i32, i32) {
    %c0_i32 = arith.constant 0 : i32
    %c0_i32_0 = arith.constant 0 : i32
    %c0_i32_1 = arith.constant 0 : i32
    return %c0_i32, %c0_i32_0 : i32, i32
  }
  func.func @transform_8(%arg0: i32) -> (i32, i32) {
    %c0_i32 = arith.constant 0 : i32
    %c0_i32_0 = arith.constant 0 : i32
    %c0_i32_1 = arith.constant 0 : i32
    return %c0_i32, %c0_i32_0 : i32, i32
  }
  func.func @transform_9(%arg0: i32) -> (i32, i32) {
    %c0_i32 = arith.constant 0 : i32
    %c0_i32_0 = arith.constant 0 : i32
    %c0_i32_1 = arith.constant 0 : i32
    return %c0_i32, %c0_i32_0 : i32, i32
  }
  func.func @transform_10(%arg0: i32) -> (i32, i32) {
    %c0_i32 = arith.constant 0 : i32
    %c0_i32_0 = arith.constant 0 : i32
    return %arg0, %c0_i32 : i32, i32
  }
}

</mosaic_0001>

<sc_bundles>
// kernel: kernel.10.cloned.1.call-start
scs
__scs_entry_jumppad:
0x0: {  	(pc) =	sbr.rel $0x88, $3  }
0x1: {  	(tag) =	ssettag $0x0;
	lr =	simm.s32 $0x1  }
0x2: {  	[smem:$0x3F8D] =	sst lr;
	_ =	strace $0xD0000000  }
0x3: {  	_ = 	snop  }
0x4: {  	_ = 	snop  }
0x5: {  	_ = 	snop  }
0x6: {  	_ = 	snop  }
0x7: {  	_ = 	snop  }
__scs_overlays_trampoline_lowered:
0x8: {  	[smem:$0x3F9C] =	sst s0  }
0x9: {  	[smem:$0x3F9D] =	sst s1  }
0xa: {  	[smem:$0x3F9E] =	sst s2  }
0xb: {  	[smem:$0x3F9F] =	sst s3  }
0xc: {  	[smem:$0x3FA0] =	sst s4  }
0xd: {  	[smem:$0x3FA1] =	sst s5  }
0xe: {  	[smem:$0x3FA2] =	sst s6  }
0xf: {  	[smem:$0x3FA3] =	sst s7  }
0x10: {  	[smem:$0x3FA4] =	sst s8  }
0x11: {  	[smem:$0x3FA5] =	sst s9;
	s0 =	simm.s32 @!p0 $0x0  }
0x12: {  	s1 =	sld [smem:$0x3F8B];
	s0 =	simm.s32 @p0 $0x1  }
0x13: {  	[smem:$0x3FA6] =	sst s0;
	s0 =	simm.s32 @!p1 $0x0  }
0x14: {  	s2 =	sld [smem:$0x3F8A];
	s0 =	simm.s32 @p1 $0x1  }
0x15: {  	[smem:$0x3FA7] =	sst s0;
	s0 =	simm.s32 @!p2 $0x0  }
0x16: {  	s3 =	sld [smem:$0x3FDB];
	s0 =	simm.s32 @p2 $0x1  }
0x17: {  	s4 =	simm.s32 $0x1BF5;
	[smem:$0x3FA9] =	sst s0  }
0x18: {  	s0 =	sld [smem:$0x3F8C];
	_ =	swait.ge [sflag:s4], $0x0  }
0x19: {  	s7 =	sld [smem:$0x3F8D]  }
0x1a: {  	s8 =	sadd.s32 $0xFFFFE003, lr  }
0x1b: {  	s9 =	sadd.s32 $0xFFFFFEF7, lr;
	s5 =	simm.s32 $0xFFFFFFFF;
	p2 =	slt.u32 s8, $0xFFFFF086  }
0x1c: {  	p1 =	slt.u32 s9, $0xF7A;
	s5 =	simm.s32 @!p2 $0x0  }
0x1d: {  	s5 =	simm.s32 @p1 $0x1;
	p0 =	seq.s32 s7, s2  }
0x1e: {  	s7 =	smul.u32 @!p0 $0xF7A, s2;
	p2 =	seq.s32 @!p0 s5, $0x0  }
0x1f: {  	s9 =	smul.u32 $0xF7A, s1;
	s8 =	simm.s32 @!p0 $0x1BF5;
	p2 =	por !p2, p0  }
0x20: {  	[sflag:s8] =	ssyncset.s32 @!p0 $0xFFFFF086;
	s6 =	sadd.s32 @!p0 s3, s7;
	s7 =	simm.s32 @!p0 $0x108  }
0x21: {  	s3 =	sadd.s32 s3, s9;
	s6 =	sadd.s32 @!p0 $0x88, s6;
	s7 =	simm.s32 @p2 $0x1082  }
0x22: {  	[simem:s7], [sflag:s8] =	dma.local @!p0 [hbm:s6], $0xF7A  }
0x23: {  	s9 =	sor.u32 $0xD0000000, s2;
	s6 =	simm.s32 $0x108;
	_ =	swait.ge @!p0 [sflag:s8], $0x0  }
0x24: {  	s3 =	sadd.s32 $0x88, s3;
	s6 =	simm.s32 @!p1 $0x1082;
	[sflag:s4] =	ssyncset.s32 $0xFFFFF086  }
0x25: {  	[simem:s6], [sflag:s4] =	dma.local [hbm:s3], $0xF7A  }
0x26: {  	[smem:$0x3F8D] =	sst s1;
	(tag) =	ssettag s2;
	_ =	strace s9  }
0x27: {  	s1 =	sld [smem:$0x3F9D]  }
0x28: {  	s2 =	sld [smem:$0x3F9E]  }
0x29: {  	s4 =	sld [smem:$0x3FA0]  }
0x2a: {  	p0 =	seq.s32 s5, $0x0;
	s5 =	sld [smem:$0x3FA1]  }
0x2b: {  	s6 =	sld [smem:$0x3FA2]  }
0x2c: {  	s7 =	sld [smem:$0x3FA3]  }
0x2d: {  	s3 =	simm.s32 $0x108;
	s8 =	sld [smem:$0x3FA4]  }
0x2e: {  	s3 =	simm.s32 @!p0 $0x1082;
	s9 =	sld [smem:$0x3FA5]  }
0x2f: {  	lr =	sadd.s32 s0, s3;
	s0 =	sld [smem:$0x3F9C]  }
0x30: {  	s3 =	sld [smem:$0x3F9F]  }
0x31: {  	[smem:$0x3FA8] =	sst s10  }
0x32: {  	s10 =	sld [smem:$0x3FA6];
	_ =	sdelay $0x3  }
0x33: {  	p0 =	seq.s32 s10, $0x1;
	s10 =	sld [smem:$0x3FA8];
	_ =	sdelay $0x3  }
0x34: {  	[smem:$0x3FA8] =	sst s10  }
0x35: {  	s10 =	sld [smem:$0x3FA7];
	_ =	sdelay $0x3  }
0x36: {  	p1 =	seq.s32 s10, $0x1;
	s10 =	sld [smem:$0x3FA8];
	_ =	sdelay $0x3  }
0x37: {  	[smem:$0x3FA8] =	sst s10  }
0x38: {  	s10 =	sld [smem:$0x3FA9]  }
0x39: {  	_ = 	snop;
	(pc) =	sbr.ind lr, $3  }
0x3a: {  	_ = 	snop  }
0x3b: {  	_ = 	snop  }
0x3c: {  	p2 =	seq.s32 s10, $0x1;
	s10 =	sld [smem:$0x3FA8]  }
0x3d: {  	_ =	shalt  }
0x3e: {  	_ =	shalt  }
0x3f: {  	_ =	shalt  }
0x40: {  	_ =	shalt  }
0x41: {  	_ =	shalt  }
0x42: {  	_ =	shalt  }
0x43: {  	_ =	shalt  }
0x44: {  	_ =	shalt  }
0x45: {  	_ =	shalt  }
0x46: {  	_ =	shalt  }
0x47: {  	_ =	shalt  }
0x48: {  	_ =	shalt  }
0x49: {  	_ =	shalt  }
0x4a: {  	_ =	shalt  }
0x4b: {  	_ =	shalt  }
0x4c: {  	_ =	shalt  }
0x4d: {  	_ =	shalt  }
0x4e: {  	_ =	shalt  }
0x4f: {  	_ =	shalt  }
0x50: {  	_ =	shalt  }
0x51: {  	_ =	shalt  }
0x52: {  	_ =	shalt  }
0x53: {  	_ =	shalt  }
0x54: {  	_ =	shalt  }
0x55: {  	_ =	shalt  }
0x56: {  	_ =	shalt  }
0x57: {  	_ =	shalt  }
0x58: {  	_ =	shalt  }
0x59: {  	_ =	shalt  }
0x5a: {  	_ =	shalt  }
0x5b: {  	_ =	shalt  }
0x5c: {  	_ =	shalt  }
0x5d: {  	_ =	shalt  }
0x5e: {  	_ =	shalt  }
0x5f: {  	_ =	shalt  }
0x60: {  	_ =	shalt  }
0x61: {  	_ =	shalt  }
0x62: {  	_ =	shalt  }
0x63: {  	_ =	shalt  }
0x64: {  	_ =	shalt  }
0x65: {  	_ =	shalt  }
0x66: {  	_ =	shalt  }
0x67: {  	_ =	shalt  }
0x68: {  	_ =	shalt  }
0x69: {  	_ =	shalt  }
0x6a: {  	_ =	shalt  }
0x6b: {  	_ =	shalt  }
0x6c: {  	_ =	shalt  }
0x6d: {  	_ =	shalt  }
0x6e: {  	_ =	shalt  }
0x6f: {  	_ =	shalt  }
0x70: {  	_ =	shalt  }
0x71: {  	_ =	shalt  }
0x72: {  	_ =	shalt  }
0x73: {  	_ =	shalt  }
0x74: {  	_ =	shalt  }
0x75: {  	_ =	shalt  }
0x76: {  	_ =	shalt  }
0x77: {  	_ =	shalt  }
0x78: {  	_ =	shalt  }
0x79: {  	_ =	shalt  }
0x7a: {  	_ =	shalt  }
0x7b: {  	_ =	shalt  }
0x7c: {  	_ =	shalt  }
0x7d: {  	_ =	shalt  }
0x7e: {  	_ =	shalt  }
0x7f: {  	_ =	shalt  }
0x80: {  	_ =	shalt  }
0x81: {  	_ =	shalt  }
0x82: {  	_ =	shalt  }
0x83: {  	_ =	shalt  }
0x84: {  	_ =	shalt  }
0x85: {  	_ =	shalt  }
0x86: {  	_ =	shalt  }
0x87: {  	_ =	shalt  }
.Lfunc_end0:
.L_simem_size_0:
called_computation.1_lowered:
.L_overlay_start_0:
0x88: {  	s2 =	sld [smem:$0x3FD9]  }
0x89: {  	s3 =	sld [smem:$0x3FFE];
	_ =	sdelay $0x1  }
0x8a: {  	s1 =	srdreg.scid  }
0x8b: {  	s0 =	sand.u32 $0x1, s1  }
0x8c: {  	s17 =	sshll.u32 s0, $0xA;
	s2 =	sadd.s32 s3, s2  }
0x8d: {  	s2 =	sadd.s32 s2, s17  }
0x8e: {  	[smem:$0x3FB4] =	sst s2  }
0x8f: {  	_ = 	snop  }
0x90: {  	s2 =	sld [smem:$0x3FD0];
	(tm) =	ssettm $0x1  }
0x91: {  	s18 =	sld [smem:$0x3FFB];
	_ =	sdelay $0x3  }
0x92: {  	_ =	strace s18  }
0x93: {  	s3 =	sld [smem:$0x3FFC];
	_ =	sdelay $0x3  }
0x94: {  	_ =	strace s3  }
0x95: {  	s3 =	sld [smem:$0x3FFD];
	_ =	sdelay $0x3  }
0x96: {  	_ =	strace s3  }
0x97: {  	_ =	strace $0x8FFFFFFF  }
0x98: {  	s19 =	sld [smem:$0x3FDB];
	_ =	sdelay $0x1  }
0x99: {  	s4 =	simm.s32 $_scs_section_size  }
0x9a: {  	s5 =	simm.s32 $_size__tile_overlayer_lowered;
	s6 =	simm.s32 $_tile_overlayer_lowered  }
0x9b: {  	s22 =	simm.s32 $0x1BFF;
	s21 =	sshll.u32 s6, $0x1;
	s3 =	sadd.s32 s4, s19  }
0x9c: {  	s7 =	simm.s32 $0x0;
	s20 =	sshll.u32 s5, $0x1;
	s5 =	sadd.s32 s21, s3  }
0x9d: {  	[timem:s7], [sflag:s22] =	dma.local [hbm:s5], s20  }
0x9e: {  	_ =	swait.ge [sflag:s22], s20  }
0x9f: {  	s4 =	ssub.s32 $0x0, s20;
	[sflag:s22] =	ssyncset.done $0x0  }
0xa0: {  	[sflag:s22] =	ssyncadd.s32 s4;
	_ =	sdelay $0x1  }
0xa1: {  	s23 =	simm.s32 $0x1B8B  }
0xa2: {  	_ =	swait.ge [sflag:s23], $0x1  }
0xa3: {  	[sflag:s23] =	ssyncset.done $0x0  }
0xa4: {  	s25 =	simm.s32 $0x1B8E;
	s24 =	sld [smem:$0x3FFE];
	[sflag:s23] =	ssyncadd.s32 $0xFFFFFFFF  }
0xa5: {  	s26 =	simm.s32 $execute0_lowered;
	[smem:$0x3FD2] =	sst s25  }
0xa6: {  	s5 =	sshll.u32 s26, $0x1;
	_ =	strace $0x80000049;
	[dreg:$0x1] =	wrdreg $0xFFFFFFFF  }
0xa7: {  	s28 =	simm.s32 $_size_execute0_lowered;
	s3 =	sadd.s32 s3, s5;
	[dreg:$0x0] =	wrdreg $0x0  }
0xa8: {  	s5 =	sshll.u32 s28, $0x1;
	[dreg:$0x2] =	wrdreg s3  }
0xa9: {  	[dreg:$0x3] =	wrdreg s5  }
0xaa: {  	[dreg:$0x4] =	wrdreg $0xC0  }
0xab: {  	_ =	task [dreg:s7], $0x5FFFF  }
0xac: {  	[dreg:$0x1] =	wrdreg $0xFFFFFFFF  }
0xad: {  	[dreg:$0x0] =	wrdreg $0x60  }
0xae: {  	[dreg:$0x2] =	wrdreg s24  }
0xaf: {  	[dreg:$0x3] =	wrdreg s2  }
0xb0: {  	[dreg:$0x4] =	wrdreg $0x0  }
0xb1: {  	[dreg:$0x5] =	wrdreg $0x138800  }
0xb2: {  	[dreg:$0x6] =	wrdreg $0x9  }
0xb3: {  	_ =	task.clear_ibuf [dreg:s7], $0x7FFFF;
	_ =	strace $0x90000049  }
0xb4: {  	s29 =	simm.s32 $0x9;
	_ =	strace $0x8000004B  }
0xb5: {  	_ =	swait.ge [sflag:s29], $0x1  }
0xb6: {  	[sflag:s29] =	ssyncadd.s32 $0xFFFFFFFF  }
0xb7: {  	_ =	strace $0x9000004B  }
0xb8: {  	_ =	sfence  }
0xb9: {  	s30 =	sld [smem:$0x0];
	_ =	sdelay $0x2  }
0xba: {  	s31 =	sshll.u32 s1, $0xD;
	s1 =	sshrl.u32 s1, $0x2  }
0xbb: {  	s3 =	sand.u32 $0x4000, s31;
	s1 =	sadd.s32 s1, s30  }
0xbc: {  	s0 =	sor.u32 s3, s0;
	s1 =	sshll.u32 s1, $0x11  }
0xbd: {  	s0 =	sor.u32 s1, s0  }
0xbe: {  	s0 =	sadd.s32 $0x8F2B, s0  }
0xbf: {  	[sflag:s0] =	ssyncadd.remote.s32 $0x1  }
0xc0: {  	_ =	sfence.sel $0xFFFF  }
0xc1: {  	[dreg:$0x0] =	wrdreg $0xFFFFFFFF;
	(pc) =	sbr.abs _section_cstart, $3  }
0xc2: {  	[dreg:$0x1] =	wrdreg $0xFFFFFFFF  }
0xc3: {  	_ =	task.clear_ibuf [dreg:s7], $0x2FFFF;
	_ =	strace $0x9FFFFFFF  }
0xc4: {  	(tm) =	ssettm $0x7FFFFFFF  }
0xc5: {  	_ =	shalt  }
tec
execute0_lowered:
.L_overlay_start_1:
0x0: {  	(tag) =	ssettag $0x1  }
0x1: {  	s0 =	srdreg.scid;
	s2 =	rddreg [dreg:$0x0]  }
0x2: {  	s22 =	stileid.u32;
	s25 =	rddreg [dreg:$0x1]  }
0x3: {  	s1 =	sand.u32 $0x1, s0;
	s3 =	smul.u32 $0x3E8, s22;
	s0 =	sshll.u32 s22, $0x1  }
0x4: {  	s5 =	sadd.s32 $0x15000, s2;
	s4 =	smul.u32 $0x2710, s1;
	s7 =	sor.u32 s1, s0  }
0x5: {  	p2 =	sgt.u32 s22, $0x9;
	s6 =	ssub.s32 $0x2, s1;
	s9 =	smul.u32 $0x14, s7  }
0x6: {  	s8 =	sshrl.u32 s6, $0x1;
	s10 =	smul.u32 $0xA00, s7;
	s11 =	sor.u32 $0x20, s7  }
0x7: {  	s4 =	sadd.s32 s3, s4;
	s8 =	ssub.s32 s6, s8;
	s6 =	smul.u32 $0x14, s11  }
0x8: {  	s11 =	smul.u32 $0xA00, s11;
	s12 =	sshll.u32 s4, $0x4;
	s28 =	sadd.s32 $0xA0, s4  }
0x9: {  	s13 =	sadd.s32 $0x140, s4;
	s14 =	sadd.s32 $0x1E0, s4;
	s21 =	sadd.s32 $0x320, s4  }
0xa: {  	s23 =	sadd.s32 $0x3C0, s4;
	s8 =	smax.u32 s8, $0x1;
	s12 =	sadd.s32 s5, s12  }
0xb: {  	s15 =	sshll.u32 s28, $0x4;
	s16 =	sshll.u32 s13, $0x4;
	s17 =	sshll.u32 s14, $0x4  }
0xc: {  	s19 =	sshll.u32 s21, $0x4;
	s20 =	sshll.u32 s23, $0x4;
	s26 =	sshrl.u32 s28, $0x3  }
0xd: {  	s28 =	sshrl.u32 s13, $0x3;
	[dreg:$0x5] =	wrdreg s12;
	s15 =	sadd.s32 s5, s15  }
0xe: {  	s29 =	sadd.s32 s5, s16;
	s16 =	sadd.s32 s5, s17;
	s17 =	sadd.s32 $0x280, s4  }
0xf: {  	s24 =	sadd.s32 s5, s19;
	s4 =	sshrl.u32 s4, $0x3;
	[dreg:$0x6] =	wrdreg s15  }
0x10: {  	s12 =	sshrl.u32 s14, $0x3;
	s14 =	sshrl.u32 s21, $0x3;
	[dreg:$0x7] =	wrdreg s29  }
0x11: {  	s19 =	sadd.s32 $0x547600, s2;
	s2 =	sadd.s32 $0xB200, s2;
	[dreg:$0x8] =	wrdreg s16  }
0x12: {  	s18 =	sshll.u32 s17, $0x4;
	[dreg:$0xa] =	wrdreg s24;
	s4 =	sadd.s32 s25, s4  }
0x13: {  	s29 =	sadd.s32 s25, s28;
	s15 =	sadd.s32 s25, s14;
	[dreg:$0xc] =	wrdreg s4  }
0x14: {  	s16 =	sor.u32 $0x7C0, s7;
	s21 =	sadd.s32 s19, s10;
	[dreg:$0xe] =	wrdreg s29  }
0x15: {  	s24 =	sadd.s32 s19, s11;
	s28 =	sadd.s32 s2, s9;
	[dreg:$0x11] =	wrdreg s15  }
0x16: {  	s6 =	sadd.s32 s2, s6;
	s18 =	sadd.s32 s5, s18;
	[dreg:$0x13] =	wrdreg s21  }
0x17: {  	s5 =	sadd.s32 s5, s20;
	s20 =	smul.u32 $0xA00, s16;
	[dreg:$0x14] =	wrdreg s24  }
0x18: {  	s4 =	sadd.s32 s25, s26;
	s26 =	smul.u32 $0xA00, s1;
	[dreg:$0x16] =	wrdreg s28  }
0x19: {  	s13 =	sshrl.u32 s17, $0x3;
	s29 =	smul.u32 $0x28, s22;
	[dreg:$0x17] =	wrdreg s6  }
0x1a: {  	s10 =	sadd.s32 $0xA0, s3;
	s1 =	smul.u32 $0x14, s1;
	[dreg:$0x9] =	wrdreg s18  }
0x1b: {  	s21 =	simm.s32 $0x0;
	s6 =	smul.u32 $0x7D000, s22;
	[dreg:$0xb] =	wrdreg s5  }
0x1c: {  	s11 =	sshll.u32 s10, $0x7;
	s15 =	sadd.s32 $0x1E0, s3;
	[dreg:$0xd] =	wrdreg s4  }
0x1d: {  	s4 =	sadd.s32 s25, s12;
	s18 =	sshrl.u32 s23, $0x3;
	[smem:$0x7FF] =	sst s21  }
0x1e: {  	s23 =	smul.u32 $0x1400, s22;
	[dreg:$0xf] =	wrdreg s4;
	s4 =	sadd.s32 s25, s13  }
0x1f: {  	s12 =	sadd.s32 $0x140, s3;
	s5 =	sadd.s32 s25, s18;
	[dreg:$0x10] =	wrdreg s4  }
0x20: {  	s17 =	sshll.u32 s15, $0x7;
	s25 =	sadd.s32 s19, s20;
	[dreg:$0x12] =	wrdreg s5  }
0x21: {  	s22 =	simm.s32 $0x0;
	s7 =	sshrl.u32 s6, $0x2;
	[dreg:$0x15] =	wrdreg s25  }
0x22: {  	s14 =	sshll.u32 s12, $0x7;
	s5 =	sadd.s32 s23, s19;
	s23 =	rddreg [dreg:$0x2]  }
0x23: {  	s20 =	sadd.s32 $0x320, s3;
	s4 =	smul.u32 $0x14, s16;
	s25 =	rddreg [dreg:$0x3]  }
0x24: {  	s16 =	sadd.s32 $0x280, s3;
	s28 =	sshll.u32 s20, $0x7;
	s18 =	sadd.s32 s26, s5  }
0x25: {  	s5 =	sor.u32 $0x7C0, s0;
	s0 =	sor.u32 $0x780, s0;
	s13 =	sadd.s32 s10, s25  }
0x26: {  	s30 =	sadd.s32 s14, s23;
	s31 =	sadd.s32 s12, s25;
	s19 =	sshll.u32 s16, $0x7  }
0x27: {  	s24 =	sadd.s32 s17, s23;
	s26 =	sadd.s32 $0x3C0, s3;
	s10 =	simm.s32 $0x13AF8  }
0x28: {  	s12 =	simm.s32 $0x18BF8;
	s14 =	simm.s32 $0x1;
	s17 =	simm.s32 $0x1DCF8  }
0x29: {  	s4 =	sadd.s32 s2, s4;
	s2 =	sadd.s32 s29, s2;
	p0 =	sgt.u32 s0, $0x78F  }
0x2a: {  	p1 =	sgt.u32 s5, $0x7CF;
	s0 =	sadd.s32 s7, s23;
	s29 =	sshll.u32 s26, $0x7  }
0x2b: {  	s5 =	sadd.s32 s20, s25;
	s7 =	sadd.s32 s26, s25;
	s20 =	simm.s32 $0x1DDF8  }
0x2c: {  	[dreg:$0x18] =	wrdreg s4;
	s9 =	sadd.s32 s1, s2;
	s1 =	sadd.s32 s19, s23  }
0x2d: {  	s2 =	sadd.s32 s3, s25;
	s3 =	sadd.s32 s16, s25;
	s4 =	sadd.s32 s28, s23  }
.Ltmp0:
0x2e: {  	_ =	strace $0x8000004A;
	[dreg:$0x19] =	wrdreg s0;
	(pc) =	sbr.rel .LBB2_1-.Ltmp0, $4  }
0x2f: {  	s6 =	sadd.s32 s29, s23;
	s16 =	simm.s32 $0x3;
	[dreg:$0x1b] =	wrdreg s13  }
0x30: {  	s19 =	simm.s32 $0x2;
	s0 =	sadd.s32 s11, s23;
	[dreg:$0x1c] =	wrdreg s8  }
0x31: {  	s9 =	sadd.s32 $0x780, s9;
	s11 =	simm.s32 $0x13BF8;
	s13 =	simm.s32 $0x18CF8  }
0x32: {  	v0 =	vimm.f32 $0.0e+00;
	v1 =	vimm.f32 $1.000000000e+00;
	[dreg:$0x1a] =	wrdreg s0;
	s0 =	sadd.s32 s15, s25;
	s15 =	simm.s32 $0xA0  }
.LBB2_7:
0x33: {  	s22 =	sadd.s32 $0x1, s22;
	s8 =	rddreg [dreg:$0x1c]  }
0x34: {  	p3 =	sne.s32 s22, s8  }
.Ltmp1:
0x35: {  	_ = 	snop;
	(pc) =	sbr.rel @!p3 .LBB2_8-.Ltmp1, $1  }
0x36: {  	_ =	sdelay $0x3  }
.LBB2_1:
0x37: {  	s8 =	simm.s32 $0x0;
	s26 =	simm.s32 $0x200  }
.LBB2_2:
0x38: {  	p3 =	sne.s32 s26, $0x13E00;
	[tilespmem:s8+$0x13C68] =	vst v0  }
0x39: {  	[tilespmem:s8+$0x13BF8] =	vst v0  }
0x3a: {  	[tilespmem:s8+$0x13C08] =	vst v0  }
.Ltmp2:
0x3b: {  	[tilespmem:s8+$0x13C18] =	vst v0;
	(pc) =	sbr.rel @p3 .LBB2_2-.Ltmp2, $4  }
0x3c: {  	[tilespmem:s8+$0x13C28] =	vst v0  }
0x3d: {  	[tilespmem:s8+$0x13C38] =	vst v0  }
0x3e: {  	[tilespmem:s8+$0x13C48] =	vst v0  }
0x3f: {  	[tilespmem:s8+$0x13C58] =	vst v0;
	s8 =	sshra.s32 s26, $0x2;
	s26 =	sadd.s32 $0x200, s26  }
0x40: {  	[tilespmem:s8+$0x13C68] =	vst v0  }
0x41: {  	[tilespmem:s8+$0x13BF8] =	vst v0  }
0x42: {  	[tilespmem:s8+$0x13C08] =	vst v0  }
0x43: {  	[tilespmem:s8+$0x13C18] =	vst v0  }
0x44: {  	[tilespmem:s8+$0x13C28] =	vst v0  }
0x45: {  	[tilespmem:s8+$0x13C38] =	vst v0  }
0x46: {  	[tilespmem:s8+$0x13C48] =	vst v0  }
0x47: {  	[tilespmem:s8+$0x13C58] =	vst v0  }
0x48: {  	[tilespmem:$0x1DCF8] =	vst v1  }
0x49: {  	[tilespmem:$0x1DDF8] =	vst v0  }
0x4a: {  	[tilespmem:$0x1DD08] =	vst v1  }
0x4b: {  	[tilespmem:$0x1DE08] =	vst v0  }
0x4c: {  	[tilespmem:$0x1DD18] =	vst v1  }
0x4d: {  	[tilespmem:$0x1DE18] =	vst v0  }
0x4e: {  	[tilespmem:$0x1DD28] =	vst v1  }
0x4f: {  	[tilespmem:$0x1DE28] =	vst v0  }
0x50: {  	[tilespmem:$0x1DD38] =	vst v1  }
0x51: {  	[tilespmem:$0x1DE38] =	vst v0  }
0x52: {  	[tilespmem:$0x1DD48] =	vst v1  }
0x53: {  	[tilespmem:$0x1DE48] =	vst v0  }
0x54: {  	[tilespmem:$0x1DD58] =	vst v1  }
0x55: {  	[tilespmem:$0x1DE58] =	vst v0  }
0x56: {  	[tilespmem:$0x1DD68] =	vst v1  }
0x57: {  	[tilespmem:$0x1DE68] =	vst v0  }
0x58: {  	[tilespmem:$0x1DD78] =	vst v1  }
0x59: {  	[tilespmem:$0x1DE78] =	vst v0  }
0x5a: {  	[tilespmem:$0x1DD88] =	vst v1  }
0x5b: {  	s8 =	simm.s32 @!p2 $0x13BF8;
	s26 =	rddreg [dreg:$0x19];
	[tilespmem:$0x1DE88] =	vst v0  }
0x5c: {  	[spmem:s26] =	stream.linear.scatter @!p2 [tilespmem:s8], [sflag:$0x3], $0x5000, $0x38;
	[tilespmem:$0x1DEF8] =	vst v63  }
0x5d: {  	s26 =	simm.s32 @!p2 $0x3  }
0x5e: {  	_ =	swait.ge @!p2 [sflag:s26], $0x5000  }
0x5f: {  	[sflag:s26] =	ssyncset.done @!p2 $0x0  }
0x60: {  	s28 =	simm.s32 @!p2 $0x1DDF8;
	[sflag:s26] =	ssyncadd.s32 @!p2 $0xFFFFB000  }
0x61: {  	[spmem:s2] =	stream.linear.scatter @!p2 [tilespmem:s28], [sflag:$0x3], $0xA0, $0x38;
	[tilespmem:$0x1DEF8] =	vst v63  }
0x62: {  	_ =	swait.ge @!p2 [sflag:s26], $0xA0  }
0x63: {  	[sflag:s26] =	ssyncset.done @!p2 $0x0  }
0x64: {  	s29 =	rddreg [dreg:$0x1a];
	[sflag:s26] =	ssyncadd.s32 @!p2 $0xFFFFFF60  }
0x65: {  	[spmem:s29] =	stream.linear.scatter @!p2 [tilespmem:s8], [sflag:$0x3], $0x5000, $0x38;
	[tilespmem:$0x1DEF8] =	vst v63  }
0x66: {  	_ =	swait.ge @!p2 [sflag:s26], $0x5000  }
0x67: {  	[sflag:s26] =	ssyncset.done @!p2 $0x0  }
0x68: {  	s29 =	rddreg [dreg:$0x1b];
	[sflag:s26] =	ssyncadd.s32 @!p2 $0xFFFFB000  }
0x69: {  	[spmem:s29] =	stream.linear.scatter @!p2 [tilespmem:s28], [sflag:$0x3], $0xA0, $0x38;
	[tilespmem:$0x1DEF8] =	vst v63  }
0x6a: {  	_ =	swait.ge @!p2 [sflag:s26], $0xA0  }
0x6b: {  	[sflag:s26] =	ssyncset.done @!p2 $0x0  }
0x6c: {  	[sflag:s26] =	ssyncadd.s32 @!p2 $0xFFFFFF60  }
0x6d: {  	[spmem:s30] =	stream.linear.scatter @!p2 [tilespmem:s8], [sflag:$0x3], $0x5000, $0x38;
	[tilespmem:$0x1DEF8] =	vst v63  }
0x6e: {  	_ =	swait.ge @!p2 [sflag:s26], $0x5000  }
0x6f: {  	[sflag:s26] =	ssyncset.done @!p2 $0x0  }
0x70: {  	[sflag:s26] =	ssyncadd.s32 @!p2 $0xFFFFB000  }
0x71: {  	[spmem:s31] =	stream.linear.scatter @!p2 [tilespmem:s28], [sflag:$0x3], $0xA0, $0x38;
	[tilespmem:$0x1DEF8] =	vst v63  }
0x72: {  	_ =	swait.ge @!p2 [sflag:s26], $0xA0  }
0x73: {  	[sflag:s26] =	ssyncset.done @!p2 $0x0  }
0x74: {  	[sflag:s26] =	ssyncadd.s32 @!p2 $0xFFFFFF60  }
0x75: {  	[spmem:s24] =	stream.linear.scatter @!p2 [tilespmem:s8], [sflag:$0x3], $0x5000, $0x38;
	[tilespmem:$0x1DEF8] =	vst v63  }
0x76: {  	_ =	swait.ge @!p2 [sflag:s26], $0x5000  }
0x77: {  	[sflag:s26] =	ssyncset.done @!p2 $0x0  }
0x78: {  	[sflag:s26] =	ssyncadd.s32 @!p2 $0xFFFFB000  }
0x79: {  	[spmem:s0] =	stream.linear.scatter @!p2 [tilespmem:s28], [sflag:$0x3], $0xA0, $0x38;
	[tilespmem:$0x1DEF8] =	vst v63  }
0x7a: {  	_ =	swait.ge @!p2 [sflag:s26], $0xA0  }
0x7b: {  	[sflag:s26] =	ssyncset.done @!p2 $0x0  }
0x7c: {  	[sflag:s26] =	ssyncadd.s32 @!p2 $0xFFFFFF60  }
0x7d: {  	[spmem:s1] =	stream.linear.scatter @!p2 [tilespmem:s8], [sflag:$0x3], $0x5000, $0x38;
	[tilespmem:$0x1DEF8] =	vst v63  }
0x7e: {  	_ =	swait.ge @!p2 [sflag:s26], $0x5000  }
0x7f: {  	[sflag:s26] =	ssyncset.done @!p2 $0x0  }
0x80: {  	[sflag:s26] =	ssyncadd.s32 @!p2 $0xFFFFB000  }
0x81: {  	[spmem:s3] =	stream.linear.scatter @!p2 [tilespmem:s28], [sflag:$0x3], $0xA0, $0x38;
	[tilespmem:$0x1DEF8] =	vst v63  }
0x82: {  	_ =	swait.ge @!p2 [sflag:s26], $0xA0  }
0x83: {  	[sflag:s26] =	ssyncset.done @!p2 $0x0  }
0x84: {  	[sflag:s26] =	ssyncadd.s32 @!p2 $0xFFFFFF60  }
0x85: {  	[spmem:s4] =	stream.linear.scatter @!p2 [tilespmem:s8], [sflag:$0x3], $0x5000, $0x38;
	[tilespmem:$0x1DEF8] =	vst v63  }
0x86: {  	_ =	swait.ge @!p2 [sflag:s26], $0x5000  }
0x87: {  	[sflag:s26] =	ssyncset.done @!p2 $0x0  }
0x88: {  	[sflag:s26] =	ssyncadd.s32 @!p2 $0xFFFFB000  }
0x89: {  	[spmem:s5] =	stream.linear.scatter @!p2 [tilespmem:s28], [sflag:$0x3], $0xA0, $0x38;
	[tilespmem:$0x1DEF8] =	vst v63  }
0x8a: {  	_ =	swait.ge @!p2 [sflag:s26], $0xA0  }
0x8b: {  	[sflag:s26] =	ssyncset.done @!p2 $0x0  }
0x8c: {  	[sflag:s26] =	ssyncadd.s32 @!p2 $0xFFFFFF60  }
0x8d: {  	[spmem:s6] =	stream.linear.scatter @!p2 [tilespmem:s8], [sflag:$0x3], $0x1400, $0x38;
	[tilespmem:$0x1DEF8] =	vst v63  }
0x8e: {  	_ =	swait.ge @!p2 [sflag:s26], $0x1400  }
0x8f: {  	[sflag:s26] =	ssyncset.done @!p2 $0x0  }
0x90: {  	[sflag:s26] =	ssyncadd.s32 @!p2 $0xFFFFEC00  }
0x91: {  	[spmem:s7] =	stream.linear.scatter @!p2 [tilespmem:s28], [sflag:$0x3], $0x28, $0x38;
	[tilespmem:$0x1DEF8] =	vst v63  }
0x92: {  	_ =	swait.ge @!p2 [sflag:s26], $0x28  }
0x93: {  	[sflag:s26] =	ssyncset.done @!p2 $0x0  }
0x94: {  	[sflag:s26] =	ssyncadd.s32 @!p2 $0xFFFFFFD8  }
0x95: {  	[bflag:$0x0] =	sbarrier.arrive $0xFFFF  }
0x96: {  	s8 =	simm.s32 $0x0;
	s29 =	rddreg [dreg:$0x16]  }
0x97: {  	[tilespmem:s10], [sflag:$0x1] =	stream.linear.gather [hbm4b:s29+s8], $0xA0, $0x38;
	[tilespmem:$0x1DEF8] =	vst v63  }
0x98: {  	s29 =	rddreg [dreg:$0x13]  }
0x99: {  	[tilespmem:s11], [sflag:$0x1] =	stream.linear.gather [hbm4b:s29+s8], $0x5000, $0x38;
	[tilespmem:$0x1DEF8] =	vst v63  }
0x9a: {  	s29 =	rddreg [dreg:$0x17]  }
0x9b: {  	[tilespmem:s12], [sflag:$0x2] =	stream.linear.gather [hbm4b:s29+s8], $0xA0, $0x38;
	[tilespmem:$0x1DEF8] =	vst v63  }
0x9c: {  	s29 =	rddreg [dreg:$0x14]  }
0x9d: {  	[tilespmem:s13], [sflag:$0x2] =	stream.linear.gather [hbm4b:s29+s8], $0x5000, $0x38;
	[tilespmem:$0x1DEF8] =	vst v63  }
0x9e: {  	_ =	swait.ge [sflag:s14], $0xA0  }
0x9f: {  	[sflag:s14] =	ssyncset.done $0x0  }
0xa0: {  	[sflag:s14] =	ssyncadd.s32 $0xFFFFFF60  }
0xa1: {  	_ =	swait.ge [sflag:s14], $0x5000  }
0xa2: {  	[sflag:s14] =	ssyncset.done $0x0  }
0xa3: {  	[sflag:s14] =	ssyncadd.s32 $0xFFFFB000  }
0xa4: {  	[spmem:s23] =	stream.indirect.scatter.add.f32 [tilespmem:s11], [sflag:$0x3], $0x80, s10, s15, $0xb8;
	[tilespmem:$0x1DEF8] =	vst v63  }
0xa5: {  	_ =	swait.ge [sflag:s16], $0x5000  }
0xa6: {  	[sflag:s16] =	ssyncset.done $0x0  }
0xa7: {  	[sflag:s16] =	ssyncadd.s32 $0xFFFFB000  }
0xa8: {  	[spmem:s25] =	stream.indirect.scatter.add.f32 [tilespmem:s17], [sflag:$0x3], $0x1, s10, s15, $0xb8;
	[tilespmem:$0x1DEF8] =	vst v63  }
0xa9: {  	_ =	swait.ge [sflag:s16], $0xA0  }
0xaa: {  	[sflag:s16] =	ssyncset.done $0x0  }
0xab: {  	s26 =	sadd.s32 $0x0, s18;
	s29 =	sadd.s32 $0xFFFFFD80, s9;
	[sflag:s16] =	ssyncadd.s32 $0xFFFFFF60  }
0xac: {  	[tilespmem:s10], [sflag:$0x1] =	stream.linear.gather [hbm4b:s29+s21], $0xA0, $0x38;
	[tilespmem:$0x1DEF8] =	vst v63  }
0xad: {  	s29 =	sadd.s32 $0x28000, s26  }
0xae: {  	[tilespmem:s11], [sflag:$0x1] =	stream.linear.gather [hbm4b:s29+s21], $0x5000, $0x38;
	[tilespmem:$0x1DEF8] =	vst v63  }
0xaf: {  	_ =	swait.ge [sflag:s19], $0xA0  }
0xb0: {  	[sflag:s19] =	ssyncset.done $0x0  }
0xb1: {  	[sflag:s19] =	ssyncadd.s32 $0xFFFFFF60  }
0xb2: {  	_ =	swait.ge [sflag:s19], $0x5000  }
0xb3: {  	[sflag:s19] =	ssyncset.done $0x0  }
0xb4: {  	[sflag:s19] =	ssyncadd.s32 $0xFFFFB000  }
0xb5: {  	[spmem:s23] =	stream.indirect.scatter.add.f32 [tilespmem:s13], [sflag:$0x3], $0x80, s12, s15, $0xb8;
	[tilespmem:$0x1DEF8] =	vst v63  }
0xb6: {  	_ =	swait.ge [sflag:s16], $0x5000  }
0xb7: {  	[sflag:s16] =	ssyncset.done $0x0  }
0xb8: {  	[sflag:s16] =	ssyncadd.s32 $0xFFFFB000  }
0xb9: {  	[spmem:s25] =	stream.indirect.scatter.add.f32 [tilespmem:s17], [sflag:$0x3], $0x1, s12, s15, $0xb8;
	[tilespmem:$0x1DEF8] =	vst v63  }
0xba: {  	_ =	swait.ge [sflag:s16], $0xA0  }
0xbb: {  	s28 =	sadd.s32 $0x3C000, s26;
	[sflag:s16] =	ssyncset.done $0x0  }
0xbc: {  	s8 =	simm.s32 $0x28000;
	s26 =	sadd.s32 $0x500, s9;
	[sflag:s16] =	ssyncadd.s32 $0xFFFFFF60  }
0xbd: {  	[tilespmem:s12], [sflag:$0x2] =	stream.linear.gather [hbm4b:s9+s21], $0xA0, $0x38;
	[tilespmem:$0x1DEF8] =	vst v63  }
.LBB2_4:
0xbe: {  	[tilespmem:s13], [sflag:$0x2] =	stream.linear.gather [hbm4b:s28+s21], $0x5000, $0x38;
	[tilespmem:$0x1DEF8] =	vst v63  }
0xbf: {  	s28 =	smov.u32 s8  }
0xc0: {  	p3 =	sne.s32 s8, $0x488000;
	s8 =	sadd.s32 $0x28000, s8;
	_ =	swait.ge [sflag:s14], $0xA0  }
0xc1: {  	[sflag:s14] =	ssyncset.done $0x0  }
0xc2: {  	[sflag:s14] =	ssyncadd.s32 $0xFFFFFF60  }
0xc3: {  	_ =	swait.ge [sflag:s14], $0x5000  }
0xc4: {  	[sflag:s14] =	ssyncset.done $0x0  }
0xc5: {  	[sflag:s14] =	ssyncadd.s32 $0xFFFFB000  }
0xc6: {  	[spmem:s23] =	stream.indirect.scatter.add.f32 [tilespmem:s11], [sflag:$0x3], $0x80, s10, s15, $0xb8;
	[tilespmem:$0x1DEF8] =	vst v63  }
0xc7: {  	_ =	swait.ge [sflag:s16], $0x5000  }
0xc8: {  	[sflag:s16] =	ssyncset.done $0x0  }
0xc9: {  	[sflag:s16] =	ssyncadd.s32 $0xFFFFB000  }
0xca: {  	[spmem:s25] =	stream.indirect.scatter.add.f32 [tilespmem:s17], [sflag:$0x3], $0x1, s10, s15, $0xb8;
	[tilespmem:$0x1DEF8] =	vst v63  }
0xcb: {  	_ =	swait.ge [sflag:s16], $0xA0  }
0xcc: {  	[sflag:s16] =	ssyncset.done $0x0  }
0xcd: {  	s29 =	sadd.s32 $0xFFFFFD80, s26;
	s28 =	sadd.s32 s28, s18;
	[sflag:s16] =	ssyncadd.s32 $0xFFFFFF60  }
0xce: {  	[tilespmem:s10], [sflag:$0x1] =	stream.linear.gather [hbm4b:s29+s21], $0xA0, $0x38;
	[tilespmem:$0x1DEF8] =	vst v63  }
0xcf: {  	s29 =	sadd.s32 $0x28000, s28  }
0xd0: {  	[tilespmem:s11], [sflag:$0x1] =	stream.linear.gather [hbm4b:s29+s21], $0x5000, $0x38;
	[tilespmem:$0x1DEF8] =	vst v63  }
0xd1: {  	_ =	swait.ge [sflag:s19], $0xA0  }
0xd2: {  	[sflag:s19] =	ssyncset.done $0x0  }
0xd3: {  	[sflag:s19] =	ssyncadd.s32 $0xFFFFFF60  }
0xd4: {  	_ =	swait.ge [sflag:s19], $0x5000  }
0xd5: {  	[sflag:s19] =	ssyncset.done $0x0  }
0xd6: {  	[sflag:s19] =	ssyncadd.s32 $0xFFFFB000  }
0xd7: {  	[spmem:s23] =	stream.indirect.scatter.add.f32 [tilespmem:s13], [sflag:$0x3], $0x80, s12, s15, $0xb8;
	[tilespmem:$0x1DEF8] =	vst v63  }
0xd8: {  	_ =	swait.ge [sflag:s16], $0x5000  }
0xd9: {  	[sflag:s16] =	ssyncset.done $0x0  }
0xda: {  	[sflag:s16] =	ssyncadd.s32 $0xFFFFB000  }
0xdb: {  	[spmem:s25] =	stream.indirect.scatter.add.f32 [tilespmem:s17], [sflag:$0x3], $0x1, s12, s15, $0xb8;
	[tilespmem:$0x1DEF8] =	vst v63  }
.Ltmp3:
0xdc: {  	_ =	swait.ge [sflag:s16], $0xA0;
	(pc) =	sbr.rel @p3 .LBB2_4-.Ltmp3, $4  }
0xdd: {  	[sflag:s16] =	ssyncset.done $0x0  }
0xde: {  	[sflag:s16] =	ssyncadd.s32 $0xFFFFFF60  }
0xdf: {  	[tilespmem:s12], [sflag:$0x2] =	stream.linear.gather [hbm4b:s26+s21], $0xA0, $0x38;
	[tilespmem:$0x1DEF8] =	vst v63  }
0xe0: {  	s28 =	sadd.s32 $0x3C000, s28;
	s26 =	sadd.s32 $0x500, s26  }
0xe1: {  	[tilespmem:s13], [sflag:$0x2] =	stream.linear.gather [hbm4b:s28+s21], $0x5000, $0x38;
	[tilespmem:$0x1DEF8] =	vst v63  }
0xe2: {  	_ =	swait.ge [sflag:s14], $0xA0  }
0xe3: {  	[sflag:s14] =	ssyncset.done $0x0  }
0xe4: {  	[sflag:s14] =	ssyncadd.s32 $0xFFFFFF60  }
0xe5: {  	_ =	swait.ge [sflag:s14], $0x5000  }
0xe6: {  	[sflag:s14] =	ssyncset.done $0x0  }
0xe7: {  	[sflag:s14] =	ssyncadd.s32 $0xFFFFB000  }
0xe8: {  	[spmem:s23] =	stream.indirect.scatter.add.f32 [tilespmem:s11], [sflag:$0x3], $0x80, s10, s15, $0xb8;
	[tilespmem:$0x1DEF8] =	vst v63  }
0xe9: {  	_ =	swait.ge [sflag:s16], $0x5000  }
0xea: {  	[sflag:s16] =	ssyncset.done $0x0  }
0xeb: {  	[sflag:s16] =	ssyncadd.s32 $0xFFFFB000  }
0xec: {  	[spmem:s25] =	stream.indirect.scatter.add.f32 [tilespmem:s17], [sflag:$0x3], $0x1, s10, s15, $0xb8;
	[tilespmem:$0x1DEF8] =	vst v63  }
0xed: {  	_ =	swait.ge [sflag:s16], $0xA0  }
0xee: {  	s8 =	simm.s32 @!p0 $0x0;
	[sflag:s16] =	ssyncset.done $0x0  }
0xef: {  	s26 =	simm.s32 @!p0 $0x13AF8;
	s28 =	rddreg [dreg:$0x18];
	[sflag:s16] =	ssyncadd.s32 $0xFFFFFF60  }
0xf0: {  	[tilespmem:s26], [sflag:$0x1] =	stream.linear.gather @!p0 [hbm4b:s28+s8], $0xA0, $0x38;
	[tilespmem:$0x1DEF8] =	vst v63  }
0xf1: {  	s26 =	simm.s32 @!p0 $0x13BF8;
	s28 =	rddreg [dreg:$0x15]  }
0xf2: {  	[tilespmem:s26], [sflag:$0x1] =	stream.linear.gather @!p0 [hbm4b:s28+s8], $0x5000, $0x38;
	[tilespmem:$0x1DEF8] =	vst v63  }
0xf3: {  	_ =	swait.ge [sflag:s19], $0xA0  }
0xf4: {  	[sflag:s19] =	ssyncset.done $0x0  }
0xf5: {  	[sflag:s19] =	ssyncadd.s32 $0xFFFFFF60  }
0xf6: {  	_ =	swait.ge [sflag:s19], $0x5000  }
0xf7: {  	[sflag:s19] =	ssyncset.done $0x0  }
0xf8: {  	[sflag:s19] =	ssyncadd.s32 $0xFFFFB000  }
0xf9: {  	[spmem:s23] =	stream.indirect.scatter.add.f32 [tilespmem:s13], [sflag:$0x3], $0x80, s12, s15, $0xb8;
	[tilespmem:$0x1DEF8] =	vst v63  }
0xfa: {  	_ =	swait.ge [sflag:s16], $0x5000  }
0xfb: {  	[sflag:s16] =	ssyncset.done $0x0  }
0xfc: {  	[sflag:s16] =	ssyncadd.s32 $0xFFFFB000  }
0xfd: {  	[spmem:s25] =	stream.indirect.scatter.add.f32 [tilespmem:s17], [sflag:$0x3], $0x1, s12, s15, $0xb8;
	[tilespmem:$0x1DEF8] =	vst v63  }
0xfe: {  	_ =	swait.ge [sflag:s16], $0xA0  }
0xff: {  	[sflag:s16] =	ssyncset.done $0x0  }
0x100: {  	s8 =	simm.s32 @!p1 $0x1;
	[sflag:s16] =	ssyncadd.s32 $0xFFFFFF60  }
0x101: {  	_ =	swait.ge @!p1 [sflag:s8], $0xA0  }
0x102: {  	[sflag:s8] =	ssyncset.done @!p1 $0x0  }
0x103: {  	[sflag:s8] =	ssyncadd.s32 @!p1 $0xFFFFFF60  }
0x104: {  	_ =	swait.ge @!p1 [sflag:s8], $0x5000  }
0x105: {  	s26 =	simm.s32 @!p1 $0x13AF8;
	[sflag:s8] =	ssyncset.done @!p1 $0x0  }
0x106: {  	s28 =	simm.s32 @!p1 $0x13BF8;
	[sflag:s8] =	ssyncadd.s32 @!p1 $0xFFFFB000;
	s8 =	simm.s32 @!p1 $0xA0  }
0x107: {  	[spmem:s23] =	stream.indirect.scatter.add.f32 @!p1 [tilespmem:s28], [sflag:$0x3], $0x80, s26, s8, $0xb8;
	[tilespmem:$0x1DEF8] =	vst v63  }
0x108: {  	s28 =	simm.s32 @!p1 $0x3  }
0x109: {  	_ =	swait.ge @!p1 [sflag:s28], $0x5000  }
0x10a: {  	[sflag:s28] =	ssyncset.done @!p1 $0x0  }
0x10b: {  	s29 =	simm.s32 @!p1 $0x1DCF8;
	[sflag:s28] =	ssyncadd.s32 @!p1 $0xFFFFB000  }
0x10c: {  	[spmem:s25] =	stream.indirect.scatter.add.f32 @!p1 [tilespmem:s29], [sflag:$0x3], $0x1, s26, s8, $0xb8;
	[tilespmem:$0x1DEF8] =	vst v63  }
.Ltmp4:
0x10d: {  	_ =	swait.ge @!p1 [sflag:s28], $0xA0;
	(pc) =	sbr.rel @p2 .LBB2_7-.Ltmp4, $3  }
0x10e: {  	[sflag:s28] =	ssyncset.done @!p1 $0x0  }
0x10f: {  	[sflag:s28] =	ssyncadd.s32 @!p1 $0xFFFFFF60  }
0x110: {  	[bflag:$0x0] =	sbarrier.arrive $0xFFFF;
	_ =	sdelay $0x1  }
0x111: {  	s8 =	rddreg [dreg:$0x19]  }
0x112: {  	[tilespmem:s11], [sflag:$0x3] =	stream.linear.gather [spmem:s8], $0x5000, $0x38;
	[tilespmem:$0x1DEF8] =	vst v63  }
0x113: {  	_ =	swait.ge [sflag:s16], $0x5000  }
0x114: {  	[sflag:s16] =	ssyncset.done $0x0  }
0x115: {  	s29 =	rddreg [dreg:$0x5];
	[sflag:s16] =	ssyncadd.s32 $0xFFFFB000  }
0x116: {  	[hbm4b:s29+s21] =	stream.linear.scatter [tilespmem:s11], [sflag:$0x3], $0x5000, $0x38;
	[tilespmem:$0x1DEF8] =	vst v63  }
0x117: {  	_ =	swait.ge [sflag:s16], $0x5000  }
0x118: {  	[sflag:s16] =	ssyncset.done $0x0  }
0x119: {  	[sflag:s16] =	ssyncadd.s32 $0xFFFFB000  }
0x11a: {  	[tilespmem:s20], [sflag:$0x3] =	stream.linear.gather [spmem:s2], $0xA0, $0x38;
	[tilespmem:$0x1DEF8] =	vst v63  }
0x11b: {  	_ =	swait.ge [sflag:s16], $0xA0  }
0x11c: {  	[sflag:s16] =	ssyncset.done $0x0  }
0x11d: {  	s26 =	rddreg [dreg:$0xc];
	[sflag:s16] =	ssyncadd.s32 $0xFFFFFF60  }
0x11e: {  	[hbm4b:s26+s21] =	stream.linear.scatter [tilespmem:s20], [sflag:$0x3], $0xA0, $0x38;
	[tilespmem:$0x1DEF8] =	vst v63  }
0x11f: {  	_ =	swait.ge [sflag:s16], $0xA0  }
0x120: {  	[sflag:s16] =	ssyncset.done $0x0  }
0x121: {  	s28 =	rddreg [dreg:$0x1a];
	[sflag:s16] =	ssyncadd.s32 $0xFFFFFF60  }
0x122: {  	[tilespmem:s11], [sflag:$0x3] =	stream.linear.gather [spmem:s28], $0x5000, $0x38;
	[tilespmem:$0x1DEF8] =	vst v63  }
0x123: {  	_ =	swait.ge [sflag:s16], $0x5000  }
0x124: {  	[sflag:s16] =	ssyncset.done $0x0  }
0x125: {  	s29 =	rddreg [dreg:$0x6];
	[sflag:s16] =	ssyncadd.s32 $0xFFFFB000  }
0x126: {  	[hbm4b:s29+s21] =	stream.linear.scatter [tilespmem:s11], [sflag:$0x3], $0x5000, $0x38;
	[tilespmem:$0x1DEF8] =	vst v63  }
0x127: {  	_ =	swait.ge [sflag:s16], $0x5000  }
0x128: {  	[sflag:s16] =	ssyncset.done $0x0  }
0x129: {  	s26 =	rddreg [dreg:$0x1b];
	[sflag:s16] =	ssyncadd.s32 $0xFFFFB000  }
0x12a: {  	[tilespmem:s20], [sflag:$0x3] =	stream.linear.gather [spmem:s26], $0xA0, $0x38;
	[tilespmem:$0x1DEF8] =	vst v63  }
0x12b: {  	_ =	swait.ge [sflag:s16], $0xA0  }
0x12c: {  	[sflag:s16] =	ssyncset.done $0x0  }
0x12d: {  	s28 =	rddreg [dreg:$0xd];
	[sflag:s16] =	ssyncadd.s32 $0xFFFFFF60  }
0x12e: {  	[hbm4b:s28+s21] =	stream.linear.scatter [tilespmem:s20], [sflag:$0x3], $0xA0, $0x38;
	[tilespmem:$0x1DEF8] =	vst v63  }
0x12f: {  	_ =	swait.ge [sflag:s16], $0xA0  }
0x130: {  	[sflag:s16] =	ssyncset.done $0x0  }
0x131: {  	[sflag:s16] =	ssyncadd.s32 $0xFFFFFF60  }
0x132: {  	[tilespmem:s11], [sflag:$0x3] =	stream.linear.gather [spmem:s30], $0x5000, $0x38;
	[tilespmem:$0x1DEF8] =	vst v63  }
0x133: {  	_ =	swait.ge [sflag:s16], $0x5000  }
0x134: {  	[sflag:s16] =	ssyncset.done $0x0  }
0x135: {  	s29 =	rddreg [dreg:$0x7];
	[sflag:s16] =	ssyncadd.s32 $0xFFFFB000  }
0x136: {  	[hbm4b:s29+s21] =	stream.linear.scatter [tilespmem:s11], [sflag:$0x3], $0x5000, $0x38;
	[tilespmem:$0x1DEF8] =	vst v63  }
0x137: {  	_ =	swait.ge [sflag:s16], $0x5000  }
0x138: {  	[sflag:s16] =	ssyncset.done $0x0  }
0x139: {  	[sflag:s16] =	ssyncadd.s32 $0xFFFFB000  }
0x13a: {  	[tilespmem:s20], [sflag:$0x3] =	stream.linear.gather [spmem:s31], $0xA0, $0x38;
	[tilespmem:$0x1DEF8] =	vst v63  }
0x13b: {  	_ =	swait.ge [sflag:s16], $0xA0  }
0x13c: {  	[sflag:s16] =	ssyncset.done $0x0  }
0x13d: {  	s26 =	rddreg [dreg:$0xe];
	[sflag:s16] =	ssyncadd.s32 $0xFFFFFF60  }
0x13e: {  	[hbm4b:s26+s21] =	stream.linear.scatter [tilespmem:s20], [sflag:$0x3], $0xA0, $0x38;
	[tilespmem:$0x1DEF8] =	vst v63  }
0x13f: {  	_ =	swait.ge [sflag:s16], $0xA0  }
0x140: {  	[sflag:s16] =	ssyncset.done $0x0  }
0x141: {  	[sflag:s16] =	ssyncadd.s32 $0xFFFFFF60  }
0x142: {  	[tilespmem:s11], [sflag:$0x3] =	stream.linear.gather [spmem:s24], $0x5000, $0x38;
	[tilespmem:$0x1DEF8] =	vst v63  }
0x143: {  	_ =	swait.ge [sflag:s16], $0x5000  }
0x144: {  	[sflag:s16] =	ssyncset.done $0x0  }
0x145: {  	s28 =	rddreg [dreg:$0x8];
	[sflag:s16] =	ssyncadd.s32 $0xFFFFB000  }
0x146: {  	[hbm4b:s28+s21] =	stream.linear.scatter [tilespmem:s11], [sflag:$0x3], $0x5000, $0x38;
	[tilespmem:$0x1DEF8] =	vst v63  }
0x147: {  	_ =	swait.ge [sflag:s16], $0x5000  }
0x148: {  	[sflag:s16] =	ssyncset.done $0x0  }
0x149: {  	[sflag:s16] =	ssyncadd.s32 $0xFFFFB000  }
0x14a: {  	[tilespmem:s20], [sflag:$0x3] =	stream.linear.gather [spmem:s0], $0xA0, $0x38;
	[tilespmem:$0x1DEF8] =	vst v63  }
0x14b: {  	_ =	swait.ge [sflag:s16], $0xA0  }
0x14c: {  	[sflag:s16] =	ssyncset.done $0x0  }
0x14d: {  	s29 =	rddreg [dreg:$0xf];
	[sflag:s16] =	ssyncadd.s32 $0xFFFFFF60  }
0x14e: {  	[hbm4b:s29+s21] =	stream.linear.scatter [tilespmem:s20], [sflag:$0x3], $0xA0, $0x38;
	[tilespmem:$0x1DEF8] =	vst v63  }
0x14f: {  	_ =	swait.ge [sflag:s16], $0xA0  }
0x150: {  	[sflag:s16] =	ssyncset.done $0x0  }
0x151: {  	[sflag:s16] =	ssyncadd.s32 $0xFFFFFF60  }
0x152: {  	[tilespmem:s11], [sflag:$0x3] =	stream.linear.gather [spmem:s1], $0x5000, $0x38;
	[tilespmem:$0x1DEF8] =	vst v63  }
0x153: {  	_ =	swait.ge [sflag:s16], $0x5000  }
0x154: {  	[sflag:s16] =	ssyncset.done $0x0  }
0x155: {  	s26 =	rddreg [dreg:$0x9];
	[sflag:s16] =	ssyncadd.s32 $0xFFFFB000  }
0x156: {  	[hbm4b:s26+s21] =	stream.linear.scatter [tilespmem:s11], [sflag:$0x3], $0x5000, $0x38;
	[tilespmem:$0x1DEF8] =	vst v63  }
0x157: {  	_ =	swait.ge [sflag:s16], $0x5000  }
0x158: {  	[sflag:s16] =	ssyncset.done $0x0  }
0x159: {  	[sflag:s16] =	ssyncadd.s32 $0xFFFFB000  }
0x15a: {  	[tilespmem:s20], [sflag:$0x3] =	stream.linear.gather [spmem:s3], $0xA0, $0x38;
	[tilespmem:$0x1DEF8] =	vst v63  }
0x15b: {  	_ =	swait.ge [sflag:s16], $0xA0  }
0x15c: {  	[sflag:s16] =	ssyncset.done $0x0  }
0x15d: {  	s28 =	rddreg [dreg:$0x10];
	[sflag:s16] =	ssyncadd.s32 $0xFFFFFF60  }
0x15e: {  	[hbm4b:s28+s21] =	stream.linear.scatter [tilespmem:s20], [sflag:$0x3], $0xA0, $0x38;
	[tilespmem:$0x1DEF8] =	vst v63  }
0x15f: {  	_ =	swait.ge [sflag:s16], $0xA0  }
0x160: {  	[sflag:s16] =	ssyncset.done $0x0  }
0x161: {  	[sflag:s16] =	ssyncadd.s32 $0xFFFFFF60  }
0x162: {  	[tilespmem:s11], [sflag:$0x3] =	stream.linear.gather [spmem:s4], $0x5000, $0x38;
	[tilespmem:$0x1DEF8] =	vst v63  }
0x163: {  	_ =	swait.ge [sflag:s16], $0x5000  }
0x164: {  	[sflag:s16] =	ssyncset.done $0x0  }
0x165: {  	s29 =	rddreg [dreg:$0xa];
	[sflag:s16] =	ssyncadd.s32 $0xFFFFB000  }
0x166: {  	[hbm4b:s29+s21] =	stream.linear.scatter [tilespmem:s11], [sflag:$0x3], $0x5000, $0x38;
	[tilespmem:$0x1DEF8] =	vst v63  }
0x167: {  	_ =	swait.ge [sflag:s16], $0x5000  }
0x168: {  	[sflag:s16] =	ssyncset.done $0x0  }
0x169: {  	[sflag:s16] =	ssyncadd.s32 $0xFFFFB000  }
0x16a: {  	[tilespmem:s20], [sflag:$0x3] =	stream.linear.gather [spmem:s5], $0xA0, $0x38;
	[tilespmem:$0x1DEF8] =	vst v63  }
0x16b: {  	_ =	swait.ge [sflag:s16], $0xA0  }
0x16c: {  	[sflag:s16] =	ssyncset.done $0x0  }
0x16d: {  	s26 =	rddreg [dreg:$0x11];
	[sflag:s16] =	ssyncadd.s32 $0xFFFFFF60  }
0x16e: {  	[hbm4b:s26+s21] =	stream.linear.scatter [tilespmem:s20], [sflag:$0x3], $0xA0, $0x38;
	[tilespmem:$0x1DEF8] =	vst v63  }
0x16f: {  	_ =	swait.ge [sflag:s16], $0xA0  }
0x170: {  	[sflag:s16] =	ssyncset.done $0x0  }
0x171: {  	[sflag:s16] =	ssyncadd.s32 $0xFFFFFF60  }
0x172: {  	[tilespmem:s11], [sflag:$0x3] =	stream.linear.gather [spmem:s6], $0x1400, $0x38;
	[tilespmem:$0x1DEF8] =	vst v63  }
0x173: {  	_ =	swait.ge [sflag:s16], $0x1400  }
0x174: {  	[sflag:s16] =	ssyncset.done $0x0  }
0x175: {  	s28 =	rddreg [dreg:$0xb];
	[sflag:s16] =	ssyncadd.s32 $0xFFFFEC00  }
0x176: {  	[hbm4b:s28+s21] =	stream.linear.scatter [tilespmem:s11], [sflag:$0x3], $0x1400, $0x38;
	[tilespmem:$0x1DEF8] =	vst v63  }
0x177: {  	_ =	swait.ge [sflag:s16], $0x1400  }
0x178: {  	[sflag:s16] =	ssyncset.done $0x0  }
0x179: {  	[sflag:s16] =	ssyncadd.s32 $0xFFFFEC00  }
0x17a: {  	[tilespmem:s20], [sflag:$0x3] =	stream.linear.gather [spmem:s7], $0x28, $0x38;
	[tilespmem:$0x1DEF8] =	vst v63  }
0x17b: {  	_ =	swait.ge [sflag:s16], $0x28  }
0x17c: {  	[sflag:s16] =	ssyncset.done $0x0  }
.Ltmp5:
0x17d: {  	s29 =	rddreg [dreg:$0x12];
	[sflag:s16] =	ssyncadd.s32 $0xFFFFFFD8;
	(pc) =	sbr.rel .LBB2_7-.Ltmp5, $4  }
0x17e: {  	[hbm4b:s29+s21] =	stream.linear.scatter [tilespmem:s20], [sflag:$0x3], $0x28, $0x38;
	[tilespmem:$0x1DEF8] =	vst v63  }
0x17f: {  	_ =	swait.ge [sflag:s16], $0x28  }
0x180: {  	[sflag:s16] =	ssyncset.done $0x0  }
0x181: {  	[sflag:s16] =	ssyncadd.s32 $0xFFFFFFD8  }
.LBB2_8:
0x182: {  	_ =	sfence.sel $0x180000  }
0x183: {  	[bflag:$0x0] =	sbarrier.arrive $0xFFFF  }
0x184: {  	_ =	strace $0x9000004A  }
0x185: {  	s0 =	stileid.u32;
	[bflag:$0x2] =	sbarrier.arrive $0xFFFF  }
0x186: {  	p0 =	sne.s32 s0, $0x0;
	s0 =	rddreg [dreg:$0x4]  }
0x187: {  	s0 =	sadd.s32 @!p0 $0x100000, s0  }
0x188: {  	[sflag:s0] =	ssyncadd.tile.s32 @!p0 $0x1;
	_ =	shalt  }
.Lfunc_end2:
_tile_overlayer_lowered:
.L_overlay_start_2:
0x189: {  	(tag) =	ssettag $0x2  }
0x18a: {  	s0 =	rddreg [dreg:$0x0];
	s2 =	stileid.u32  }
0x18b: {  	s1 =	rddreg [dreg:$0x1];
	p0 =	sne.s32 s2, $0x0  }
0x18c: {  	s3 =	rddreg [dreg:$0x2];
	[bflag:$0x3] =	sbarrier.arrive $0xFFFF;
	s2 =	simm.s32 @!p0 $0x1C03  }
0x18d: {  	[timem:s3], [sflag:s2] =	dma.local @!p0 [hbm:s0], s1  }
0x18e: {  	s0 =	simm.s32 @!p0 $0x3  }
0x18f: {  	_ =	swait.ge @!p0 [sflag:s0], s1  }
0x190: {  	s1 =	ssub.s32 @!p0 $0x0, s1;
	[sflag:s0] =	ssyncset.done @!p0 $0x0  }
0x191: {  	[sflag:s0] =	ssyncadd.s32 @!p0 s1  }
0x192: {  	[bflag:$0x3] =	sbarrier.arrive $0xFFFF  }
0x193: {  	_ =	shalt  }

// kernel: kernel.7.cloned.1.call-start
scs
__scs_entry_jumppad:
0x0: {  	(pc) =	sbr.rel $0x88, $3  }
0x1: {  	(tag) =	ssettag $0x0;
	lr =	simm.s32 $0x1  }
0x2: {  	[smem:$0x3F8D] =	sst lr;
	_ =	strace $0xD0000000  }
0x3: {  	_ = 	snop  }
0x4: {  	_ = 	snop  }
0x5: {  	_ = 	snop  }
0x6: {  	_ = 	snop  }
0x7: {  	_ = 	snop  }
__scs_overlays_trampoline_lowered:
0x8: {  	[smem:$0x3F9C] =	sst s0  }
0x9: {  	[smem:$0x3F9D] =	sst s1  }
0xa: {  	[smem:$0x3F9E] =	sst s2  }
0xb: {  	[smem:$0x3F9F] =	sst s3  }
0xc: {  	[smem:$0x3FA0] =	sst s4  }
0xd: {  	[smem:$0x3FA1] =	sst s5  }
0xe: {  	[smem:$0x3FA2] =	sst s6  }
0xf: {  	[smem:$0x3FA3] =	sst s7  }
0x10: {  	[smem:$0x3FA4] =	sst s8  }
0x11: {  	[smem:$0x3FA5] =	sst s9;
	s0 =	simm.s32 @!p0 $0x0  }
0x12: {  	s1 =	sld [smem:$0x3F8B];
	s0 =	simm.s32 @p0 $0x1  }
0x13: {  	[smem:$0x3FA6] =	sst s0;
	s0 =	simm.s32 @!p1 $0x0  }
0x14: {  	s2 =	sld [smem:$0x3F8A];
	s0 =	simm.s32 @p1 $0x1  }
0x15: {  	[smem:$0x3FA7] =	sst s0;
	s0 =	simm.s32 @!p2 $0x0  }
0x16: {  	s3 =	sld [smem:$0x3FDB];
	s0 =	simm.s32 @p2 $0x1  }
0x17: {  	s4 =	simm.s32 $0x1BF5;
	[smem:$0x3FA9] =	sst s0  }
0x18: {  	s0 =	sld [smem:$0x3F8C];
	_ =	swait.ge [sflag:s4], $0x0  }
0x19: {  	s7 =	sld [smem:$0x3F8D]  }
0x1a: {  	s8 =	sadd.s32 $0xFFFFE003, lr  }
0x1b: {  	s9 =	sadd.s32 $0xFFFFFEF7, lr;
	s5 =	simm.s32 $0xFFFFFFFF;
	p2 =	slt.u32 s8, $0xFFFFF086  }
0x1c: {  	p1 =	slt.u32 s9, $0xF7A;
	s5 =	simm.s32 @!p2 $0x0  }
0x1d: {  	s5 =	simm.s32 @p1 $0x1;
	p0 =	seq.s32 s7, s2  }
0x1e: {  	s7 =	smul.u32 @!p0 $0xF7A, s2;
	p2 =	seq.s32 @!p0 s5, $0x0  }
0x1f: {  	s9 =	smul.u32 $0xF7A, s1;
	s8 =	simm.s32 @!p0 $0x1BF5;
	p2 =	por !p2, p0  }
0x20: {  	[sflag:s8] =	ssyncset.s32 @!p0 $0xFFFFF086;
	s6 =	sadd.s32 @!p0 s3, s7;
	s7 =	simm.s32 @!p0 $0x108  }
0x21: {  	s3 =	sadd.s32 s3, s9;
	s6 =	sadd.s32 @!p0 $0x88, s6;
	s7 =	simm.s32 @p2 $0x1082  }
0x22: {  	[simem:s7], [sflag:s8] =	dma.local @!p0 [hbm:s6], $0xF7A  }
0x23: {  	s9 =	sor.u32 $0xD0000000, s2;
	s6 =	simm.s32 $0x108;
	_ =	swait.ge @!p0 [sflag:s8], $0x0  }
0x24: {  	s3 =	sadd.s32 $0x88, s3;
	s6 =	simm.s32 @!p1 $0x1082;
	[sflag:s4] =	ssyncset.s32 $0xFFFFF086  }
0x25: {  	[simem:s6], [sflag:s4] =	dma.local [hbm:s3], $0xF7A  }
0x26: {  	[smem:$0x3F8D] =	sst s1;
	(tag) =	ssettag s2;
	_ =	strace s9  }
0x27: {  	s1 =	sld [smem:$0x3F9D]  }
0x28: {  	s2 =	sld [smem:$0x3F9E]  }
0x29: {  	s4 =	sld [smem:$0x3FA0]  }
0x2a: {  	p0 =	seq.s32 s5, $0x0;
	s5 =	sld [smem:$0x3FA1]  }
0x2b: {  	s6 =	sld [smem:$0x3FA2]  }
0x2c: {  	s7 =	sld [smem:$0x3FA3]  }
0x2d: {  	s3 =	simm.s32 $0x108;
	s8 =	sld [smem:$0x3FA4]  }
0x2e: {  	s3 =	simm.s32 @!p0 $0x1082;
	s9 =	sld [smem:$0x3FA5]  }
0x2f: {  	lr =	sadd.s32 s0, s3;
	s0 =	sld [smem:$0x3F9C]  }
0x30: {  	s3 =	sld [smem:$0x3F9F]  }
0x31: {  	[smem:$0x3FA8] =	sst s10  }
0x32: {  	s10 =	sld [smem:$0x3FA6];
	_ =	sdelay $0x3  }
0x33: {  	p0 =	seq.s32 s10, $0x1;
	s10 =	sld [smem:$0x3FA8];
	_ =	sdelay $0x3  }
0x34: {  	[smem:$0x3FA8] =	sst s10  }
0x35: {  	s10 =	sld [smem:$0x3FA7];
	_ =	sdelay $0x3  }
0x36: {  	p1 =	seq.s32 s10, $0x1;
	s10 =	sld [smem:$0x3FA8];
	_ =	sdelay $0x3  }
0x37: {  	[smem:$0x3FA8] =	sst s10  }
0x38: {  	s10 =	sld [smem:$0x3FA9]  }
0x39: {  	_ = 	snop;
	(pc) =	sbr.ind lr, $3  }
0x3a: {  	_ = 	snop  }
0x3b: {  	_ = 	snop  }
0x3c: {  	p2 =	seq.s32 s10, $0x1;
	s10 =	sld [smem:$0x3FA8]  }
0x3d: {  	_ =	shalt  }
0x3e: {  	_ =	shalt  }
0x3f: {  	_ =	shalt  }
0x40: {  	_ =	shalt  }
0x41: {  	_ =	shalt  }
0x42: {  	_ =	shalt  }
0x43: {  	_ =	shalt  }
0x44: {  	_ =	shalt  }
0x45: {  	_ =	shalt  }
0x46: {  	_ =	shalt  }
0x47: {  	_ =	shalt  }
0x48: {  	_ =	shalt  }
0x49: {  	_ =	shalt  }
0x4a: {  	_ =	shalt  }
0x4b: {  	_ =	shalt  }
0x4c: {  	_ =	shalt  }
0x4d: {  	_ =	shalt  }
0x4e: {  	_ =	shalt  }
0x4f: {  	_ =	shalt  }
0x50: {  	_ =	shalt  }
0x51: {  	_ =	shalt  }
0x52: {  	_ =	shalt  }
0x53: {  	_ =	shalt  }
0x54: {  	_ =	shalt  }
0x55: {  	_ =	shalt  }
0x56: {  	_ =	shalt  }
0x57: {  	_ =	shalt  }
0x58: {  	_ =	shalt  }
0x59: {  	_ =	shalt  }
0x5a: {  	_ =	shalt  }
0x5b: {  	_ =	shalt  }
0x5c: {  	_ =	shalt  }
0x5d: {  	_ =	shalt  }
0x5e: {  	_ =	shalt  }
0x5f: {  	_ =	shalt  }
0x60: {  	_ =	shalt  }
0x61: {  	_ =	shalt  }
0x62: {  	_ =	shalt  }
0x63: {  	_ =	shalt  }
0x64: {  	_ =	shalt  }
0x65: {  	_ =	shalt  }
0x66: {  	_ =	shalt  }
0x67: {  	_ =	shalt  }
0x68: {  	_ =	shalt  }
0x69: {  	_ =	shalt  }
0x6a: {  	_ =	shalt  }
0x6b: {  	_ =	shalt  }
0x6c: {  	_ =	shalt  }
0x6d: {  	_ =	shalt  }
0x6e: {  	_ =	shalt  }
0x6f: {  	_ =	shalt  }
0x70: {  	_ =	shalt  }
0x71: {  	_ =	shalt  }
0x72: {  	_ =	shalt  }
0x73: {  	_ =	shalt  }
0x74: {  	_ =	shalt  }
0x75: {  	_ =	shalt  }
0x76: {  	_ =	shalt  }
0x77: {  	_ =	shalt  }
0x78: {  	_ =	shalt  }
0x79: {  	_ =	shalt  }
0x7a: {  	_ =	shalt  }
0x7b: {  	_ =	shalt  }
0x7c: {  	_ =	shalt  }
0x7d: {  	_ =	shalt  }
0x7e: {  	_ =	shalt  }
0x7f: {  	_ =	shalt  }
0x80: {  	_ =	shalt  }
0x81: {  	_ =	shalt  }
0x82: {  	_ =	shalt  }
0x83: {  	_ =	shalt  }
0x84: {  	_ =	shalt  }
0x85: {  	_ =	shalt  }
0x86: {  	_ =	shalt  }
0x87: {  	_ =	shalt  }
.Lfunc_end0:
.L_simem_size_0:
called_computation_lowered:
.L_overlay_start_0:
0x88: {  	s2 =	sld [smem:$0x3FD9]  }
0x89: {  	s3 =	sld [smem:$0x3FFE];
	_ =	sdelay $0x1  }
0x8a: {  	s1 =	srdreg.scid  }
0x8b: {  	s0 =	sand.u32 $0x1, s1  }
0x8c: {  	s17 =	sshll.u32 s0, $0xA;
	s2 =	sadd.s32 s3, s2  }
0x8d: {  	s2 =	sadd.s32 s2, s17  }
0x8e: {  	[smem:$0x3FB4] =	sst s2  }
0x8f: {  	_ = 	snop  }
0x90: {  	s2 =	sld [smem:$0x3FD0];
	(tm) =	ssettm $0x1  }
0x91: {  	s18 =	sld [smem:$0x3FFB];
	_ =	sdelay $0x3  }
0x92: {  	_ =	strace s18  }
0x93: {  	s3 =	sld [smem:$0x3FFC];
	_ =	sdelay $0x3  }
0x94: {  	_ =	strace s3  }
0x95: {  	s3 =	sld [smem:$0x3FFD];
	_ =	sdelay $0x3  }
0x96: {  	_ =	strace s3  }
0x97: {  	_ =	strace $0x8FFFFFFF  }
0x98: {  	s19 =	sld [smem:$0x3FDB];
	_ =	sdelay $0x1  }
0x99: {  	s4 =	simm.s32 $_scs_section_size  }
0x9a: {  	s5 =	simm.s32 $_size__tile_overlayer_lowered;
	s6 =	simm.s32 $_tile_overlayer_lowered  }
0x9b: {  	s22 =	simm.s32 $0x1BFF;
	s21 =	sshll.u32 s6, $0x1;
	s3 =	sadd.s32 s4, s19  }
0x9c: {  	s7 =	simm.s32 $0x0;
	s20 =	sshll.u32 s5, $0x1;
	s5 =	sadd.s32 s21, s3  }
0x9d: {  	[timem:s7], [sflag:s22] =	dma.local [hbm:s5], s20  }
0x9e: {  	_ =	swait.ge [sflag:s22], s20  }
0x9f: {  	s4 =	ssub.s32 $0x0, s20;
	[sflag:s22] =	ssyncset.done $0x0  }
0xa0: {  	[sflag:s22] =	ssyncadd.s32 s4;
	_ =	sdelay $0x1  }
0xa1: {  	s23 =	simm.s32 $0x1B8B  }
0xa2: {  	_ =	swait.ge [sflag:s23], $0x1  }
0xa3: {  	[sflag:s23] =	ssyncset.done $0x0  }
0xa4: {  	s25 =	simm.s32 $0x1B8E;
	s24 =	sld [smem:$0x3FFE];
	[sflag:s23] =	ssyncadd.s32 $0xFFFFFFFF  }
0xa5: {  	s26 =	simm.s32 $execute0_lowered;
	[smem:$0x3FD2] =	sst s25  }
0xa6: {  	s5 =	sshll.u32 s26, $0x1;
	_ =	strace $0x80000046;
	[dreg:$0x1] =	wrdreg $0xFFFFFFFF  }
0xa7: {  	s28 =	simm.s32 $_size_execute0_lowered;
	s3 =	sadd.s32 s3, s5;
	[dreg:$0x0] =	wrdreg $0x0  }
0xa8: {  	s5 =	sshll.u32 s28, $0x1;
	[dreg:$0x2] =	wrdreg s3  }
0xa9: {  	[dreg:$0x3] =	wrdreg s5  }
0xaa: {  	[dreg:$0x4] =	wrdreg $0xC0  }
0xab: {  	_ =	task [dreg:s7], $0x5FFFF  }
0xac: {  	[dreg:$0x1] =	wrdreg $0xFFFFFFFF  }
0xad: {  	[dreg:$0x0] =	wrdreg $0x60  }
0xae: {  	[dreg:$0x2] =	wrdreg s2  }
0xaf: {  	[dreg:$0x3] =	wrdreg s24  }
0xb0: {  	[dreg:$0x4] =	wrdreg $0x9  }
0xb1: {  	_ =	task.clear_ibuf [dreg:s7], $0x5FFFF;
	_ =	strace $0x90000046  }
0xb2: {  	s29 =	simm.s32 $0x9;
	_ =	strace $0x80000048  }
0xb3: {  	_ =	swait.ge [sflag:s29], $0x1  }
0xb4: {  	[sflag:s29] =	ssyncadd.s32 $0xFFFFFFFF  }
0xb5: {  	_ =	strace $0x90000048  }
0xb6: {  	_ =	sfence  }
0xb7: {  	s30 =	sld [smem:$0x0];
	_ =	sdelay $0x2  }
0xb8: {  	s31 =	sshll.u32 s1, $0xD;
	s1 =	sshrl.u32 s1, $0x2  }
0xb9: {  	s3 =	sand.u32 $0x4000, s31;
	s1 =	sadd.s32 s1, s30  }
0xba: {  	s0 =	sor.u32 s3, s0;
	s1 =	sshll.u32 s1, $0x11  }
0xbb: {  	s0 =	sor.u32 s1, s0  }
0xbc: {  	s0 =	sadd.s32 $0x8F2B, s0  }
0xbd: {  	[sflag:s0] =	ssyncadd.remote.s32 $0x1  }
0xbe: {  	_ =	sfence.sel $0xFFFF  }
0xbf: {  	[dreg:$0x0] =	wrdreg $0xFFFFFFFF;
	(pc) =	sbr.abs _section_cstart, $3  }
0xc0: {  	[dreg:$0x1] =	wrdreg $0xFFFFFFFF  }
0xc1: {  	_ =	task.clear_ibuf [dreg:s7], $0x2FFFF;
	_ =	strace $0x9FFFFFFF  }
0xc2: {  	(tm) =	ssettm $0x7FFFFFFF  }
0xc3: {  	_ =	shalt  }
tec
execute0_lowered:
.L_overlay_start_1:
0x0: {  	(tag) =	ssettag $0x1  }
0x1: {  	s1 =	rddreg [dreg:$0x0]  }
0x2: {  	s0 =	rddreg [dreg:$0x1]  }
0x3: {  	s2 =	simm.s32 $0x0;
	s10 =	stileid.u32;
	s5 =	srdreg.scid  }
0x4: {  	s29 =	simm.s32 $0x13200;
	s31 =	simm.s32 $0x1;
	s28 =	simm.s32 $0x2  }
0x5: {  	s30 =	simm.s32 $0x400;
	s13 =	simm.s32 $0x0;
	[smem:$0x7FF] =	sst s2  }
0x6: {  	s3 =	sadd.s32 $0x16200, s0;
	s14 =	sadd.s32 $0x16800, s0;
	s15 =	sadd.s32 $0x16E00, s0  }
0x7: {  	s16 =	sadd.s32 $0x15C00, s0;
	_ =	strace $0x80000047;
	[dreg:$0x3] =	wrdreg s3  }
0x8: {  	s17 =	sadd.s32 $0x15600, s0;
	s18 =	sadd.s32 $0x15000, s0;
	[dreg:$0x4] =	wrdreg s14  }
0x9: {  	s19 =	sadd.s32 $0x1400, s0;
	s4 =	sshll.u32 s10, $0xC;
	[dreg:$0x5] =	wrdreg s15  }
0xa: {  	s6 =	sadd.s32 $0xB200, s0;
	s5 =	sand.u32 $0x1, s5;
	[dreg:$0x6] =	wrdreg s16  }
0xb: {  	s7 =	sshll.u32 s10, $0x8;
	s9 =	sshll.u32 s10, $0x1;
	[dreg:$0x7] =	wrdreg s17  }
0xc: {  	s23 =	sshll.u32 s10, $0x5;
	[dreg:$0x8] =	wrdreg s18;
	s4 =	sadd.s32 s4, s0  }
0xd: {  	s8 =	ssub.s32 $0x2, s5;
	s0 =	sadd.s32 s7, s0;
	s9 =	sor.u32 s5, s9  }
0xe: {  	s24 =	sshll.u32 s5, $0x4;
	s25 =	sshll.u32 s5, $0xB;
	s5 =	sshll.u32 s5, $0x7  }
0xf: {  	s3 =	sadd.s32 s23, s19;
	s20 =	sshrl.u32 s8, $0x1;
	s21 =	sshll.u32 s9, $0x4  }
0x10: {  	s9 =	sor.u32 $0x20, s9;
	s4 =	sadd.s32 s25, s4;
	s0 =	sadd.s32 s5, s0  }
0x11: {  	s17 =	sadd.s32 s24, s3;
	s25 =	simm.s32 $0xC580;
	s5 =	simm.s32 $0xEE00  }
0x12: {  	s3 =	simm.s32 $0x271000;
	s7 =	ssub.s32 s8, s20;
	s11 =	sadd.s32 s19, s21  }
0x13: {  	s8 =	sadd.s32 s6, s21;
	[dreg:$0x9] =	wrdreg s9;
	s22 =	sshll.u32 s9, $0x4  }
0x14: {  	s26 =	sadd.s32 $0x75600, s4;
	s0 =	sadd.s32 $0x18400, s0;
	[dreg:$0xa] =	wrdreg s11  }
0x15: {  	s20 =	simm.s32 $0x7;
	s21 =	simm.s32 $0x2780;
	[dreg:$0xb] =	wrdreg s8  }
0x16: {  	s4 =	simm.s32 $0x12E00;
	s9 =	sadd.s32 s19, s22;
	[dreg:$0xf] =	wrdreg s26  }
0x17: {  	s8 =	sadd.s32 s6, s22;
	s7 =	smax.u32 s7, $0x1;
	[dreg:$0x10] =	wrdreg s0  }
.Ltmp0:
0x18: {  	s6 =	sadd.s32 s23, s6;
	[dreg:$0xc] =	wrdreg s9;
	(pc) =	sbr.rel .LBB2_1-.Ltmp0, $4  }
0x19: {  	s22 =	simm.s32 $0x4F00;
	s23 =	simm.s32 $0x7680;
	[dreg:$0xd] =	wrdreg s8  }
0x1a: {  	s26 =	simm.s32 $0xED00;
	s0 =	simm.s32 $0x80;
	[dreg:$0xe] =	wrdreg s7  }
0x1b: {  	s16 =	sadd.s32 s24, s6;
	s24 =	simm.s32 $0x9E00;
	s6 =	simm.s32 $0x4  }
0x1c: {  	s7 =	simm.s32 $0x13300;
	s8 =	simm.s32 $0x5;
	s9 =	simm.s32 $0x17300  }
.LBB2_7:
0x1d: {  	s10 =	simm.s32 $0x3  }
0x1e: {  	_ =	swait.ge [sflag:s10], $0x4000  }
0x1f: {  	[sflag:s10] =	ssyncset.done $0x0  }
0x20: {  	[sflag:s10] =	ssyncadd.s32 $0xFFFFC000  }
0x21: {  	_ =	swait.ge [sflag:s10], $0x300  }
0x22: {  	[sflag:s10] =	ssyncset.done $0x0  }
0x23: {  	s11 =	simm.s32 $0x6;
	[sflag:s10] =	ssyncadd.s32 $0xFFFFFD00  }
0x24: {  	_ =	swait.ge [sflag:s11], $0x4000  }
0x25: {  	[sflag:s11] =	ssyncset.done $0x0  }
0x26: {  	[sflag:s11] =	ssyncadd.s32 $0xFFFFC000  }
0x27: {  	_ =	swait.ge [sflag:s11], $0x300  }
0x28: {  	s13 =	sadd.s32 $0x1, s13;
	s19 =	rddreg [dreg:$0xe]  }
0x29: {  	p0 =	sne.s32 s13, s19  }
.Ltmp1:
0x2a: {  	_ = 	snop;
	(pc) =	sbr.rel @!p0 .LBB2_8-.Ltmp1, $3  }
0x2b: {  	_ =	sdelay $0x1  }
0x2c: {  	[sflag:s11] =	ssyncset.done $0x0  }
0x2d: {  	[sflag:s11] =	ssyncadd.s32 $0xFFFFFD00  }
.LBB2_1:
0x2e: {  	s10 =	rddreg [dreg:$0x3]  }
0x2f: {  	[tilespmem:s2], [sflag:$0x7] =	stream.linear.gather [hbm4b:s10+s2], $0x2780, $0x38;
	[tilespmem:$0x17700] =	vst v63  }
0x30: {  	_ =	swait.ge [sflag:s20], $0x2780  }
0x31: {  	[sflag:s20] =	ssyncset.done $0x0  }
0x32: {  	s14 =	rddreg [dreg:$0x4];
	[sflag:s20] =	ssyncadd.s32 $0xFFFFD880  }
0x33: {  	[tilespmem:s21], [sflag:$0x7] =	stream.linear.gather [hbm4b:s14+s2], $0x2780, $0x38;
	[tilespmem:$0x17700] =	vst v63  }
0x34: {  	_ =	swait.ge [sflag:s20], $0x2780  }
0x35: {  	[sflag:s20] =	ssyncset.done $0x0  }
0x36: {  	s15 =	rddreg [dreg:$0x5];
	[sflag:s20] =	ssyncadd.s32 $0xFFFFD880  }
0x37: {  	[tilespmem:s22], [sflag:$0x7] =	stream.linear.gather [hbm4b:s15+s2], $0x2780, $0x38;
	[tilespmem:$0x17700] =	vst v63  }
0x38: {  	_ =	swait.ge [sflag:s20], $0x2780  }
0x39: {  	[sflag:s20] =	ssyncset.done $0x0  }
0x3a: {  	s18 =	rddreg [dreg:$0x6];
	[sflag:s20] =	ssyncadd.s32 $0xFFFFD880  }
0x3b: {  	[tilespmem:s23], [sflag:$0x7] =	stream.linear.gather [hbm4b:s18+s2], $0x2780, $0x38;
	[tilespmem:$0x17700] =	vst v63  }
0x3c: {  	_ =	swait.ge [sflag:s20], $0x2780  }
0x3d: {  	[sflag:s20] =	ssyncset.done $0x0  }
0x3e: {  	s19 =	rddreg [dreg:$0x7];
	[sflag:s20] =	ssyncadd.s32 $0xFFFFD880  }
0x3f: {  	[tilespmem:s24], [sflag:$0x7] =	stream.linear.gather [hbm4b:s19+s2], $0x2780, $0x38;
	[tilespmem:$0x17700] =	vst v63  }
0x40: {  	_ =	swait.ge [sflag:s20], $0x2780  }
0x41: {  	[sflag:s20] =	ssyncset.done $0x0  }
0x42: {  	s11 =	rddreg [dreg:$0x8];
	[sflag:s20] =	ssyncadd.s32 $0xFFFFD880  }
0x43: {  	[tilespmem:s25], [sflag:$0x7] =	stream.linear.gather [hbm4b:s11+s2], $0x2780, $0x38;
	[tilespmem:$0x17700] =	vst v63  }
0x44: {  	_ =	swait.ge [sflag:s20], $0x2780  }
0x45: {  	[sflag:s20] =	ssyncset.done $0x0  }
0x46: {  	s12 =	rddreg [dreg:$0xa];
	[sflag:s20] =	ssyncadd.s32 $0xFFFFD880  }
0x47: {  	[tilespmem:s26], [sflag:$0x1] =	stream.linear.gather [hbm4b:s12+s2], $0x80, $0x38;
	[tilespmem:$0x17700] =	vst v63  }
0x48: {  	s11 =	simm.s32 $0xED80;
	s14 =	rddreg [dreg:$0xb]  }
0x49: {  	[tilespmem:s11], [sflag:$0x1] =	stream.linear.gather [hbm4b:s14+s2], $0x80, $0x38;
	[tilespmem:$0x17700] =	vst v63  }
0x4a: {  	s15 =	rddreg [dreg:$0xc]  }
0x4b: {  	[tilespmem:s29], [sflag:$0x4] =	stream.linear.gather [hbm4b:s15+s2], $0x80, $0x38;
	[tilespmem:$0x17700] =	vst v63  }
.Ltmp2:
0x4c: {  	s18 =	rddreg [dreg:$0xd];
	(pc) =	sbr.rel .LBB2_2-.Ltmp2, $4  }
0x4d: {  	s19 =	simm.s32 $0x13280;
	s10 =	rddreg [dreg:$0x9]  }
0x4e: {  	[tilespmem:s19], [sflag:$0x4] =	stream.linear.gather [hbm4b:s18+s2], $0x80, $0x38;
	[tilespmem:$0x17700] =	vst v63  }
0x4f: {  	s19 =	rddreg [dreg:$0x10]  }
0x50: {  	s14 =	simm.s32 $0x0;
	s18 =	rddreg [dreg:$0xf]  }
.LBB2_6:
0x51: {  	s14 =	sadd.s32 $0x400, s14  }
0x52: {  	p0 =	sne.s32 s14, $0xA000  }
.Ltmp3:
0x53: {  	_ = 	snop;
	(pc) =	sbr.rel @!p0 .LBB2_7-.Ltmp3, $2  }
0x54: {  	_ =	sdelay $0x2  }
0x55: {  	s18 =	sadd.s32 $0x20000, s18;
	s19 =	sadd.s32 $0x2000, s19;
	s10 =	sadd.s32 $0x40, s10  }
.LBB2_2:
0x56: {  	s15 =	sadd.s32 $0xFFFFFFE0, s10  }
0x57: {  	p0 =	sgt.u32 s15, $0x9C3  }
.Ltmp4:
0x58: {  	_ = 	snop;
	(pc) =	sbr.rel @p0 .LBB2_4-.Ltmp4, $1  }
0x59: {  	_ =	sdelay $0x3  }
0x5a: {  	_ =	swait.ge [sflag:s31], $0x80  }
0x5b: {  	[sflag:s31] =	ssyncset.done $0x0  }
0x5c: {  	[sflag:s31] =	ssyncadd.s32 $0xFFFFFF80  }
0x5d: {  	_ =	swait.ge [sflag:s31], $0x80  }
0x5e: {  	p0 =	seq.s32 s14, $0x0;
	[sflag:s31] =	ssyncset.done $0x0  }
0x5f: {  	s11 =	simm.s32 @!p0 $0x3;
	[sflag:s31] =	ssyncadd.s32 $0xFFFFFF80  }
0x60: {  	_ =	swait.ge @!p0 [sflag:s11], $0x4000  }
0x61: {  	[sflag:s11] =	ssyncset.done @!p0 $0x0  }
0x62: {  	[sflag:s11] =	ssyncadd.s32 @!p0 $0xFFFFC000  }
0x63: {  	_ =	swait.ge @!p0 [sflag:s11], $0x300  }
0x64: {  	[sflag:s11] =	ssyncset.done @!p0 $0x0  }
0x65: {  	[sflag:s11] =	ssyncadd.s32 @!p0 $0xFFFFFD00  }
0x66: {  	[tilespmem:s5], [sflag:$0x2] =	stream.indirect.gather [hbm4b:s1+s0], $0x80, s26, s0, $0xb8;
	[tilespmem:$0x17700] =	vst v63  }
0x67: {  	v0 =	vld [tilespmem:$0xED00];
	_ =	sdelay $0x7  }
0x68: {  	v1 =	vld.idx.msk [tilespmem:v0+s2+$0x0], $0xffff;
	_ =	sdelay $0x4  }
0x69: {  	[tilespmem:$0x12E00] =	vst v1  }
0x6a: {  	v1 =	vld.idx.msk [tilespmem:v0+s21+$0x0], $0xffff;
	_ =	sdelay $0x3  }
0x6b: {  	v2 =	vld [tilespmem:$0xED80]  }
0x6c: {  	[tilespmem:$0x12E80] =	vst v1  }
0x6d: {  	v0 =	vld.idx.msk [tilespmem:v0+s22+$0x0], $0xffff;
	_ =	sdelay $0x4  }
0x6e: {  	[tilespmem:$0x12F00] =	vst v0  }
0x6f: {  	v0 =	vld.idx.msk [tilespmem:v2+s23+$0x0], $0xffff;
	_ =	sdelay $0x4  }
0x70: {  	[tilespmem:$0x12F80] =	vst v0  }
0x71: {  	v0 =	vld.idx.msk [tilespmem:v2+s24+$0x0], $0xffff;
	_ =	sdelay $0x3  }
0x72: {  	v50 =	vld [tilespmem:$0xED10]  }
0x73: {  	[tilespmem:$0x13000] =	vst v0  }
0x74: {  	v0 =	vld.idx.msk [tilespmem:v2+s25+$0x0], $0xffff;
	_ =	sdelay $0x4  }
0x75: {  	[tilespmem:$0x13080] =	vst v0  }
0x76: {  	v0 =	vld.idx.msk [tilespmem:v50+s2+$0x0], $0xffff;
	_ =	sdelay $0x4  }
0x77: {  	[tilespmem:$0x12E10] =	vst v0  }
0x78: {  	v0 =	vld.idx.msk [tilespmem:v50+s21+$0x0], $0xffff;
	_ =	sdelay $0x3  }
0x79: {  	v51 =	vld [tilespmem:$0xED90]  }
0x7a: {  	[tilespmem:$0x12E90] =	vst v0  }
0x7b: {  	v0 =	vld.idx.msk [tilespmem:v50+s22+$0x0], $0xffff;
	_ =	sdelay $0x4  }
0x7c: {  	[tilespmem:$0x12F10] =	vst v0  }
0x7d: {  	v0 =	vld.idx.msk [tilespmem:v51+s23+$0x0], $0xffff;
	_ =	sdelay $0x4  }
0x7e: {  	[tilespmem:$0x12F90] =	vst v0  }
0x7f: {  	v0 =	vld.idx.msk [tilespmem:v51+s24+$0x0], $0xffff;
	_ =	sdelay $0x3  }
0x80: {  	v52 =	vld [tilespmem:$0xED20]  }
0x81: {  	[tilespmem:$0x13010] =	vst v0  }
0x82: {  	v0 =	vld.idx.msk [tilespmem:v51+s25+$0x0], $0xffff;
	_ =	sdelay $0x4  }
0x83: {  	[tilespmem:$0x13090] =	vst v0  }
0x84: {  	v0 =	vld.idx.msk [tilespmem:v52+s2+$0x0], $0xffff;
	_ =	sdelay $0x4  }
0x85: {  	[tilespmem:$0x12E20] =	vst v0  }
0x86: {  	v0 =	vld.idx.msk [tilespmem:v52+s21+$0x0], $0xffff;
	_ =	sdelay $0x3  }
0x87: {  	v53 =	vld [tilespmem:$0xEDA0]  }
0x88: {  	[tilespmem:$0x12EA0] =	vst v0  }
0x89: {  	v0 =	vld.idx.msk [tilespmem:v52+s22+$0x0], $0xffff;
	_ =	sdelay $0x4  }
0x8a: {  	[tilespmem:$0x12F20] =	vst v0  }
0x8b: {  	v0 =	vld.idx.msk [tilespmem:v53+s23+$0x0], $0xffff;
	_ =	sdelay $0x4  }
0x8c: {  	[tilespmem:$0x12FA0] =	vst v0  }
0x8d: {  	v0 =	vld.idx.msk [tilespmem:v53+s24+$0x0], $0xffff;
	_ =	sdelay $0x3  }
0x8e: {  	v54 =	vld [tilespmem:$0xED30]  }
0x8f: {  	[tilespmem:$0x13020] =	vst v0  }
0x90: {  	v0 =	vld.idx.msk [tilespmem:v53+s25+$0x0], $0xffff;
	_ =	sdelay $0x4  }
0x91: {  	[tilespmem:$0x130A0] =	vst v0  }
0x92: {  	v0 =	vld.idx.msk [tilespmem:v54+s2+$0x0], $0xffff;
	_ =	sdelay $0x4  }
0x93: {  	[tilespmem:$0x12E30] =	vst v0  }
0x94: {  	v0 =	vld.idx.msk [tilespmem:v54+s21+$0x0], $0xffff;
	_ =	sdelay $0x3  }
0x95: {  	v55 =	vld [tilespmem:$0xEDB0]  }
0x96: {  	[tilespmem:$0x12EB0] =	vst v0  }
0x97: {  	v0 =	vld.idx.msk [tilespmem:v54+s22+$0x0], $0xffff;
	_ =	sdelay $0x4  }
0x98: {  	[tilespmem:$0x12F30] =	vst v0  }
0x99: {  	v0 =	vld.idx.msk [tilespmem:v55+s23+$0x0], $0xffff;
	_ =	sdelay $0x4  }
0x9a: {  	[tilespmem:$0x12FB0] =	vst v0  }
0x9b: {  	v0 =	vld.idx.msk [tilespmem:v55+s24+$0x0], $0xffff;
	_ =	sdelay $0x3  }
0x9c: {  	v56 =	vld [tilespmem:$0xED40]  }
0x9d: {  	[tilespmem:$0x13030] =	vst v0  }
0x9e: {  	v0 =	vld.idx.msk [tilespmem:v55+s25+$0x0], $0xffff;
	_ =	sdelay $0x4  }
0x9f: {  	[tilespmem:$0x130B0] =	vst v0  }
0xa0: {  	v0 =	vld.idx.msk [tilespmem:v56+s2+$0x0], $0xffff;
	_ =	sdelay $0x4  }
0xa1: {  	[tilespmem:$0x12E40] =	vst v0  }
0xa2: {  	v0 =	vld.idx.msk [tilespmem:v56+s21+$0x0], $0xffff;
	_ =	sdelay $0x3  }
0xa3: {  	v57 =	vld [tilespmem:$0xEDC0]  }
0xa4: {  	[tilespmem:$0x12EC0] =	vst v0  }
0xa5: {  	v0 =	vld.idx.msk [tilespmem:v56+s22+$0x0], $0xffff;
	_ =	sdelay $0x4  }
0xa6: {  	[tilespmem:$0x12F40] =	vst v0  }
0xa7: {  	v0 =	vld.idx.msk [tilespmem:v57+s23+$0x0], $0xffff;
	_ =	sdelay $0x4  }
0xa8: {  	[tilespmem:$0x12FC0] =	vst v0  }
0xa9: {  	v0 =	vld.idx.msk [tilespmem:v57+s24+$0x0], $0xffff;
	_ =	sdelay $0x3  }
0xaa: {  	v58 =	vld [tilespmem:$0xED50]  }
0xab: {  	[tilespmem:$0x13040] =	vst v0  }
0xac: {  	v0 =	vld.idx.msk [tilespmem:v57+s25+$0x0], $0xffff;
	_ =	sdelay $0x4  }
0xad: {  	[tilespmem:$0x130C0] =	vst v0  }
0xae: {  	v0 =	vld.idx.msk [tilespmem:v58+s2+$0x0], $0xffff;
	_ =	sdelay $0x4  }
0xaf: {  	[tilespmem:$0x12E50] =	vst v0  }
0xb0: {  	v0 =	vld.idx.msk [tilespmem:v58+s21+$0x0], $0xffff;
	_ =	sdelay $0x3  }
0xb1: {  	v59 =	vld [tilespmem:$0xEDD0]  }
0xb2: {  	[tilespmem:$0x12ED0] =	vst v0  }
0xb3: {  	v0 =	vld.idx.msk [tilespmem:v58+s22+$0x0], $0xffff;
	_ =	sdelay $0x4  }
0xb4: {  	[tilespmem:$0x12F50] =	vst v0  }
0xb5: {  	v0 =	vld.idx.msk [tilespmem:v59+s23+$0x0], $0xffff;
	_ =	sdelay $0x4  }
0xb6: {  	[tilespmem:$0x12FD0] =	vst v0  }
0xb7: {  	v0 =	vld.idx.msk [tilespmem:v59+s24+$0x0], $0xffff;
	_ =	sdelay $0x3  }
0xb8: {  	v60 =	vld [tilespmem:$0xED60]  }
0xb9: {  	[tilespmem:$0x13050] =	vst v0  }
0xba: {  	v0 =	vld.idx.msk [tilespmem:v59+s25+$0x0], $0xffff;
	_ =	sdelay $0x4  }
0xbb: {  	[tilespmem:$0x130D0] =	vst v0  }
0xbc: {  	v0 =	vld.idx.msk [tilespmem:v60+s2+$0x0], $0xffff;
	_ =	sdelay $0x4  }
0xbd: {  	[tilespmem:$0x12E60] =	vst v0  }
0xbe: {  	v0 =	vld.idx.msk [tilespmem:v60+s21+$0x0], $0xffff;
	_ =	sdelay $0x3  }
0xbf: {  	v61 =	vld [tilespmem:$0xEDE0]  }
0xc0: {  	[tilespmem:$0x12EE0] =	vst v0  }
0xc1: {  	v0 =	vld.idx.msk [tilespmem:v60+s22+$0x0], $0xffff;
	_ =	sdelay $0x4  }
0xc2: {  	[tilespmem:$0x12F60] =	vst v0  }
0xc3: {  	v0 =	vld.idx.msk [tilespmem:v61+s23+$0x0], $0xffff;
	_ =	sdelay $0x4  }
0xc4: {  	[tilespmem:$0x12FE0] =	vst v0  }
0xc5: {  	v0 =	vld.idx.msk [tilespmem:v61+s24+$0x0], $0xffff;
	_ =	sdelay $0x3  }
0xc6: {  	v62 =	vld [tilespmem:$0xED70]  }
0xc7: {  	[tilespmem:$0x13060] =	vst v0  }
0xc8: {  	v0 =	vld.idx.msk [tilespmem:v61+s25+$0x0], $0xffff;
	_ =	sdelay $0x4  }
0xc9: {  	[tilespmem:$0x130E0] =	vst v0  }
0xca: {  	v0 =	vld.idx.msk [tilespmem:v62+s2+$0x0], $0xffff;
	_ =	sdelay $0x4  }
0xcb: {  	[tilespmem:$0x12E70] =	vst v0  }
0xcc: {  	v0 =	vld.idx.msk [tilespmem:v62+s21+$0x0], $0xffff;
	_ =	sdelay $0x3  }
0xcd: {  	v63 =	vld [tilespmem:$0xEDF0]  }
0xce: {  	[tilespmem:$0x12EF0] =	vst v0  }
0xcf: {  	v0 =	vld.idx.msk [tilespmem:v62+s22+$0x0], $0xffff;
	_ =	sdelay $0x4  }
0xd0: {  	[tilespmem:$0x12F70] =	vst v0  }
0xd1: {  	v0 =	vld.idx.msk [tilespmem:v63+s23+$0x0], $0xffff;
	_ =	sdelay $0x4  }
0xd2: {  	[tilespmem:$0x12FF0] =	vst v0  }
0xd3: {  	v0 =	vld.idx.msk [tilespmem:v63+s24+$0x0], $0xffff;
	_ =	sdelay $0x4  }
0xd4: {  	[tilespmem:$0x13070] =	vst v0  }
0xd5: {  	v0 =	vld.idx.msk [tilespmem:v63+s25+$0x0], $0xffff;
	_ =	sdelay $0x4  }
0xd6: {  	[tilespmem:$0x130F0] =	vst v0  }
0xd7: {  	_ =	swait.ge [sflag:s28], $0x4000  }
0xd8: {  	[sflag:s28] =	ssyncset.done $0x0  }
0xd9: {  	s12 =	sadd.s32 $0xFFFF0000, s18;
	[sflag:s28] =	ssyncadd.s32 $0xFFFFC000  }
0xda: {  	[hbm4b:s12+s2] =	stream.linear.scatter [tilespmem:s5], [sflag:$0x3], $0x4000, $0x38;
	[tilespmem:$0x17700] =	vst v63  }
0xdb: {  	p0 =	sgt.u32 s15, $0x983;
	s12 =	sadd.s32 $0xFFFFF000, s19  }
0xdc: {  	[hbm4b:s12+s30] =	stream.strided.scatter [tilespmem:s4], [sflag:$0x3], $0x0, s3, s30, $0x38;
	[tilespmem:$0x17700] =	vst v63  }
0xdd: {  	s11 =	sadd.s32 @!p0 s14, s17  }
0xde: {  	[hbm4b:s12+s2] =	stream.linear.scatter [tilespmem:s4], [sflag:$0x3], $0x300, $0x38;
	[tilespmem:$0x17700] =	vst v63  }
0xdf: {  	s15 =	simm.s32 @!p0 $0x0;
	s11 =	sadd.s32 @!p0 $0x400, s11;
	s12 =	simm.s32 @!p0 $0xED00  }
0xe0: {  	[tilespmem:s12], [sflag:$0x1] =	stream.linear.gather @!p0 [hbm4b:s11+s15], $0x80, $0x38;
	[tilespmem:$0x17700] =	vst v63  }
0xe1: {  	s11 =	sadd.s32 @!p0 s14, s16  }
0xe2: {  	s12 =	simm.s32 @!p0 $0xED80;
	s11 =	sadd.s32 @!p0 $0x400, s11  }
0xe3: {  	[tilespmem:s12], [sflag:$0x1] =	stream.linear.gather @!p0 [hbm4b:s11+s15], $0x80, $0x38;
	[tilespmem:$0x17700] =	vst v63  }
.LBB2_4:
0xe4: {  	p0 =	sgt.u32 s10, $0x9C3  }
.Ltmp5:
0xe5: {  	_ = 	snop;
	(pc) =	sbr.rel @p0 .LBB2_6-.Ltmp5, $1  }
0xe6: {  	_ =	sdelay $0x3  }
0xe7: {  	_ =	swait.ge [sflag:s6], $0x80  }
0xe8: {  	[sflag:s6] =	ssyncset.done $0x0  }
0xe9: {  	[sflag:s6] =	ssyncadd.s32 $0xFFFFFF80  }
0xea: {  	_ =	swait.ge [sflag:s6], $0x80  }
0xeb: {  	p0 =	seq.s32 s14, $0x0;
	[sflag:s6] =	ssyncset.done $0x0  }
0xec: {  	s11 =	simm.s32 @!p0 $0x6;
	[sflag:s6] =	ssyncadd.s32 $0xFFFFFF80  }
0xed: {  	_ =	swait.ge @!p0 [sflag:s11], $0x4000  }
0xee: {  	[sflag:s11] =	ssyncset.done @!p0 $0x0  }
0xef: {  	[sflag:s11] =	ssyncadd.s32 @!p0 $0xFFFFC000  }
0xf0: {  	_ =	swait.ge @!p0 [sflag:s11], $0x300  }
0xf1: {  	[sflag:s11] =	ssyncset.done @!p0 $0x0  }
0xf2: {  	[sflag:s11] =	ssyncadd.s32 @!p0 $0xFFFFFD00  }
0xf3: {  	[tilespmem:s7], [sflag:$0x5] =	stream.indirect.gather [hbm4b:s1+s0], $0x80, s29, s0, $0xb8;
	[tilespmem:$0x17700] =	vst v63  }
0xf4: {  	v0 =	vld [tilespmem:$0x13200];
	_ =	sdelay $0x7  }
0xf5: {  	v1 =	vld.idx.msk [tilespmem:v0+s2+$0x0], $0xffff;
	_ =	sdelay $0x4  }
0xf6: {  	[tilespmem:$0x17300] =	vst v1  }
0xf7: {  	v1 =	vld.idx.msk [tilespmem:v0+s21+$0x0], $0xffff;
	_ =	sdelay $0x3  }
0xf8: {  	v2 =	vld [tilespmem:$0x13280]  }
0xf9: {  	[tilespmem:$0x17380] =	vst v1  }
0xfa: {  	v0 =	vld.idx.msk [tilespmem:v0+s22+$0x0], $0xffff;
	_ =	sdelay $0x4  }
0xfb: {  	[tilespmem:$0x17400] =	vst v0  }
0xfc: {  	v0 =	vld.idx.msk [tilespmem:v2+s23+$0x0], $0xffff;
	_ =	sdelay $0x4  }
0xfd: {  	[tilespmem:$0x17480] =	vst v0  }
0xfe: {  	v0 =	vld.idx.msk [tilespmem:v2+s24+$0x0], $0xffff;
	_ =	sdelay $0x3  }
0xff: {  	v50 =	vld [tilespmem:$0x13210]  }
0x100: {  	[tilespmem:$0x17500] =	vst v0  }
0x101: {  	v0 =	vld.idx.msk [tilespmem:v2+s25+$0x0], $0xffff;
	_ =	sdelay $0x4  }
0x102: {  	[tilespmem:$0x17580] =	vst v0  }
0x103: {  	v0 =	vld.idx.msk [tilespmem:v50+s2+$0x0], $0xffff;
	_ =	sdelay $0x4  }
0x104: {  	[tilespmem:$0x17310] =	vst v0  }
0x105: {  	v0 =	vld.idx.msk [tilespmem:v50+s21+$0x0], $0xffff;
	_ =	sdelay $0x3  }
0x106: {  	v51 =	vld [tilespmem:$0x13290]  }
0x107: {  	[tilespmem:$0x17390] =	vst v0  }
0x108: {  	v0 =	vld.idx.msk [tilespmem:v50+s22+$0x0], $0xffff;
	_ =	sdelay $0x4  }
0x109: {  	[tilespmem:$0x17410] =	vst v0  }
0x10a: {  	v0 =	vld.idx.msk [tilespmem:v51+s23+$0x0], $0xffff;
	_ =	sdelay $0x4  }
0x10b: {  	[tilespmem:$0x17490] =	vst v0  }
0x10c: {  	v0 =	vld.idx.msk [tilespmem:v51+s24+$0x0], $0xffff;
	_ =	sdelay $0x3  }
0x10d: {  	v52 =	vld [tilespmem:$0x13220]  }
0x10e: {  	[tilespmem:$0x17510] =	vst v0  }
0x10f: {  	v0 =	vld.idx.msk [tilespmem:v51+s25+$0x0], $0xffff;
	_ =	sdelay $0x4  }
0x110: {  	[tilespmem:$0x17590] =	vst v0  }
0x111: {  	v0 =	vld.idx.msk [tilespmem:v52+s2+$0x0], $0xffff;
	_ =	sdelay $0x4  }
0x112: {  	[tilespmem:$0x17320] =	vst v0  }
0x113: {  	v0 =	vld.idx.msk [tilespmem:v52+s21+$0x0], $0xffff;
	_ =	sdelay $0x3  }
0x114: {  	v53 =	vld [tilespmem:$0x132A0]  }
0x115: {  	[tilespmem:$0x173A0] =	vst v0  }
0x116: {  	v0 =	vld.idx.msk [tilespmem:v52+s22+$0x0], $0xffff;
	_ =	sdelay $0x4  }
0x117: {  	[tilespmem:$0x17420] =	vst v0  }
0x118: {  	v0 =	vld.idx.msk [tilespmem:v53+s23+$0x0], $0xffff;
	_ =	sdelay $0x4  }
0x119: {  	[tilespmem:$0x174A0] =	vst v0  }
0x11a: {  	v0 =	vld.idx.msk [tilespmem:v53+s24+$0x0], $0xffff;
	_ =	sdelay $0x3  }
0x11b: {  	v54 =	vld [tilespmem:$0x13230]  }
0x11c: {  	[tilespmem:$0x17520] =	vst v0  }
0x11d: {  	v0 =	vld.idx.msk [tilespmem:v53+s25+$0x0], $0xffff;
	_ =	sdelay $0x4  }
0x11e: {  	[tilespmem:$0x175A0] =	vst v0  }
0x11f: {  	v0 =	vld.idx.msk [tilespmem:v54+s2+$0x0], $0xffff;
	_ =	sdelay $0x4  }
0x120: {  	[tilespmem:$0x17330] =	vst v0  }
0x121: {  	v0 =	vld.idx.msk [tilespmem:v54+s21+$0x0], $0xffff;
	_ =	sdelay $0x3  }
0x122: {  	v55 =	vld [tilespmem:$0x132B0]  }
0x123: {  	[tilespmem:$0x173B0] =	vst v0  }
0x124: {  	v0 =	vld.idx.msk [tilespmem:v54+s22+$0x0], $0xffff;
	_ =	sdelay $0x4  }
0x125: {  	[tilespmem:$0x17430] =	vst v0  }
0x126: {  	v0 =	vld.idx.msk [tilespmem:v55+s23+$0x0], $0xffff;
	_ =	sdelay $0x4  }
0x127: {  	[tilespmem:$0x174B0] =	vst v0  }
0x128: {  	v0 =	vld.idx.msk [tilespmem:v55+s24+$0x0], $0xffff;
	_ =	sdelay $0x3  }
0x129: {  	v56 =	vld [tilespmem:$0x13240]  }
0x12a: {  	[tilespmem:$0x17530] =	vst v0  }
0x12b: {  	v0 =	vld.idx.msk [tilespmem:v55+s25+$0x0], $0xffff;
	_ =	sdelay $0x4  }
0x12c: {  	[tilespmem:$0x175B0] =	vst v0  }
0x12d: {  	v0 =	vld.idx.msk [tilespmem:v56+s2+$0x0], $0xffff;
	_ =	sdelay $0x4  }
0x12e: {  	[tilespmem:$0x17340] =	vst v0  }
0x12f: {  	v0 =	vld.idx.msk [tilespmem:v56+s21+$0x0], $0xffff;
	_ =	sdelay $0x3  }
0x130: {  	v57 =	vld [tilespmem:$0x132C0]  }
0x131: {  	[tilespmem:$0x173C0] =	vst v0  }
0x132: {  	v0 =	vld.idx.msk [tilespmem:v56+s22+$0x0], $0xffff;
	_ =	sdelay $0x4  }
0x133: {  	[tilespmem:$0x17440] =	vst v0  }
0x134: {  	v0 =	vld.idx.msk [tilespmem:v57+s23+$0x0], $0xffff;
	_ =	sdelay $0x4  }
0x135: {  	[tilespmem:$0x174C0] =	vst v0  }
0x136: {  	v0 =	vld.idx.msk [tilespmem:v57+s24+$0x0], $0xffff;
	_ =	sdelay $0x3  }
0x137: {  	v58 =	vld [tilespmem:$0x13250]  }
0x138: {  	[tilespmem:$0x17540] =	vst v0  }
0x139: {  	v0 =	vld.idx.msk [tilespmem:v57+s25+$0x0], $0xffff;
	_ =	sdelay $0x4  }
0x13a: {  	[tilespmem:$0x175C0] =	vst v0  }
0x13b: {  	v0 =	vld.idx.msk [tilespmem:v58+s2+$0x0], $0xffff;
	_ =	sdelay $0x4  }
0x13c: {  	[tilespmem:$0x17350] =	vst v0  }
0x13d: {  	v0 =	vld.idx.msk [tilespmem:v58+s21+$0x0], $0xffff;
	_ =	sdelay $0x3  }
0x13e: {  	v59 =	vld [tilespmem:$0x132D0]  }
0x13f: {  	[tilespmem:$0x173D0] =	vst v0  }
0x140: {  	v0 =	vld.idx.msk [tilespmem:v58+s22+$0x0], $0xffff;
	_ =	sdelay $0x4  }
0x141: {  	[tilespmem:$0x17450] =	vst v0  }
0x142: {  	v0 =	vld.idx.msk [tilespmem:v59+s23+$0x0], $0xffff;
	_ =	sdelay $0x4  }
0x143: {  	[tilespmem:$0x174D0] =	vst v0  }
0x144: {  	v0 =	vld.idx.msk [tilespmem:v59+s24+$0x0], $0xffff;
	_ =	sdelay $0x3  }
0x145: {  	v60 =	vld [tilespmem:$0x13260]  }
0x146: {  	[tilespmem:$0x17550] =	vst v0  }
0x147: {  	v0 =	vld.idx.msk [tilespmem:v59+s25+$0x0], $0xffff;
	_ =	sdelay $0x4  }
0x148: {  	[tilespmem:$0x175D0] =	vst v0  }
0x149: {  	v0 =	vld.idx.msk [tilespmem:v60+s2+$0x0], $0xffff;
	_ =	sdelay $0x4  }
0x14a: {  	[tilespmem:$0x17360] =	vst v0  }
0x14b: {  	v0 =	vld.idx.msk [tilespmem:v60+s21+$0x0], $0xffff;
	_ =	sdelay $0x3  }
0x14c: {  	v61 =	vld [tilespmem:$0x132E0]  }
0x14d: {  	[tilespmem:$0x173E0] =	vst v0  }
0x14e: {  	v0 =	vld.idx.msk [tilespmem:v60+s22+$0x0], $0xffff;
	_ =	sdelay $0x4  }
0x14f: {  	[tilespmem:$0x17460] =	vst v0  }
0x150: {  	v0 =	vld.idx.msk [tilespmem:v61+s23+$0x0], $0xffff;
	_ =	sdelay $0x4  }
0x151: {  	[tilespmem:$0x174E0] =	vst v0  }
0x152: {  	v0 =	vld.idx.msk [tilespmem:v61+s24+$0x0], $0xffff;
	_ =	sdelay $0x3  }
0x153: {  	v62 =	vld [tilespmem:$0x13270]  }
0x154: {  	[tilespmem:$0x17560] =	vst v0  }
0x155: {  	v0 =	vld.idx.msk [tilespmem:v61+s25+$0x0], $0xffff;
	_ =	sdelay $0x4  }
0x156: {  	[tilespmem:$0x175E0] =	vst v0  }
0x157: {  	v0 =	vld.idx.msk [tilespmem:v62+s2+$0x0], $0xffff;
	_ =	sdelay $0x4  }
0x158: {  	[tilespmem:$0x17370] =	vst v0  }
0x159: {  	v0 =	vld.idx.msk [tilespmem:v62+s21+$0x0], $0xffff;
	_ =	sdelay $0x3  }
0x15a: {  	v63 =	vld [tilespmem:$0x132F0]  }
0x15b: {  	[tilespmem:$0x173F0] =	vst v0  }
0x15c: {  	v0 =	vld.idx.msk [tilespmem:v62+s22+$0x0], $0xffff;
	_ =	sdelay $0x4  }
0x15d: {  	[tilespmem:$0x17470] =	vst v0  }
0x15e: {  	v0 =	vld.idx.msk [tilespmem:v63+s23+$0x0], $0xffff;
	_ =	sdelay $0x4  }
0x15f: {  	[tilespmem:$0x174F0] =	vst v0  }
0x160: {  	v0 =	vld.idx.msk [tilespmem:v63+s24+$0x0], $0xffff;
	_ =	sdelay $0x4  }
0x161: {  	[tilespmem:$0x17570] =	vst v0  }
0x162: {  	v0 =	vld.idx.msk [tilespmem:v63+s25+$0x0], $0xffff;
	_ =	sdelay $0x4  }
0x163: {  	[tilespmem:$0x175F0] =	vst v0  }
0x164: {  	_ =	swait.ge [sflag:s8], $0x4000  }
0x165: {  	[sflag:s8] =	ssyncset.done $0x0  }
0x166: {  	[sflag:s8] =	ssyncadd.s32 $0xFFFFC000  }
0x167: {  	[hbm4b:s18+s2] =	stream.linear.scatter [tilespmem:s7], [sflag:$0x6], $0x4000, $0x38;
	[tilespmem:$0x17700] =	vst v63  }
0x168: {  	p0 =	sgt.u32 s10, $0x983  }
0x169: {  	[hbm4b:s19+s30] =	stream.strided.scatter [tilespmem:s9], [sflag:$0x6], $0x0, s3, s30, $0x38;
	[tilespmem:$0x17700] =	vst v63  }
0x16a: {  	s11 =	sadd.s32 @!p0 s14, s17;
	s12 =	simm.s32 @!p0 $0x0  }
0x16b: {  	[hbm4b:s19+s2] =	stream.linear.scatter [tilespmem:s9], [sflag:$0x6], $0x300, $0x38;
	[tilespmem:$0x17700] =	vst v63  }
.Ltmp6:
0x16c: {  	s15 =	simm.s32 @!p0 $0x13200;
	s11 =	sadd.s32 @!p0 $0x600, s11;
	(pc) =	sbr.rel .LBB2_6-.Ltmp6, $4  }
0x16d: {  	[tilespmem:s15], [sflag:$0x4] =	stream.linear.gather @!p0 [hbm4b:s11+s12], $0x80, $0x38;
	[tilespmem:$0x17700] =	vst v63  }
0x16e: {  	s11 =	sadd.s32 @!p0 s14, s16  }
0x16f: {  	s15 =	simm.s32 @!p0 $0x13280;
	s11 =	sadd.s32 @!p0 $0x600, s11  }
0x170: {  	[tilespmem:s15], [sflag:$0x4] =	stream.linear.gather @!p0 [hbm4b:s11+s12], $0x80, $0x38;
	[tilespmem:$0x17700] =	vst v63  }
.LBB2_8:
0x171: {  	_ =	sfence.sel $0x180000  }
0x172: {  	[bflag:$0x0] =	sbarrier.arrive $0xFFFF  }
0x173: {  	_ =	strace $0x90000047  }
0x174: {  	s0 =	stileid.u32;
	[bflag:$0x2] =	sbarrier.arrive $0xFFFF  }
0x175: {  	p0 =	sne.s32 s0, $0x0;
	s0 =	rddreg [dreg:$0x2]  }
0x176: {  	s0 =	sadd.s32 @!p0 $0x100000, s0  }
0x177: {  	[sflag:s0] =	ssyncadd.tile.s32 @!p0 $0x1;
	_ =	shalt  }
.Lfunc_end2:
_tile_overlayer_lowered:
.L_overlay_start_2:
0x178: {  	(tag) =	ssettag $0x2  }
0x179: {  	s0 =	rddreg [dreg:$0x0];
	s2 =	stileid.u32  }
0x17a: {  	s1 =	rddreg [dreg:$0x1];
	p0 =	sne.s32 s2, $0x0  }
0x17b: {  	s3 =	rddreg [dreg:$0x2];
	[bflag:$0x3] =	sbarrier.arrive $0xFFFF;
	s2 =	simm.s32 @!p0 $0x1C07  }
0x17c: {  	[timem:s3], [sflag:s2] =	dma.local @!p0 [hbm:s0], s1  }
0x17d: {  	s0 =	simm.s32 @!p0 $0x7  }
0x17e: {  	_ =	swait.ge @!p0 [sflag:s0], s1  }
0x17f: {  	s1 =	ssub.s32 @!p0 $0x0, s1;
	[sflag:s0] =	ssyncset.done @!p0 $0x0  }
0x180: {  	[sflag:s0] =	ssyncadd.s32 @!p0 s1  }
0x181: {  	[bflag:$0x3] =	sbarrier.arrive $0xFFFF  }
0x182: {  	_ =	shalt  }

</sc_bundles>
